<compile_context>
chip_gen: v7x
topology: tpu7x:2x2x1
jax: 0.10.2.dev20260603
libtpu: 0.0.44.dev20260713+nightly
codegen_flags: <defaults>
</compile_context>

<pallas_src>
import functools

import jax
import jax.numpy as jnp
from jax import lax
from jax.experimental import pallas as pl
from jax.experimental.pallas import tpu as pltpu
from jax.experimental.pallas import tpu_sc as plsc

NN = 10000
EE = 320000
DIM = 128
HEADS = 4

NC, NS = 2, 16
NW = NC * NS
EW = EE // NW
CH = 80
ITERS = EW // CH

EB = 2560
GE = EE // EB
NB = 2000
GN = NN // NB


def _silu(x):
    return x * jax.nn.sigmoid(x)


def _sc_mesh():
    return plsc.VectorSubcoreMesh(core_axis_name="c", subcore_axis_name="s",
                                  num_cores=NC, num_subcores=NS)



def _gather_pair(table, iarr, jarr, d):
    out = jax.ShapeDtypeStruct((EE, d), jnp.float32)

    @functools.partial(
        pl.kernel,
        out_type=(out, out),
        mesh=_sc_mesh(),
        compiler_params=pltpu.CompilerParams(use_tc_tiling_on_sc=False),
        scratch_types=[
            pltpu.VMEM((CH,), jnp.int32),
            pltpu.VMEM((CH,), jnp.int32),
            pltpu.VMEM((CH, d), jnp.float32),
            pltpu.VMEM((CH, d), jnp.float32),
            pltpu.SemaphoreType.DMA,
            pltpu.SemaphoreType.DMA,
        ],
    )
    def k(table_hbm, i_hbm, j_hbm, oi_hbm, oj_hbm, iv, jv, ri, rj, s1, s2):
        wid = lax.axis_index("s") * NC + lax.axis_index("c")

        def body(t, carry):
            base = wid * EW + t * CH
            pltpu.sync_copy(i_hbm.at[pl.ds(base, CH)], iv)
            pltpu.sync_copy(j_hbm.at[pl.ds(base, CH)], jv)
            c1 = pltpu.async_copy(table_hbm.at[iv], ri, s1)
            c2 = pltpu.async_copy(table_hbm.at[jv], rj, s2)
            c1.wait()
            c2.wait()
            pltpu.sync_copy(ri, oi_hbm.at[pl.ds(base, CH)])
            pltpu.sync_copy(rj, oj_hbm.at[pl.ds(base, CH)])
            return carry

        lax.fori_loop(0, ITERS, body, 0, unroll=False)

    return k(table, iarr, jarr)


def _gather_one(table, iarr, d):

    @functools.partial(
        pl.kernel,
        out_type=jax.ShapeDtypeStruct((EE, d), jnp.float32),
        mesh=_sc_mesh(),
        compiler_params=pltpu.CompilerParams(use_tc_tiling_on_sc=False),
        scratch_types=[
            pltpu.VMEM((CH,), jnp.int32),
            pltpu.VMEM((CH, d), jnp.float32),
            pltpu.SemaphoreType.DMA,
        ],
    )
    def k(table_hbm, i_hbm, oi_hbm, iv, ri, s1):
        wid = lax.axis_index("s") * NC + lax.axis_index("c")

        def body(t, carry):
            base = wid * EW + t * CH
            pltpu.sync_copy(i_hbm.at[pl.ds(base, CH)], iv)
            pltpu.async_copy(table_hbm.at[iv], ri, s1).wait()
            pltpu.sync_copy(ri, oi_hbm.at[pl.ds(base, CH)])
            return carry

        lax.fori_loop(0, ITERS, body, 0, unroll=False)

    return k(table, iarr)


def _scatter_add(vals, iarr, d):
    zeros = jnp.zeros((NN, d), jnp.float32)

    @functools.partial(
        pl.kernel,
        out_type=jax.ShapeDtypeStruct((NC, NN, d), jnp.float32),
        mesh=_sc_mesh(),
        compiler_params=pltpu.CompilerParams(use_tc_tiling_on_sc=False),
        scratch_types=[
            pltpu.VMEM((1, CH), jnp.int32),
            pltpu.VMEM((CH, d), jnp.float32),
            pltpu.VMEM_SHARED((NN, d), jnp.float32),
        ],
    )
    def k(vals_hbm, i_hbm, z_hbm, out_hbm, iv, vv, acc):
        cid = lax.axis_index("c")
        sid = lax.axis_index("s")
        wid = sid * NC + cid

        @pl.when(sid == 0)
        def _():
            pltpu.sync_copy(z_hbm, acc)

        plsc.subcore_barrier()

        def body(t, carry):
            base = wid * EW + t * CH
            pltpu.sync_copy(i_hbm.at[pl.ds(base, CH)], iv.at[0])
            pltpu.sync_copy(vals_hbm.at[pl.ds(base, CH)], vv)
            pltpu.sync_copy(vv, acc.at[iv.at[0]], add=True)
            return carry

        lax.fori_loop(0, ITERS, body, 0, unroll=False)
        plsc.subcore_barrier()

        @pl.when(sid == 0)
        def _():
            pltpu.sync_copy(acc, out_hbm.at[cid])

    return k(vals, iarr, zeros)



def _pass1_body(xi, xj, ea, w, a1, a2, alpha_ref, ssum_ref, smax_ref):
    e = pl.program_id(0)
    wx = w[0:DIM, :]
    we = w[DIM:2 * DIM, :]
    eaw = jnp.dot(ea[...].astype(jnp.bfloat16), we,
                  preferred_element_type=jnp.float32)
    ni = _silu(jnp.dot(xi[...].astype(jnp.bfloat16), wx,
                       preferred_element_type=jnp.float32) + eaw)
    nj = _silu(jnp.dot(xj[...].astype(jnp.bfloat16), wx,
                       preferred_element_type=jnp.float32) + eaw)
    cols = []
    for h in range(HEADS):
        sl = slice(h * DIM, (h + 1) * DIM)
        a_h = jnp.sum(ni[:, sl] * a1[h, :][None, :]
                      + nj[:, sl] * a2[h, :][None, :], axis=1)
        cols.append(a_h)
    a = _silu(jnp.stack(cols, axis=1))
    alpha_ref[...] = a
    s1 = jnp.sum(a, axis=0)
    s2 = jnp.sum(a * a, axis=0)
    mx = jnp.max(a, axis=0)
    mn = jnp.min(a, axis=0)
    padz = jnp.zeros((128 - HEADS,), jnp.float32)
    row = lambda v: jnp.concatenate([v, padz])[None, :]
    blk_sum = jnp.concatenate(
        [row(s1), row(s2), jnp.zeros((6, 128), jnp.float32)], axis=0)
    padm = jnp.full((128 - HEADS,), -1e30, jnp.float32)
    rowm = lambda v: jnp.concatenate([v, padm])[None, :]
    blk_max = jnp.concatenate(
        [rowm(mx), rowm(-mn), jnp.full((6, 128), -1e30, jnp.float32)], axis=0)

    @pl.when(e == 0)
    def _():
        ssum_ref[...] = jnp.zeros_like(ssum_ref)
        smax_ref[...] = jnp.full_like(smax_ref, -1e30)

    ssum_ref[...] = ssum_ref[...] + blk_sum
    smax_ref[...] = jnp.maximum(smax_ref[...], blk_max)


def _ex_body(alpha, prm, ex_ref):
    a = alpha[...]
    scale = prm[0:1, :HEADS]
    shift = prm[1:2, :HEADS]
    u = prm[2:3, :HEADS]
    ab = _silu(a * scale + shift)
    ex_ref[...] = jnp.concatenate(
        [jnp.exp(ab - u), jnp.zeros((a.shape[0], 16 - HEADS), jnp.float32)],
        axis=1)


def _den_body(denp, inv_ref):
    d = denp[0] + denp[1]
    inv_ref[...] = 1.0 / (d + 1e-16)


def _msg_body(xj, ea, w, ex, deni, msg_ref):
    wx = w[0:DIM, :]
    we = w[DIM:2 * DIM, :]
    eaw = jnp.dot(ea[...].astype(jnp.bfloat16), we,
                  preferred_element_type=jnp.float32)
    nj = _silu(jnp.dot(xj[...].astype(jnp.bfloat16), wx,
                       preferred_element_type=jnp.float32) + eaw)
    exv = ex[...]
    dv = deni[...]
    acc = jnp.zeros((EB, DIM), jnp.float32)
    for h in range(HEADS):
        w_h = exv[:, h] * dv[:, h]
        acc = acc + nj[:, h * DIM:(h + 1) * DIM] * w_h[:, None]
    msg_ref[...] = acc * (1.0 / HEADS)


def _node_body(nf, p0, p1, bias, out_ref):
    out_ref[...] = nf[...] + p0[...] + p1[...] + bias[0:1, :]


def _edge_body(ni, nj, ea, wf, ws, bfb, bsb, m_ref, stat_ref):
    e = pl.program_id(0)
    niv = ni[...].astype(jnp.bfloat16)
    njv = nj[...].astype(jnp.bfloat16)
    eav = ea[...].astype(jnp.bfloat16)
    zf = (jnp.dot(niv, wf[0:DIM, :], preferred_element_type=jnp.float32)
          + jnp.dot(njv, wf[DIM:2 * DIM, :], preferred_element_type=jnp.float32)
          + jnp.dot(eav, wf[2 * DIM:3 * DIM, :], preferred_element_type=jnp.float32)
          + bfb[0:1, :])
    zs = (jnp.dot(niv, ws[0:DIM, :], preferred_element_type=jnp.float32)
          + jnp.dot(njv, ws[DIM:2 * DIM, :], preferred_element_type=jnp.float32)
          + jnp.dot(eav, ws[2 * DIM:3 * DIM, :], preferred_element_type=jnp.float32)
          + bsb[0:1, :])
    m = jax.nn.sigmoid(zf) * jax.nn.softplus(zs)
    m_ref[...] = m.astype(jnp.bfloat16)
    s1 = jnp.sum(m, axis=0)
    s2 = jnp.sum(m * m, axis=0)
    blk = jnp.concatenate([s1[None, :], s2[None, :],
                           jnp.zeros((6, DIM), jnp.float32)], axis=0)

    @pl.when(e == 0)
    def _():
        stat_ref[...] = jnp.zeros_like(stat_ref)

    stat_ref[...] = stat_ref[...] + blk


def _edge_out_body(ea, m, sc, sh, out_ref):
    out_ref[...] = ea[...] + m[...].astype(jnp.float32) * sc[0:1, :] + sh[0:1, :]



def _pass1(xi, xj, ea, w, a1, a2):
    return pl.pallas_call(
        _pass1_body,
        grid=(GE,),
        in_specs=[
            pl.BlockSpec((EB, DIM), lambda e: (e, 0)),
            pl.BlockSpec((EB, DIM), lambda e: (e, 0)),
            pl.BlockSpec((EB, DIM), lambda e: (e, 0)),
            pl.BlockSpec((2 * DIM, HEADS * DIM), lambda e: (0, 0)),
            pl.BlockSpec((HEADS, DIM), lambda e: (0, 0)),
            pl.BlockSpec((HEADS, DIM), lambda e: (0, 0)),
        ],
        out_specs=[
            pl.BlockSpec((EB, HEADS), lambda e: (e, 0)),
            pl.BlockSpec((8, 128), lambda e: (0, 0)),
            pl.BlockSpec((8, 128), lambda e: (0, 0)),
        ],
        out_shape=[
            jax.ShapeDtypeStruct((EE, HEADS), jnp.float32),
            jax.ShapeDtypeStruct((8, 128), jnp.float32),
            jax.ShapeDtypeStruct((8, 128), jnp.float32),
        ],
    )(xi, xj, ea, w, a1, a2)


def _ex(alpha, prm):
    return pl.pallas_call(
        _ex_body,
        grid=(GE,),
        in_specs=[
            pl.BlockSpec((EB, HEADS), lambda e: (e, 0)),
            pl.BlockSpec((8, 128), lambda e: (0, 0)),
        ],
        out_specs=pl.BlockSpec((EB, 16), lambda e: (e, 0)),
        out_shape=jax.ShapeDtypeStruct((EE, 16), jnp.float32),
    )(alpha, prm)


def _den(denp):
    return pl.pallas_call(
        _den_body,
        out_shape=jax.ShapeDtypeStruct((NN, 16), jnp.float32),
    )(denp)


def _msg(xj, ea, w, ex, deni):
    return pl.pallas_call(
        _msg_body,
        grid=(GE,),
        in_specs=[
            pl.BlockSpec((EB, DIM), lambda e: (e, 0)),
            pl.BlockSpec((EB, DIM), lambda e: (e, 0)),
            pl.BlockSpec((2 * DIM, HEADS * DIM), lambda e: (0, 0)),
            pl.BlockSpec((EB, 16), lambda e: (e, 0)),
            pl.BlockSpec((EB, 16), lambda e: (e, 0)),
        ],
        out_specs=pl.BlockSpec((EB, DIM), lambda e: (e, 0)),
        out_shape=jax.ShapeDtypeStruct((EE, DIM), jnp.float32),
    )(xj, ea, w, ex, deni)


def _node(nf, p0, p1, bias):
    return pl.pallas_call(
        _node_body,
        grid=(GN,),
        in_specs=[
            pl.BlockSpec((NB, DIM), lambda n: (n, 0)),
            pl.BlockSpec((NB, DIM), lambda n: (n, 0)),
            pl.BlockSpec((NB, DIM), lambda n: (n, 0)),
            pl.BlockSpec((8, 128), lambda n: (0, 0)),
        ],
        out_specs=pl.BlockSpec((NB, DIM), lambda n: (n, 0)),
        out_shape=jax.ShapeDtypeStruct((NN, DIM), jnp.float32),
    )(nf, p0, p1, bias)


def _edge(ni, nj, ea, wf, ws, bfb, bsb):
    return pl.pallas_call(
        _edge_body,
        grid=(GE,),
        in_specs=[
            pl.BlockSpec((EB, DIM), lambda e: (e, 0)),
            pl.BlockSpec((EB, DIM), lambda e: (e, 0)),
            pl.BlockSpec((EB, DIM), lambda e: (e, 0)),
            pl.BlockSpec((3 * DIM, DIM), lambda e: (0, 0)),
            pl.BlockSpec((3 * DIM, DIM), lambda e: (0, 0)),
            pl.BlockSpec((8, 128), lambda e: (0, 0)),
            pl.BlockSpec((8, 128), lambda e: (0, 0)),
        ],
        out_specs=[
            pl.BlockSpec((EB, DIM), lambda e: (e, 0)),
            pl.BlockSpec((8, 128), lambda e: (0, 0)),
        ],
        out_shape=[
            jax.ShapeDtypeStruct((EE, DIM), jnp.bfloat16),
            jax.ShapeDtypeStruct((8, 128), jnp.float32),
        ],
    )(ni, nj, ea, wf, ws, bfb, bsb)


def _edge_out(ea, m, sc, sh):
    return pl.pallas_call(
        _edge_out_body,
        grid=(GE,),
        in_specs=[
            pl.BlockSpec((EB, DIM), lambda e: (e, 0)),
            pl.BlockSpec((EB, DIM), lambda e: (e, 0)),
            pl.BlockSpec((8, 128), lambda e: (0, 0)),
            pl.BlockSpec((8, 128), lambda e: (0, 0)),
        ],
        out_specs=pl.BlockSpec((EB, DIM), lambda e: (e, 0)),
        out_shape=jax.ShapeDtypeStruct((EE, DIM), jnp.float32),
    )(ea, m, sc, sh)


def _pad8(v):
    return jnp.zeros((8, 128), jnp.float32).at[0, :v.shape[0]].set(v)




def kernel(node_feats, edge_index, edge_attr, W, att, bias, bn_node_g,
           bn_node_b, Wf, bf, Ws, bs, bn_edge_g, bn_edge_b):
    i = edge_index[0]
    j = edge_index[1]
    att2d = att.reshape(HEADS, 2 * DIM)
    a1 = att2d[:, :DIM]
    a2 = att2d[:, DIM:]
    w_bf = W.astype(jnp.bfloat16)

    xi, xj = _gather_pair(node_feats, i, j, DIM)

    alpha_raw, ssum, smax = _pass1(xi, xj, edge_attr, w_bf, a1, a2)

    e_f = float(EE)
    s1 = ssum[0, :HEADS]
    s2 = ssum[1, :HEADS]
    mean = s1 / e_f
    var = s2 / e_f - mean * mean
    scale = bn_node_g / jnp.sqrt(var + 1e-5)
    shift = bn_node_b - mean * scale
    zx = smax[0, :HEADS] * scale + shift
    zn = (-smax[1, :HEADS]) * scale + shift
    u = jnp.maximum(_silu(zx), _silu(zn))
    prm = jnp.zeros((8, 128), jnp.float32)
    prm = prm.at[0, :HEADS].set(scale).at[1, :HEADS].set(shift).at[2, :HEADS].set(u)

    ex = _ex(alpha_raw, prm)

    denp = _scatter_add(ex, i, 16)
    invden = _den(denp)
    deni = _gather_one(invden, i, 16)

    msg = _msg(xj, edge_attr, w_bf, ex, deni)
    nodep = _scatter_add(msg, i, DIM)
    node_feat = _node(node_feats, nodep[0], nodep[1], _pad8(bias))

    ni2, nj2 = _gather_pair(node_feat, i, j, DIM)
    m_bf, stat = _edge(ni2, nj2, edge_attr,
                       Wf.astype(jnp.bfloat16), Ws.astype(jnp.bfloat16),
                       _pad8(bf), _pad8(bs))
    mean2 = stat[0] / e_f
    var2 = stat[1] / e_f - mean2 * mean2
    scale2 = bn_edge_g / jnp.sqrt(var2 + 1e-5)
    shift2 = bn_edge_b - mean2 * scale2
    edge_feat = _edge_out(edge_attr, m_bf, _pad8(scale2), _pad8(shift2))

    return node_feat, edge_feat

# --- scband reference (transcript-rebuilt; emitter-appended) ---
"""Pipeline reference for scband-gcpnet-68401649156277 (READ-ONLY COPY).

The authoritative reference and input builder live on the scoring server;
editing this copy changes nothing except your own understanding.
"""

import jax, jax.numpy as jnp
import numpy as np

N = 10000
E = 320000
DIM = 128
HEADS = 4


def setup_inputs(seed: int = 0) -> dict:
    key = jax.random.key(seed)
    ks = jax.random.split(key, 12)
    node_feats = jax.random.normal(ks[0], (N, DIM), dtype=jnp.float32)
    edge_index = jax.random.randint(ks[1], (2, E), 0, N, dtype=jnp.int32)
    edge_attr = jax.random.normal(ks[2], (E, DIM), dtype=jnp.float32)
    W = jax.random.normal(ks[3], (2 * DIM, HEADS * DIM), dtype=jnp.float32) * 0.05
    att = jax.random.normal(ks[4], (1, HEADS, 2 * DIM), dtype=jnp.float32) * 0.05
    bias = jnp.zeros((DIM,), dtype=jnp.float32)
    bn_node_g = jnp.ones((HEADS,), dtype=jnp.float32)
    bn_node_b = jnp.zeros((HEADS,), dtype=jnp.float32)
    Wf = jax.random.normal(ks[5], (3 * DIM, DIM), dtype=jnp.float32) * 0.05
    bf = jnp.zeros((DIM,), dtype=jnp.float32)
    Ws = jax.random.normal(ks[6], (3 * DIM, DIM), dtype=jnp.float32) * 0.05
    bs = jnp.zeros((DIM,), dtype=jnp.float32)
    bn_edge_g = jnp.ones((DIM,), dtype=jnp.float32)
    bn_edge_b = jnp.zeros((DIM,), dtype=jnp.float32)
    return {"node_feats": node_feats, "edge_index": edge_index, "edge_attr": edge_attr,
            "W": W, "att": att, "bias": bias, "bn_node_g": bn_node_g, "bn_node_b": bn_node_b,
            "Wf": Wf, "bf": bf, "Ws": Ws, "bs": bs, "bn_edge_g": bn_edge_g, "bn_edge_b": bn_edge_b}


def _silu(x):
    return x * jax.nn.sigmoid(x)


def _bn(x, g, b):
    # training-mode batch norm over axis 0
    m = x.mean(axis=0)
    v = x.var(axis=0)
    return (x - m) / jnp.sqrt(v + 1e-5) * g + b


def _seg_softmax(a, idx, n):
    amax = jax.ops.segment_max(a, idx, num_segments=n)
    amax = jnp.where(jnp.isfinite(amax), amax, 0.0)
    ex = jnp.exp(a - amax[idx])
    den = jax.ops.segment_sum(ex, idx, num_segments=n)
    return ex / (den[idx] + 1e-16)


def reference(node_feats, edge_index, edge_attr, W, att, bias, bn_node_g, bn_node_b, Wf, bf, Ws, bs, bn_edge_g, bn_edge_b):
    n = node_feats.shape[0]
    i = edge_index[0]  # flow target_to_source: aggregation index is edge_index[0]
    j = edge_index[1]
    x_i = node_feats[i]
    x_j = node_feats[j]
    ni = _silu(jnp.concatenate([x_i, edge_attr], axis=-1) @ W).reshape(-1, HEADS, DIM)
    nj = _silu(jnp.concatenate([x_j, edge_attr], axis=-1) @ W).reshape(-1, HEADS, DIM)
    alpha = _silu((jnp.concatenate([ni, nj], axis=-1) * att).sum(axis=-1))  # [E, H]
    alpha = _silu(_bn(alpha, bn_node_g, bn_node_b))
    alpha = _seg_softmax(alpha, i, n)
    msg = nj * alpha[:, :, None]  # [E, H, D]
    aggr = jax.ops.segment_sum(msg, i, num_segments=n)  # [N, H, D]
    node = aggr.mean(axis=1) + bias
    node_feat = node_feats + node
    # edge update
    n_i = node_feat[i]
    n_j = node_feat[j]
    z = jnp.concatenate([n_i, n_j, edge_attr], axis=-1)
    m = jax.nn.sigmoid(z @ Wf + bf) * jax.nn.softplus(z @ Ws + bs)
    m = _bn(m, bn_edge_g, bn_edge_b)
    edge_feat = edge_attr + m
    return (node_feat, edge_feat)

if __name__ == "__main__":
    import jax
    _d = setup_inputs()
    print(jax.jit(kernel)(*tuple(_d.values())))

</pallas_src>

<mosaic_0001>
#map = affine_map<(d0, d1) -> (0, 0)>
#map1 = affine_map<(d0, d1) -> (0)>
#map2 = affine_map<(d0, d1) -> (0, 0, 0)>
module attributes {stable_mosaic.version = 14 : i64} {
  func.func @k(%arg0: i32, %arg1: i32, %arg2: memref<320000x128xf32, #tpu.memory_space<hbm>>, %arg3: memref<320000xi32, #tpu.memory_space<hbm>>, %arg4: memref<10000x128xf32, #tpu.memory_space<hbm>>, %arg5: memref<2x10000x128xf32, #tpu.memory_space<hbm>>, %arg6: memref<1x80xi32, #tpu.memory_space<vmem>>, %arg7: memref<80x128xf32, #tpu.memory_space<vmem>>, %arg8: memref<10000x128xf32, #tpu.memory_space<vmem_shared>>) attributes {dimension_semantics = [#tpu.dimension_semantics<core_parallel>, #tpu.dimension_semantics<subcore_parallel>], iteration_bounds = array<i64: 2, 16>, scalar_prefetch = 0 : i64, scratch_operands = 3 : i64, tpu.core_type = #tpu.core_type<sc_vector_subcore>, window_params = [{transform_indices = #map}, {transform_indices = #map1}, {transform_indices = #map}, {transform_indices = #map2}]} {
    %mul3A = arith.constant 2 : i32
    %mul3A_0 = arith.muli %arg1, %mul3A : i32
    %add3A = arith.addi %mul3A_0, %arg0 : i32
    %eq3A = arith.constant 0 : i32
    %eq3A_1 = arith.cmpi eq, %arg1, %eq3A : i32
    %convert_element_type3A = arith.extui %eq3A_1 : i1 to i32
    %cond3A = arith.constant 0 : i32
    %cond3A_2 = arith.cmpi ne, %convert_element_type3A, %cond3A : i32
    scf.if %cond3A_2 {
      "tpu.region"() ({
        %run_scoped3A = tpu.sem_alloc : memref<!tpu.dma_semaphore, #tpu.memory_space<semaphore_mem>>
        tpu.enqueue_dma source(%arg4 : memref<10000x128xf32, #tpu.memory_space<hbm>>) target(%arg8 : memref<10000x128xf32, #tpu.memory_space<vmem_shared>>) target_semaphore(%run_scoped3A : memref<!tpu.dma_semaphore, #tpu.memory_space<semaphore_mem>>)
        tpu.wait_dma2 semaphore(%run_scoped3A : memref<!tpu.dma_semaphore, #tpu.memory_space<semaphore_mem>>) src(%arg4 : memref<10000x128xf32, #tpu.memory_space<hbm>>) dst(%arg8 : memref<10000x128xf32, #tpu.memory_space<vmem_shared>>)
        tpu.yield
      }) : () -> ()
    } else {
    }
    %barrier3A = arith.constant 0 : index
    tpu.barrier barrier_id(%barrier3A)
    %scan3A = arith.constant 0 : i32
    %scan3A_3 = arith.constant 0 : i32
    %scan3A_4 = arith.constant 125 : i32
    %scan3A_5 = arith.addi %scan3A_3, %scan3A_4 : i32
    %scan3A_6 = arith.constant 1 : i32
    scf.for %scan3A_14 = %scan3A_3 to %scan3A_5 step %scan3A_6  : i32 {
      %mul3A_15 = arith.constant 10000 : i32
      %mul3A_16 = arith.muli %add3A, %mul3A_15 : i32
      %mul3A_17 = arith.constant 80 : i32
      %mul3A_18 = arith.muli %scan3A_14, %mul3A_17 : i32
      %add3A_19 = arith.addi %mul3A_16, %mul3A_18 : i32
      %run_scoped3A = arith.constant 0 : i32
      "tpu.region"() ({
        %run_scoped3A_21 = tpu.sem_alloc : memref<!tpu.dma_semaphore, #tpu.memory_space<semaphore_mem>>
        %dma_start3A = arith.constant 0 : i32
        %dma_start3A_22 = tpu.memref_slice %arg6[%run_scoped3A, %dma_start3A] : memref<1x80xi32, #tpu.memory_space<vmem>> -> memref<1x80xi32, #tpu.memory_space<vmem>>
        %dma_start3A_23 = tpu.memref_squeeze %dma_start3A_22 : memref<1x80xi32, #tpu.memory_space<vmem>> -> memref<80xi32, #tpu.memory_space<vmem>>
        %dma_start3A_24 = tpu.memref_slice %arg3[%add3A_19] : memref<320000xi32, #tpu.memory_space<hbm>> -> memref<80xi32, #tpu.memory_space<hbm>>
        %dma_start3A_25 = arith.constant 0 : i32
        %dma_start3A_26 = tpu.memref_slice %arg6[%run_scoped3A, %dma_start3A_25] : memref<1x80xi32, #tpu.memory_space<vmem>> -> memref<1x80xi32, #tpu.memory_space<vmem>>
        %dma_start3A_27 = tpu.memref_squeeze %dma_start3A_26 : memref<1x80xi32, #tpu.memory_space<vmem>> -> memref<80xi32, #tpu.memory_space<vmem>>
        %dma_start3A_28 = tpu.memref_slice %arg3[%add3A_19] : memref<320000xi32, #tpu.memory_space<hbm>> -> memref<80xi32, #tpu.memory_space<hbm>>
        tpu.enqueue_dma source(%dma_start3A_28 : memref<80xi32, #tpu.memory_space<hbm>>) target(%dma_start3A_27 : memref<80xi32, #tpu.memory_space<vmem>>) target_semaphore(%run_scoped3A_21 : memref<!tpu.dma_semaphore, #tpu.memory_space<semaphore_mem>>)
        %dma_wait3A = arith.constant 0 : i32
        %dma_wait3A_29 = tpu.memref_slice %arg6[%run_scoped3A, %dma_wait3A] : memref<1x80xi32, #tpu.memory_space<vmem>> -> memref<1x80xi32, #tpu.memory_space<vmem>>
        %dma_wait3A_30 = tpu.memref_squeeze %dma_wait3A_29 : memref<1x80xi32, #tpu.memory_space<vmem>> -> memref<80xi32, #tpu.memory_space<vmem>>
        %dma_wait3A_31 = tpu.memref_slice %arg3[%add3A_19] : memref<320000xi32, #tpu.memory_space<hbm>> -> memref<80xi32, #tpu.memory_space<hbm>>
        %dma_wait3A_32 = arith.constant 0 : i32
        %dma_wait3A_33 = tpu.memref_slice %arg6[%run_scoped3A, %dma_wait3A_32] : memref<1x80xi32, #tpu.memory_space<vmem>> -> memref<1x80xi32, #tpu.memory_space<vmem>>
        %dma_wait3A_34 = tpu.memref_squeeze %dma_wait3A_33 : memref<1x80xi32, #tpu.memory_space<vmem>> -> memref<80xi32, #tpu.memory_space<vmem>>
        %dma_wait3A_35 = tpu.memref_slice %arg3[%add3A_19] : memref<320000xi32, #tpu.memory_space<hbm>> -> memref<80xi32, #tpu.memory_space<hbm>>
        tpu.wait_dma2 semaphore(%run_scoped3A_21 : memref<!tpu.dma_semaphore, #tpu.memory_space<semaphore_mem>>) src(%dma_wait3A_35 : memref<80xi32, #tpu.memory_space<hbm>>) dst(%dma_wait3A_34 : memref<80xi32, #tpu.memory_space<vmem>>)
        tpu.yield
      }) : () -> ()
      "tpu.region"() ({
        %run_scoped3A_21 = tpu.sem_alloc : memref<!tpu.dma_semaphore, #tpu.memory_space<semaphore_mem>>
        %dma_start3A = arith.constant 0 : i32
        %dma_start3A_22 = tpu.memref_slice %arg2[%add3A_19, %dma_start3A] : memref<320000x128xf32, #tpu.memory_space<hbm>> -> memref<80x128xf32, #tpu.memory_space<hbm>>
        %dma_start3A_23 = arith.constant 0 : i32
        %dma_start3A_24 = tpu.memref_slice %arg2[%add3A_19, %dma_start3A_23] : memref<320000x128xf32, #tpu.memory_space<hbm>> -> memref<80x128xf32, #tpu.memory_space<hbm>>
        tpu.enqueue_dma source(%dma_start3A_24 : memref<80x128xf32, #tpu.memory_space<hbm>>) target(%arg7 : memref<80x128xf32, #tpu.memory_space<vmem>>) target_semaphore(%run_scoped3A_21 : memref<!tpu.dma_semaphore, #tpu.memory_space<semaphore_mem>>)
        %dma_wait3A = arith.constant 0 : i32
        %dma_wait3A_25 = tpu.memref_slice %arg2[%add3A_19, %dma_wait3A] : memref<320000x128xf32, #tpu.memory_space<hbm>> -> memref<80x128xf32, #tpu.memory_space<hbm>>
        %dma_wait3A_26 = arith.constant 0 : i32
        %dma_wait3A_27 = tpu.memref_slice %arg2[%add3A_19, %dma_wait3A_26] : memref<320000x128xf32, #tpu.memory_space<hbm>> -> memref<80x128xf32, #tpu.memory_space<hbm>>
        tpu.wait_dma2 semaphore(%run_scoped3A_21 : memref<!tpu.dma_semaphore, #tpu.memory_space<semaphore_mem>>) src(%dma_wait3A_27 : memref<80x128xf32, #tpu.memory_space<hbm>>) dst(%arg7 : memref<80x128xf32, #tpu.memory_space<vmem>>)
        tpu.yield
      }) : () -> ()
      %run_scoped3A_20 = arith.constant 0 : i32
      "tpu.region"() ({
        %run_scoped3A_21 = tpu.sem_alloc : memref<!tpu.dma_semaphore, #tpu.memory_space<semaphore_mem>>
        %dma_start3A = arith.constant 0 : i32
        %dma_start3A_22 = tpu.memref_slice %arg6[%run_scoped3A_20, %dma_start3A] : memref<1x80xi32, #tpu.memory_space<vmem>> -> memref<1x80xi32, #tpu.memory_space<vmem>>
        %dma_start3A_23 = tpu.memref_squeeze %dma_start3A_22 : memref<1x80xi32, #tpu.memory_space<vmem>> -> memref<80xi32, #tpu.memory_space<vmem>>
        %dma_start3A_24 = arith.constant 0 : i32
        %dma_start3A_25 = arith.constant 0 : i32
        %dma_start3A_26 = tpu.memref_slice %arg8[%dma_start3A_24, %dma_start3A_25] : memref<10000x128xf32, #tpu.memory_space<vmem_shared>> -> memref<10000x128xf32, #tpu.memory_space<vmem_shared>>
        tpu.enqueue_indirect_dma source(%arg7 : memref<80x128xf32, #tpu.memory_space<vmem>>) target(%dma_start3A_26 : memref<10000x128xf32, #tpu.memory_space<vmem_shared>>) offsets(%dma_start3A_23 : memref<80xi32, #tpu.memory_space<vmem>>) semaphore(%run_scoped3A_21 : memref<!tpu.dma_semaphore, #tpu.memory_space<semaphore_mem>>) {add = true}
        %dma_wait3A = arith.constant 0 : i32
        %dma_wait3A_27 = tpu.memref_slice %arg6[%run_scoped3A_20, %dma_wait3A] : memref<1x80xi32, #tpu.memory_space<vmem>> -> memref<1x80xi32, #tpu.memory_space<vmem>>
        %dma_wait3A_28 = tpu.memref_squeeze %dma_wait3A_27 : memref<1x80xi32, #tpu.memory_space<vmem>> -> memref<80xi32, #tpu.memory_space<vmem>>
        %dma_wait3A_29 = arith.constant 0 : i32
        %dma_wait3A_30 = arith.constant 0 : i32
        %dma_wait3A_31 = tpu.memref_slice %arg8[%dma_wait3A_29, %dma_wait3A_30] : memref<10000x128xf32, #tpu.memory_space<vmem_shared>> -> memref<10000x128xf32, #tpu.memory_space<vmem_shared>>
        tpu.wait_indirect_dma semaphore(%run_scoped3A_21 : memref<!tpu.dma_semaphore, #tpu.memory_space<semaphore_mem>>) src(%arg7 : memref<80x128xf32, #tpu.memory_space<vmem>>) dst(%dma_wait3A_31 : memref<10000x128xf32, #tpu.memory_space<vmem_shared>>)
        tpu.yield
      }) : () -> ()
    }
    %scan3A_7 = arith.constant 125 : i32
    %barrier3A_8 = arith.constant 0 : index
    tpu.barrier barrier_id(%barrier3A_8)
    %eq3A_9 = arith.constant 0 : i32
    %eq3A_10 = arith.cmpi eq, %arg1, %eq3A_9 : i32
    %convert_element_type3A_11 = arith.extui %eq3A_10 : i1 to i32
    %cond3A_12 = arith.constant 0 : i32
    %cond3A_13 = arith.cmpi ne, %convert_element_type3A_11, %cond3A_12 : i32
    scf.if %cond3A_13 {
      "tpu.region"() ({
        %run_scoped3A = tpu.sem_alloc : memref<!tpu.dma_semaphore, #tpu.memory_space<semaphore_mem>>
        %dma_start3A = arith.constant 0 : i32
        %dma_start3A_14 = arith.constant 0 : i32
        %dma_start3A_15 = tpu.memref_slice %arg5[%arg0, %dma_start3A, %dma_start3A_14] : memref<2x10000x128xf32, #tpu.memory_space<hbm>> -> memref<1x10000x128xf32, #tpu.memory_space<hbm>>
        %dma_start3A_16 = tpu.memref_squeeze %dma_start3A_15 : memref<1x10000x128xf32, #tpu.memory_space<hbm>> -> memref<10000x128xf32, #tpu.memory_space<hbm>>
        tpu.enqueue_dma source(%arg8 : memref<10000x128xf32, #tpu.memory_space<vmem_shared>>) target(%dma_start3A_16 : memref<10000x128xf32, #tpu.memory_space<hbm>>) target_semaphore(%run_scoped3A : memref<!tpu.dma_semaphore, #tpu.memory_space<semaphore_mem>>)
        %dma_wait3A = arith.constant 0 : i32
        %dma_wait3A_17 = arith.constant 0 : i32
        %dma_wait3A_18 = tpu.memref_slice %arg5[%arg0, %dma_wait3A, %dma_wait3A_17] : memref<2x10000x128xf32, #tpu.memory_space<hbm>> -> memref<1x10000x128xf32, #tpu.memory_space<hbm>>
        %dma_wait3A_19 = tpu.memref_squeeze %dma_wait3A_18 : memref<1x10000x128xf32, #tpu.memory_space<hbm>> -> memref<10000x128xf32, #tpu.memory_space<hbm>>
        tpu.wait_dma2 semaphore(%run_scoped3A : memref<!tpu.dma_semaphore, #tpu.memory_space<semaphore_mem>>) src(%arg8 : memref<10000x128xf32, #tpu.memory_space<vmem_shared>>) dst(%dma_wait3A_19 : memref<10000x128xf32, #tpu.memory_space<hbm>>)
        tpu.yield
      }) : () -> ()
    } else {
    }
    return
  }
}

#map = affine_map<(d0, d1) -> (0, 0)>
#map1 = affine_map<(d0, d1) -> (0)>
module attributes {stable_mosaic.version = 14 : i64} {
  func.func @k(%arg0: i32, %arg1: i32, %arg2: memref<10000x128xf32, #tpu.memory_space<hbm>>, %arg3: memref<320000xi32, #tpu.memory_space<hbm>>, %arg4: memref<320000xi32, #tpu.memory_space<hbm>>, %arg5: memref<320000x128xf32, #tpu.memory_space<hbm>>, %arg6: memref<320000x128xf32, #tpu.memory_space<hbm>>, %arg7: memref<80xi32, #tpu.memory_space<vmem>>, %arg8: memref<80xi32, #tpu.memory_space<vmem>>, %arg9: memref<80x128xf32, #tpu.memory_space<vmem>>, %arg10: memref<80x128xf32, #tpu.memory_space<vmem>>, %arg11: memref<!tpu.dma_semaphore, #tpu.memory_space<semaphore_mem>>, %arg12: memref<!tpu.dma_semaphore, #tpu.memory_space<semaphore_mem>>) attributes {dimension_semantics = [#tpu.dimension_semantics<core_parallel>, #tpu.dimension_semantics<subcore_parallel>], iteration_bounds = array<i64: 2, 16>, scalar_prefetch = 0 : i64, scratch_operands = 6 : i64, tpu.core_type = #tpu.core_type<sc_vector_subcore>, window_params = [{transform_indices = #map}, {transform_indices = #map1}, {transform_indices = #map1}, {transform_indices = #map}, {transform_indices = #map}]} {
    %mul3A = arith.constant 2 : i32
    %mul3A_0 = arith.muli %arg1, %mul3A : i32
    %add3A = arith.addi %mul3A_0, %arg0 : i32
    %scan3A = arith.constant 0 : i32
    %scan3A_1 = arith.constant 0 : i32
    %scan3A_2 = arith.constant 125 : i32
    %scan3A_3 = arith.addi %scan3A_1, %scan3A_2 : i32
    %scan3A_4 = arith.constant 1 : i32
    scf.for %scan3A_6 = %scan3A_1 to %scan3A_3 step %scan3A_4  : i32 {
      %mul3A_7 = arith.constant 10000 : i32
      %mul3A_8 = arith.muli %add3A, %mul3A_7 : i32
      %mul3A_9 = arith.constant 80 : i32
      %mul3A_10 = arith.muli %scan3A_6, %mul3A_9 : i32
      %add3A_11 = arith.addi %mul3A_8, %mul3A_10 : i32
      "tpu.region"() ({
        %run_scoped3A = tpu.sem_alloc : memref<!tpu.dma_semaphore, #tpu.memory_space<semaphore_mem>>
        %dma_start3A_22 = tpu.memref_slice %arg3[%add3A_11] : memref<320000xi32, #tpu.memory_space<hbm>> -> memref<80xi32, #tpu.memory_space<hbm>>
        %dma_start3A_23 = tpu.memref_slice %arg3[%add3A_11] : memref<320000xi32, #tpu.memory_space<hbm>> -> memref<80xi32, #tpu.memory_space<hbm>>
        tpu.enqueue_dma source(%dma_start3A_23 : memref<80xi32, #tpu.memory_space<hbm>>) target(%arg7 : memref<80xi32, #tpu.memory_space<vmem>>) target_semaphore(%run_scoped3A : memref<!tpu.dma_semaphore, #tpu.memory_space<semaphore_mem>>)
        %dma_wait3A_24 = tpu.memref_slice %arg3[%add3A_11] : memref<320000xi32, #tpu.memory_space<hbm>> -> memref<80xi32, #tpu.memory_space<hbm>>
        %dma_wait3A_25 = tpu.memref_slice %arg3[%add3A_11] : memref<320000xi32, #tpu.memory_space<hbm>> -> memref<80xi32, #tpu.memory_space<hbm>>
        tpu.wait_dma2 semaphore(%run_scoped3A : memref<!tpu.dma_semaphore, #tpu.memory_space<semaphore_mem>>) src(%dma_wait3A_25 : memref<80xi32, #tpu.memory_space<hbm>>) dst(%arg7 : memref<80xi32, #tpu.memory_space<vmem>>)
        tpu.yield
      }) : () -> ()
      "tpu.region"() ({
        %run_scoped3A = tpu.sem_alloc : memref<!tpu.dma_semaphore, #tpu.memory_space<semaphore_mem>>
        %dma_start3A_22 = tpu.memref_slice %arg4[%add3A_11] : memref<320000xi32, #tpu.memory_space<hbm>> -> memref<80xi32, #tpu.memory_space<hbm>>
        %dma_start3A_23 = tpu.memref_slice %arg4[%add3A_11] : memref<320000xi32, #tpu.memory_space<hbm>> -> memref<80xi32, #tpu.memory_space<hbm>>
        tpu.enqueue_dma source(%dma_start3A_23 : memref<80xi32, #tpu.memory_space<hbm>>) target(%arg8 : memref<80xi32, #tpu.memory_space<vmem>>) target_semaphore(%run_scoped3A : memref<!tpu.dma_semaphore, #tpu.memory_space<semaphore_mem>>)
        %dma_wait3A_24 = tpu.memref_slice %arg4[%add3A_11] : memref<320000xi32, #tpu.memory_space<hbm>> -> memref<80xi32, #tpu.memory_space<hbm>>
        %dma_wait3A_25 = tpu.memref_slice %arg4[%add3A_11] : memref<320000xi32, #tpu.memory_space<hbm>> -> memref<80xi32, #tpu.memory_space<hbm>>
        tpu.wait_dma2 semaphore(%run_scoped3A : memref<!tpu.dma_semaphore, #tpu.memory_space<semaphore_mem>>) src(%dma_wait3A_25 : memref<80xi32, #tpu.memory_space<hbm>>) dst(%arg8 : memref<80xi32, #tpu.memory_space<vmem>>)
        tpu.yield
      }) : () -> ()
      %dma_start3A = arith.constant 0 : i32
      %dma_start3A_12 = arith.constant 0 : i32
      %dma_start3A_13 = tpu.memref_slice %arg2[%dma_start3A, %dma_start3A_12] : memref<10000x128xf32, #tpu.memory_space<hbm>> -> memref<10000x128xf32, #tpu.memory_space<hbm>>
      tpu.enqueue_indirect_dma source(%dma_start3A_13 : memref<10000x128xf32, #tpu.memory_space<hbm>>) target(%arg9 : memref<80x128xf32, #tpu.memory_space<vmem>>) offsets(%arg7 : memref<80xi32, #tpu.memory_space<vmem>>) semaphore(%arg11 : memref<!tpu.dma_semaphore, #tpu.memory_space<semaphore_mem>>)
      %dma_start3A_14 = arith.constant 0 : i32
      %dma_start3A_15 = arith.constant 0 : i32
      %dma_start3A_16 = tpu.memref_slice %arg2[%dma_start3A_14, %dma_start3A_15] : memref<10000x128xf32, #tpu.memory_space<hbm>> -> memref<10000x128xf32, #tpu.memory_space<hbm>>
      tpu.enqueue_indirect_dma source(%dma_start3A_16 : memref<10000x128xf32, #tpu.memory_space<hbm>>) target(%arg10 : memref<80x128xf32, #tpu.memory_space<vmem>>) offsets(%arg8 : memref<80xi32, #tpu.memory_space<vmem>>) semaphore(%arg12 : memref<!tpu.dma_semaphore, #tpu.memory_space<semaphore_mem>>)
      %dma_wait3A = arith.constant 0 : i32
      %dma_wait3A_17 = arith.constant 0 : i32
      %dma_wait3A_18 = tpu.memref_slice %arg2[%dma_wait3A, %dma_wait3A_17] : memref<10000x128xf32, #tpu.memory_space<hbm>> -> memref<10000x128xf32, #tpu.memory_space<hbm>>
      tpu.wait_indirect_dma semaphore(%arg11 : memref<!tpu.dma_semaphore, #tpu.memory_space<semaphore_mem>>) src(%dma_wait3A_18 : memref<10000x128xf32, #tpu.memory_space<hbm>>) dst(%arg9 : memref<80x128xf32, #tpu.memory_space<vmem>>)
      %dma_wait3A_19 = arith.constant 0 : i32
      %dma_wait3A_20 = arith.constant 0 : i32
      %dma_wait3A_21 = tpu.memref_slice %arg2[%dma_wait3A_19, %dma_wait3A_20] : memref<10000x128xf32, #tpu.memory_space<hbm>> -> memref<10000x128xf32, #tpu.memory_space<hbm>>
      tpu.wait_indirect_dma semaphore(%arg12 : memref<!tpu.dma_semaphore, #tpu.memory_space<semaphore_mem>>) src(%dma_wait3A_21 : memref<10000x128xf32, #tpu.memory_space<hbm>>) dst(%arg10 : memref<80x128xf32, #tpu.memory_space<vmem>>)
      "tpu.region"() ({
        %run_scoped3A = tpu.sem_alloc : memref<!tpu.dma_semaphore, #tpu.memory_space<semaphore_mem>>
        %dma_start3A_22 = arith.constant 0 : i32
        %dma_start3A_23 = tpu.memref_slice %arg5[%add3A_11, %dma_start3A_22] : memref<320000x128xf32, #tpu.memory_space<hbm>> -> memref<80x128xf32, #tpu.memory_space<hbm>>
        %dma_start3A_24 = arith.constant 0 : i32
        %dma_start3A_25 = tpu.memref_slice %arg5[%add3A_11, %dma_start3A_24] : memref<320000x128xf32, #tpu.memory_space<hbm>> -> memref<80x128xf32, #tpu.memory_space<hbm>>
        tpu.enqueue_dma source(%arg9 : memref<80x128xf32, #tpu.memory_space<vmem>>) target(%dma_start3A_25 : memref<80x128xf32, #tpu.memory_space<hbm>>) target_semaphore(%run_scoped3A : memref<!tpu.dma_semaphore, #tpu.memory_space<semaphore_mem>>)
        %dma_wait3A_26 = arith.constant 0 : i32
        %dma_wait3A_27 = tpu.memref_slice %arg5[%add3A_11, %dma_wait3A_26] : memref<320000x128xf32, #tpu.memory_space<hbm>> -> memref<80x128xf32, #tpu.memory_space<hbm>>
        %dma_wait3A_28 = arith.constant 0 : i32
        %dma_wait3A_29 = tpu.memref_slice %arg5[%add3A_11, %dma_wait3A_28] : memref<320000x128xf32, #tpu.memory_space<hbm>> -> memref<80x128xf32, #tpu.memory_space<hbm>>
        tpu.wait_dma2 semaphore(%run_scoped3A : memref<!tpu.dma_semaphore, #tpu.memory_space<semaphore_mem>>) src(%arg9 : memref<80x128xf32, #tpu.memory_space<vmem>>) dst(%dma_wait3A_29 : memref<80x128xf32, #tpu.memory_space<hbm>>)
        tpu.yield
      }) : () -> ()
      "tpu.region"() ({
        %run_scoped3A = tpu.sem_alloc : memref<!tpu.dma_semaphore, #tpu.memory_space<semaphore_mem>>
        %dma_start3A_22 = arith.constant 0 : i32
        %dma_start3A_23 = tpu.memref_slice %arg6[%add3A_11, %dma_start3A_22] : memref<320000x128xf32, #tpu.memory_space<hbm>> -> memref<80x128xf32, #tpu.memory_space<hbm>>
        %dma_start3A_24 = arith.constant 0 : i32
        %dma_start3A_25 = tpu.memref_slice %arg6[%add3A_11, %dma_start3A_24] : memref<320000x128xf32, #tpu.memory_space<hbm>> -> memref<80x128xf32, #tpu.memory_space<hbm>>
        tpu.enqueue_dma source(%arg10 : memref<80x128xf32, #tpu.memory_space<vmem>>) target(%dma_start3A_25 : memref<80x128xf32, #tpu.memory_space<hbm>>) target_semaphore(%run_scoped3A : memref<!tpu.dma_semaphore, #tpu.memory_space<semaphore_mem>>)
        %dma_wait3A_26 = arith.constant 0 : i32
        %dma_wait3A_27 = tpu.memref_slice %arg6[%add3A_11, %dma_wait3A_26] : memref<320000x128xf32, #tpu.memory_space<hbm>> -> memref<80x128xf32, #tpu.memory_space<hbm>>
        %dma_wait3A_28 = arith.constant 0 : i32
        %dma_wait3A_29 = tpu.memref_slice %arg6[%add3A_11, %dma_wait3A_28] : memref<320000x128xf32, #tpu.memory_space<hbm>> -> memref<80x128xf32, #tpu.memory_space<hbm>>
        tpu.wait_dma2 semaphore(%run_scoped3A : memref<!tpu.dma_semaphore, #tpu.memory_space<semaphore_mem>>) src(%arg10 : memref<80x128xf32, #tpu.memory_space<vmem>>) dst(%dma_wait3A_29 : memref<80x128xf32, #tpu.memory_space<hbm>>)
        tpu.yield
      }) : () -> ()
    }
    %scan3A_5 = arith.constant 125 : i32
    return
  }
}

#map = affine_map<(d0, d1) -> (0, 0)>
#map1 = affine_map<(d0, d1) -> (0)>
#map2 = affine_map<(d0, d1) -> (0, 0, 0)>
module attributes {stable_mosaic.version = 14 : i64} {
  func.func @k(%arg0: i32, %arg1: i32, %arg2: memref<320000x16xf32, #tpu.memory_space<hbm>>, %arg3: memref<320000xi32, #tpu.memory_space<hbm>>, %arg4: memref<10000x16xf32, #tpu.memory_space<hbm>>, %arg5: memref<2x10000x16xf32, #tpu.memory_space<hbm>>, %arg6: memref<1x80xi32, #tpu.memory_space<vmem>>, %arg7: memref<80x16xf32, #tpu.memory_space<vmem>>, %arg8: memref<10000x16xf32, #tpu.memory_space<vmem_shared>>) attributes {dimension_semantics = [#tpu.dimension_semantics<core_parallel>, #tpu.dimension_semantics<subcore_parallel>], iteration_bounds = array<i64: 2, 16>, scalar_prefetch = 0 : i64, scratch_operands = 3 : i64, tpu.core_type = #tpu.core_type<sc_vector_subcore>, window_params = [{transform_indices = #map}, {transform_indices = #map1}, {transform_indices = #map}, {transform_indices = #map2}]} {
    %mul3A = arith.constant 2 : i32
    %mul3A_0 = arith.muli %arg1, %mul3A : i32
    %add3A = arith.addi %mul3A_0, %arg0 : i32
    %eq3A = arith.constant 0 : i32
    %eq3A_1 = arith.cmpi eq, %arg1, %eq3A : i32
    %convert_element_type3A = arith.extui %eq3A_1 : i1 to i32
    %cond3A = arith.constant 0 : i32
    %cond3A_2 = arith.cmpi ne, %convert_element_type3A, %cond3A : i32
    scf.if %cond3A_2 {
      "tpu.region"() ({
        %run_scoped3A = tpu.sem_alloc : memref<!tpu.dma_semaphore, #tpu.memory_space<semaphore_mem>>
        tpu.enqueue_dma source(%arg4 : memref<10000x16xf32, #tpu.memory_space<hbm>>) target(%arg8 : memref<10000x16xf32, #tpu.memory_space<vmem_shared>>) target_semaphore(%run_scoped3A : memref<!tpu.dma_semaphore, #tpu.memory_space<semaphore_mem>>)
        tpu.wait_dma2 semaphore(%run_scoped3A : memref<!tpu.dma_semaphore, #tpu.memory_space<semaphore_mem>>) src(%arg4 : memref<10000x16xf32, #tpu.memory_space<hbm>>) dst(%arg8 : memref<10000x16xf32, #tpu.memory_space<vmem_shared>>)
        tpu.yield
      }) : () -> ()
    } else {
    }
    %barrier3A = arith.constant 0 : index
    tpu.barrier barrier_id(%barrier3A)
    %scan3A = arith.constant 0 : i32
    %scan3A_3 = arith.constant 0 : i32
    %scan3A_4 = arith.constant 125 : i32
    %scan3A_5 = arith.addi %scan3A_3, %scan3A_4 : i32
    %scan3A_6 = arith.constant 1 : i32
    scf.for %scan3A_14 = %scan3A_3 to %scan3A_5 step %scan3A_6  : i32 {
      %mul3A_15 = arith.constant 10000 : i32
      %mul3A_16 = arith.muli %add3A, %mul3A_15 : i32
      %mul3A_17 = arith.constant 80 : i32
      %mul3A_18 = arith.muli %scan3A_14, %mul3A_17 : i32
      %add3A_19 = arith.addi %mul3A_16, %mul3A_18 : i32
      %run_scoped3A = arith.constant 0 : i32
      "tpu.region"() ({
        %run_scoped3A_21 = tpu.sem_alloc : memref<!tpu.dma_semaphore, #tpu.memory_space<semaphore_mem>>
        %dma_start3A = arith.constant 0 : i32
        %dma_start3A_22 = tpu.memref_slice %arg6[%run_scoped3A, %dma_start3A] : memref<1x80xi32, #tpu.memory_space<vmem>> -> memref<1x80xi32, #tpu.memory_space<vmem>>
        %dma_start3A_23 = tpu.memref_squeeze %dma_start3A_22 : memref<1x80xi32, #tpu.memory_space<vmem>> -> memref<80xi32, #tpu.memory_space<vmem>>
        %dma_start3A_24 = tpu.memref_slice %arg3[%add3A_19] : memref<320000xi32, #tpu.memory_space<hbm>> -> memref<80xi32, #tpu.memory_space<hbm>>
        %dma_start3A_25 = arith.constant 0 : i32
        %dma_start3A_26 = tpu.memref_slice %arg6[%run_scoped3A, %dma_start3A_25] : memref<1x80xi32, #tpu.memory_space<vmem>> -> memref<1x80xi32, #tpu.memory_space<vmem>>
        %dma_start3A_27 = tpu.memref_squeeze %dma_start3A_26 : memref<1x80xi32, #tpu.memory_space<vmem>> -> memref<80xi32, #tpu.memory_space<vmem>>
        %dma_start3A_28 = tpu.memref_slice %arg3[%add3A_19] : memref<320000xi32, #tpu.memory_space<hbm>> -> memref<80xi32, #tpu.memory_space<hbm>>
        tpu.enqueue_dma source(%dma_start3A_28 : memref<80xi32, #tpu.memory_space<hbm>>) target(%dma_start3A_27 : memref<80xi32, #tpu.memory_space<vmem>>) target_semaphore(%run_scoped3A_21 : memref<!tpu.dma_semaphore, #tpu.memory_space<semaphore_mem>>)
        %dma_wait3A = arith.constant 0 : i32
        %dma_wait3A_29 = tpu.memref_slice %arg6[%run_scoped3A, %dma_wait3A] : memref<1x80xi32, #tpu.memory_space<vmem>> -> memref<1x80xi32, #tpu.memory_space<vmem>>
        %dma_wait3A_30 = tpu.memref_squeeze %dma_wait3A_29 : memref<1x80xi32, #tpu.memory_space<vmem>> -> memref<80xi32, #tpu.memory_space<vmem>>
        %dma_wait3A_31 = tpu.memref_slice %arg3[%add3A_19] : memref<320000xi32, #tpu.memory_space<hbm>> -> memref<80xi32, #tpu.memory_space<hbm>>
        %dma_wait3A_32 = arith.constant 0 : i32
        %dma_wait3A_33 = tpu.memref_slice %arg6[%run_scoped3A, %dma_wait3A_32] : memref<1x80xi32, #tpu.memory_space<vmem>> -> memref<1x80xi32, #tpu.memory_space<vmem>>
        %dma_wait3A_34 = tpu.memref_squeeze %dma_wait3A_33 : memref<1x80xi32, #tpu.memory_space<vmem>> -> memref<80xi32, #tpu.memory_space<vmem>>
        %dma_wait3A_35 = tpu.memref_slice %arg3[%add3A_19] : memref<320000xi32, #tpu.memory_space<hbm>> -> memref<80xi32, #tpu.memory_space<hbm>>
        tpu.wait_dma2 semaphore(%run_scoped3A_21 : memref<!tpu.dma_semaphore, #tpu.memory_space<semaphore_mem>>) src(%dma_wait3A_35 : memref<80xi32, #tpu.memory_space<hbm>>) dst(%dma_wait3A_34 : memref<80xi32, #tpu.memory_space<vmem>>)
        tpu.yield
      }) : () -> ()
      "tpu.region"() ({
        %run_scoped3A_21 = tpu.sem_alloc : memref<!tpu.dma_semaphore, #tpu.memory_space<semaphore_mem>>
        %dma_start3A = arith.constant 0 : i32
        %dma_start3A_22 = tpu.memref_slice %arg2[%add3A_19, %dma_start3A] : memref<320000x16xf32, #tpu.memory_space<hbm>> -> memref<80x16xf32, #tpu.memory_space<hbm>>
        %dma_start3A_23 = arith.constant 0 : i32
        %dma_start3A_24 = tpu.memref_slice %arg2[%add3A_19, %dma_start3A_23] : memref<320000x16xf32, #tpu.memory_space<hbm>> -> memref<80x16xf32, #tpu.memory_space<hbm>>
        tpu.enqueue_dma source(%dma_start3A_24 : memref<80x16xf32, #tpu.memory_space<hbm>>) target(%arg7 : memref<80x16xf32, #tpu.memory_space<vmem>>) target_semaphore(%run_scoped3A_21 : memref<!tpu.dma_semaphore, #tpu.memory_space<semaphore_mem>>)
        %dma_wait3A = arith.constant 0 : i32
        %dma_wait3A_25 = tpu.memref_slice %arg2[%add3A_19, %dma_wait3A] : memref<320000x16xf32, #tpu.memory_space<hbm>> -> memref<80x16xf32, #tpu.memory_space<hbm>>
        %dma_wait3A_26 = arith.constant 0 : i32
        %dma_wait3A_27 = tpu.memref_slice %arg2[%add3A_19, %dma_wait3A_26] : memref<320000x16xf32, #tpu.memory_space<hbm>> -> memref<80x16xf32, #tpu.memory_space<hbm>>
        tpu.wait_dma2 semaphore(%run_scoped3A_21 : memref<!tpu.dma_semaphore, #tpu.memory_space<semaphore_mem>>) src(%dma_wait3A_27 : memref<80x16xf32, #tpu.memory_space<hbm>>) dst(%arg7 : memref<80x16xf32, #tpu.memory_space<vmem>>)
        tpu.yield
      }) : () -> ()
      %run_scoped3A_20 = arith.constant 0 : i32
      "tpu.region"() ({
        %run_scoped3A_21 = tpu.sem_alloc : memref<!tpu.dma_semaphore, #tpu.memory_space<semaphore_mem>>
        %dma_start3A = arith.constant 0 : i32
        %dma_start3A_22 = tpu.memref_slice %arg6[%run_scoped3A_20, %dma_start3A] : memref<1x80xi32, #tpu.memory_space<vmem>> -> memref<1x80xi32, #tpu.memory_space<vmem>>
        %dma_start3A_23 = tpu.memref_squeeze %dma_start3A_22 : memref<1x80xi32, #tpu.memory_space<vmem>> -> memref<80xi32, #tpu.memory_space<vmem>>
        %dma_start3A_24 = arith.constant 0 : i32
        %dma_start3A_25 = arith.constant 0 : i32
        %dma_start3A_26 = tpu.memref_slice %arg8[%dma_start3A_24, %dma_start3A_25] : memref<10000x16xf32, #tpu.memory_space<vmem_shared>> -> memref<10000x16xf32, #tpu.memory_space<vmem_shared>>
        tpu.enqueue_indirect_dma source(%arg7 : memref<80x16xf32, #tpu.memory_space<vmem>>) target(%dma_start3A_26 : memref<10000x16xf32, #tpu.memory_space<vmem_shared>>) offsets(%dma_start3A_23 : memref<80xi32, #tpu.memory_space<vmem>>) semaphore(%run_scoped3A_21 : memref<!tpu.dma_semaphore, #tpu.memory_space<semaphore_mem>>) {add = true}
        %dma_wait3A = arith.constant 0 : i32
        %dma_wait3A_27 = tpu.memref_slice %arg6[%run_scoped3A_20, %dma_wait3A] : memref<1x80xi32, #tpu.memory_space<vmem>> -> memref<1x80xi32, #tpu.memory_space<vmem>>
        %dma_wait3A_28 = tpu.memref_squeeze %dma_wait3A_27 : memref<1x80xi32, #tpu.memory_space<vmem>> -> memref<80xi32, #tpu.memory_space<vmem>>
        %dma_wait3A_29 = arith.constant 0 : i32
        %dma_wait3A_30 = arith.constant 0 : i32
        %dma_wait3A_31 = tpu.memref_slice %arg8[%dma_wait3A_29, %dma_wait3A_30] : memref<10000x16xf32, #tpu.memory_space<vmem_shared>> -> memref<10000x16xf32, #tpu.memory_space<vmem_shared>>
        tpu.wait_indirect_dma semaphore(%run_scoped3A_21 : memref<!tpu.dma_semaphore, #tpu.memory_space<semaphore_mem>>) src(%arg7 : memref<80x16xf32, #tpu.memory_space<vmem>>) dst(%dma_wait3A_31 : memref<10000x16xf32, #tpu.memory_space<vmem_shared>>)
        tpu.yield
      }) : () -> ()
    }
    %scan3A_7 = arith.constant 125 : i32
    %barrier3A_8 = arith.constant 0 : index
    tpu.barrier barrier_id(%barrier3A_8)
    %eq3A_9 = arith.constant 0 : i32
    %eq3A_10 = arith.cmpi eq, %arg1, %eq3A_9 : i32
    %convert_element_type3A_11 = arith.extui %eq3A_10 : i1 to i32
    %cond3A_12 = arith.constant 0 : i32
    %cond3A_13 = arith.cmpi ne, %convert_element_type3A_11, %cond3A_12 : i32
    scf.if %cond3A_13 {
      "tpu.region"() ({
        %run_scoped3A = tpu.sem_alloc : memref<!tpu.dma_semaphore, #tpu.memory_space<semaphore_mem>>
        %dma_start3A = arith.constant 0 : i32
        %dma_start3A_14 = arith.constant 0 : i32
        %dma_start3A_15 = tpu.memref_slice %arg5[%arg0, %dma_start3A, %dma_start3A_14] : memref<2x10000x16xf32, #tpu.memory_space<hbm>> -> memref<1x10000x16xf32, #tpu.memory_space<hbm>>
        %dma_start3A_16 = tpu.memref_squeeze %dma_start3A_15 : memref<1x10000x16xf32, #tpu.memory_space<hbm>> -> memref<10000x16xf32, #tpu.memory_space<hbm>>
        tpu.enqueue_dma source(%arg8 : memref<10000x16xf32, #tpu.memory_space<vmem_shared>>) target(%dma_start3A_16 : memref<10000x16xf32, #tpu.memory_space<hbm>>) target_semaphore(%run_scoped3A : memref<!tpu.dma_semaphore, #tpu.memory_space<semaphore_mem>>)
        %dma_wait3A = arith.constant 0 : i32
        %dma_wait3A_17 = arith.constant 0 : i32
        %dma_wait3A_18 = tpu.memref_slice %arg5[%arg0, %dma_wait3A, %dma_wait3A_17] : memref<2x10000x16xf32, #tpu.memory_space<hbm>> -> memref<1x10000x16xf32, #tpu.memory_space<hbm>>
        %dma_wait3A_19 = tpu.memref_squeeze %dma_wait3A_18 : memref<1x10000x16xf32, #tpu.memory_space<hbm>> -> memref<10000x16xf32, #tpu.memory_space<hbm>>
        tpu.wait_dma2 semaphore(%run_scoped3A : memref<!tpu.dma_semaphore, #tpu.memory_space<semaphore_mem>>) src(%arg8 : memref<10000x16xf32, #tpu.memory_space<vmem_shared>>) dst(%dma_wait3A_19 : memref<10000x16xf32, #tpu.memory_space<hbm>>)
        tpu.yield
      }) : () -> ()
    } else {
    }
    return
  }
}

#map = affine_map<(d0, d1) -> (0, 0)>
#map1 = affine_map<(d0, d1) -> (0)>
module attributes {stable_mosaic.version = 14 : i64} {
  func.func @k(%arg0: i32, %arg1: i32, %arg2: memref<10000x16xf32, #tpu.memory_space<hbm>>, %arg3: memref<320000xi32, #tpu.memory_space<hbm>>, %arg4: memref<320000x16xf32, #tpu.memory_space<hbm>>, %arg5: memref<80xi32, #tpu.memory_space<vmem>>, %arg6: memref<80x16xf32, #tpu.memory_space<vmem>>, %arg7: memref<!tpu.dma_semaphore, #tpu.memory_space<semaphore_mem>>) attributes {dimension_semantics = [#tpu.dimension_semantics<core_parallel>, #tpu.dimension_semantics<subcore_parallel>], iteration_bounds = array<i64: 2, 16>, scalar_prefetch = 0 : i64, scratch_operands = 3 : i64, tpu.core_type = #tpu.core_type<sc_vector_subcore>, window_params = [{transform_indices = #map}, {transform_indices = #map1}, {transform_indices = #map}]} {
    %mul3A = arith.constant 2 : i32
    %mul3A_0 = arith.muli %arg1, %mul3A : i32
    %add3A = arith.addi %mul3A_0, %arg0 : i32
    %scan3A = arith.constant 0 : i32
    %scan3A_1 = arith.constant 0 : i32
    %scan3A_2 = arith.constant 125 : i32
    %scan3A_3 = arith.addi %scan3A_1, %scan3A_2 : i32
    %scan3A_4 = arith.constant 1 : i32
    scf.for %scan3A_6 = %scan3A_1 to %scan3A_3 step %scan3A_4  : i32 {
      %mul3A_7 = arith.constant 10000 : i32
      %mul3A_8 = arith.muli %add3A, %mul3A_7 : i32
      %mul3A_9 = arith.constant 80 : i32
      %mul3A_10 = arith.muli %scan3A_6, %mul3A_9 : i32
      %add3A_11 = arith.addi %mul3A_8, %mul3A_10 : i32
      "tpu.region"() ({
        %run_scoped3A = tpu.sem_alloc : memref<!tpu.dma_semaphore, #tpu.memory_space<semaphore_mem>>
        %dma_start3A_16 = tpu.memref_slice %arg3[%add3A_11] : memref<320000xi32, #tpu.memory_space<hbm>> -> memref<80xi32, #tpu.memory_space<hbm>>
        %dma_start3A_17 = tpu.memref_slice %arg3[%add3A_11] : memref<320000xi32, #tpu.memory_space<hbm>> -> memref<80xi32, #tpu.memory_space<hbm>>
        tpu.enqueue_dma source(%dma_start3A_17 : memref<80xi32, #tpu.memory_space<hbm>>) target(%arg5 : memref<80xi32, #tpu.memory_space<vmem>>) target_semaphore(%run_scoped3A : memref<!tpu.dma_semaphore, #tpu.memory_space<semaphore_mem>>)
        %dma_wait3A_18 = tpu.memref_slice %arg3[%add3A_11] : memref<320000xi32, #tpu.memory_space<hbm>> -> memref<80xi32, #tpu.memory_space<hbm>>
        %dma_wait3A_19 = tpu.memref_slice %arg3[%add3A_11] : memref<320000xi32, #tpu.memory_space<hbm>> -> memref<80xi32, #tpu.memory_space<hbm>>
        tpu.wait_dma2 semaphore(%run_scoped3A : memref<!tpu.dma_semaphore, #tpu.memory_space<semaphore_mem>>) src(%dma_wait3A_19 : memref<80xi32, #tpu.memory_space<hbm>>) dst(%arg5 : memref<80xi32, #tpu.memory_space<vmem>>)
        tpu.yield
      }) : () -> ()
      %dma_start3A = arith.constant 0 : i32
      %dma_start3A_12 = arith.constant 0 : i32
      %dma_start3A_13 = tpu.memref_slice %arg2[%dma_start3A, %dma_start3A_12] : memref<10000x16xf32, #tpu.memory_space<hbm>> -> memref<10000x16xf32, #tpu.memory_space<hbm>>
      tpu.enqueue_indirect_dma source(%dma_start3A_13 : memref<10000x16xf32, #tpu.memory_space<hbm>>) target(%arg6 : memref<80x16xf32, #tpu.memory_space<vmem>>) offsets(%arg5 : memref<80xi32, #tpu.memory_space<vmem>>) semaphore(%arg7 : memref<!tpu.dma_semaphore, #tpu.memory_space<semaphore_mem>>)
      %dma_wait3A = arith.constant 0 : i32
      %dma_wait3A_14 = arith.constant 0 : i32
      %dma_wait3A_15 = tpu.memref_slice %arg2[%dma_wait3A, %dma_wait3A_14] : memref<10000x16xf32, #tpu.memory_space<hbm>> -> memref<10000x16xf32, #tpu.memory_space<hbm>>
      tpu.wait_indirect_dma semaphore(%arg7 : memref<!tpu.dma_semaphore, #tpu.memory_space<semaphore_mem>>) src(%dma_wait3A_15 : memref<10000x16xf32, #tpu.memory_space<hbm>>) dst(%arg6 : memref<80x16xf32, #tpu.memory_space<vmem>>)
      "tpu.region"() ({
        %run_scoped3A = tpu.sem_alloc : memref<!tpu.dma_semaphore, #tpu.memory_space<semaphore_mem>>
        %dma_start3A_16 = arith.constant 0 : i32
        %dma_start3A_17 = tpu.memref_slice %arg4[%add3A_11, %dma_start3A_16] : memref<320000x16xf32, #tpu.memory_space<hbm>> -> memref<80x16xf32, #tpu.memory_space<hbm>>
        %dma_start3A_18 = arith.constant 0 : i32
        %dma_start3A_19 = tpu.memref_slice %arg4[%add3A_11, %dma_start3A_18] : memref<320000x16xf32, #tpu.memory_space<hbm>> -> memref<80x16xf32, #tpu.memory_space<hbm>>
        tpu.enqueue_dma source(%arg6 : memref<80x16xf32, #tpu.memory_space<vmem>>) target(%dma_start3A_19 : memref<80x16xf32, #tpu.memory_space<hbm>>) target_semaphore(%run_scoped3A : memref<!tpu.dma_semaphore, #tpu.memory_space<semaphore_mem>>)
        %dma_wait3A_20 = arith.constant 0 : i32
        %dma_wait3A_21 = tpu.memref_slice %arg4[%add3A_11, %dma_wait3A_20] : memref<320000x16xf32, #tpu.memory_space<hbm>> -> memref<80x16xf32, #tpu.memory_space<hbm>>
        %dma_wait3A_22 = arith.constant 0 : i32
        %dma_wait3A_23 = tpu.memref_slice %arg4[%add3A_11, %dma_wait3A_22] : memref<320000x16xf32, #tpu.memory_space<hbm>> -> memref<80x16xf32, #tpu.memory_space<hbm>>
        tpu.wait_dma2 semaphore(%run_scoped3A : memref<!tpu.dma_semaphore, #tpu.memory_space<semaphore_mem>>) src(%arg6 : memref<80x16xf32, #tpu.memory_space<vmem>>) dst(%dma_wait3A_23 : memref<80x16xf32, #tpu.memory_space<hbm>>)
        tpu.yield
      }) : () -> ()
    }
    %scan3A_5 = arith.constant 125 : i32
    return
  }
}

#map = affine_map<(d0, d1) -> (0, 0)>
#map1 = affine_map<(d0, d1) -> (0)>
module attributes {stable_mosaic.version = 14 : i64} {
  func.func @k(%arg0: i32, %arg1: i32, %arg2: memref<10000x128xf32, #tpu.memory_space<hbm>>, %arg3: memref<320000xi32, #tpu.memory_space<hbm>>, %arg4: memref<320000xi32, #tpu.memory_space<hbm>>, %arg5: memref<320000x128xf32, #tpu.memory_space<hbm>>, %arg6: memref<320000x128xf32, #tpu.memory_space<hbm>>, %arg7: memref<80xi32, #tpu.memory_space<vmem>>, %arg8: memref<80xi32, #tpu.memory_space<vmem>>, %arg9: memref<80x128xf32, #tpu.memory_space<vmem>>, %arg10: memref<80x128xf32, #tpu.memory_space<vmem>>, %arg11: memref<!tpu.dma_semaphore, #tpu.memory_space<semaphore_mem>>, %arg12: memref<!tpu.dma_semaphore, #tpu.memory_space<semaphore_mem>>) attributes {dimension_semantics = [#tpu.dimension_semantics<core_parallel>, #tpu.dimension_semantics<subcore_parallel>], iteration_bounds = array<i64: 2, 16>, scalar_prefetch = 0 : i64, scratch_operands = 6 : i64, tpu.core_type = #tpu.core_type<sc_vector_subcore>, window_params = [{transform_indices = #map}, {transform_indices = #map1}, {transform_indices = #map1}, {transform_indices = #map}, {transform_indices = #map}]} {
    %mul3A = arith.constant 2 : i32
    %mul3A_0 = arith.muli %arg1, %mul3A : i32
    %add3A = arith.addi %mul3A_0, %arg0 : i32
    %scan3A = arith.constant 0 : i32
    %scan3A_1 = arith.constant 0 : i32
    %scan3A_2 = arith.constant 125 : i32
    %scan3A_3 = arith.addi %scan3A_1, %scan3A_2 : i32
    %scan3A_4 = arith.constant 1 : i32
    scf.for %scan3A_6 = %scan3A_1 to %scan3A_3 step %scan3A_4  : i32 {
      %mul3A_7 = arith.constant 10000 : i32
      %mul3A_8 = arith.muli %add3A, %mul3A_7 : i32
      %mul3A_9 = arith.constant 80 : i32
      %mul3A_10 = arith.muli %scan3A_6, %mul3A_9 : i32
      %add3A_11 = arith.addi %mul3A_8, %mul3A_10 : i32
      "tpu.region"() ({
        %run_scoped3A = tpu.sem_alloc : memref<!tpu.dma_semaphore, #tpu.memory_space<semaphore_mem>>
        %dma_start3A_22 = tpu.memref_slice %arg3[%add3A_11] : memref<320000xi32, #tpu.memory_space<hbm>> -> memref<80xi32, #tpu.memory_space<hbm>>
        %dma_start3A_23 = tpu.memref_slice %arg3[%add3A_11] : memref<320000xi32, #tpu.memory_space<hbm>> -> memref<80xi32, #tpu.memory_space<hbm>>
        tpu.enqueue_dma source(%dma_start3A_23 : memref<80xi32, #tpu.memory_space<hbm>>) target(%arg7 : memref<80xi32, #tpu.memory_space<vmem>>) target_semaphore(%run_scoped3A : memref<!tpu.dma_semaphore, #tpu.memory_space<semaphore_mem>>)
        %dma_wait3A_24 = tpu.memref_slice %arg3[%add3A_11] : memref<320000xi32, #tpu.memory_space<hbm>> -> memref<80xi32, #tpu.memory_space<hbm>>
        %dma_wait3A_25 = tpu.memref_slice %arg3[%add3A_11] : memref<320000xi32, #tpu.memory_space<hbm>> -> memref<80xi32, #tpu.memory_space<hbm>>
        tpu.wait_dma2 semaphore(%run_scoped3A : memref<!tpu.dma_semaphore, #tpu.memory_space<semaphore_mem>>) src(%dma_wait3A_25 : memref<80xi32, #tpu.memory_space<hbm>>) dst(%arg7 : memref<80xi32, #tpu.memory_space<vmem>>)
        tpu.yield
      }) : () -> ()
      "tpu.region"() ({
        %run_scoped3A = tpu.sem_alloc : memref<!tpu.dma_semaphore, #tpu.memory_space<semaphore_mem>>
        %dma_start3A_22 = tpu.memref_slice %arg4[%add3A_11] : memref<320000xi32, #tpu.memory_space<hbm>> -> memref<80xi32, #tpu.memory_space<hbm>>
        %dma_start3A_23 = tpu.memref_slice %arg4[%add3A_11] : memref<320000xi32, #tpu.memory_space<hbm>> -> memref<80xi32, #tpu.memory_space<hbm>>
        tpu.enqueue_dma source(%dma_start3A_23 : memref<80xi32, #tpu.memory_space<hbm>>) target(%arg8 : memref<80xi32, #tpu.memory_space<vmem>>) target_semaphore(%run_scoped3A : memref<!tpu.dma_semaphore, #tpu.memory_space<semaphore_mem>>)
        %dma_wait3A_24 = tpu.memref_slice %arg4[%add3A_11] : memref<320000xi32, #tpu.memory_space<hbm>> -> memref<80xi32, #tpu.memory_space<hbm>>
        %dma_wait3A_25 = tpu.memref_slice %arg4[%add3A_11] : memref<320000xi32, #tpu.memory_space<hbm>> -> memref<80xi32, #tpu.memory_space<hbm>>
        tpu.wait_dma2 semaphore(%run_scoped3A : memref<!tpu.dma_semaphore, #tpu.memory_space<semaphore_mem>>) src(%dma_wait3A_25 : memref<80xi32, #tpu.memory_space<hbm>>) dst(%arg8 : memref<80xi32, #tpu.memory_space<vmem>>)
        tpu.yield
      }) : () -> ()
      %dma_start3A = arith.constant 0 : i32
      %dma_start3A_12 = arith.constant 0 : i32
      %dma_start3A_13 = tpu.memref_slice %arg2[%dma_start3A, %dma_start3A_12] : memref<10000x128xf32, #tpu.memory_space<hbm>> -> memref<10000x128xf32, #tpu.memory_space<hbm>>
      tpu.enqueue_indirect_dma source(%dma_start3A_13 : memref<10000x128xf32, #tpu.memory_space<hbm>>) target(%arg9 : memref<80x128xf32, #tpu.memory_space<vmem>>) offsets(%arg7 : memref<80xi32, #tpu.memory_space<vmem>>) semaphore(%arg11 : memref<!tpu.dma_semaphore, #tpu.memory_space<semaphore_mem>>)
      %dma_start3A_14 = arith.constant 0 : i32
      %dma_start3A_15 = arith.constant 0 : i32
      %dma_start3A_16 = tpu.memref_slice %arg2[%dma_start3A_14, %dma_start3A_15] : memref<10000x128xf32, #tpu.memory_space<hbm>> -> memref<10000x128xf32, #tpu.memory_space<hbm>>
      tpu.enqueue_indirect_dma source(%dma_start3A_16 : memref<10000x128xf32, #tpu.memory_space<hbm>>) target(%arg10 : memref<80x128xf32, #tpu.memory_space<vmem>>) offsets(%arg8 : memref<80xi32, #tpu.memory_space<vmem>>) semaphore(%arg12 : memref<!tpu.dma_semaphore, #tpu.memory_space<semaphore_mem>>)
      %dma_wait3A = arith.constant 0 : i32
      %dma_wait3A_17 = arith.constant 0 : i32
      %dma_wait3A_18 = tpu.memref_slice %arg2[%dma_wait3A, %dma_wait3A_17] : memref<10000x128xf32, #tpu.memory_space<hbm>> -> memref<10000x128xf32, #tpu.memory_space<hbm>>
      tpu.wait_indirect_dma semaphore(%arg11 : memref<!tpu.dma_semaphore, #tpu.memory_space<semaphore_mem>>) src(%dma_wait3A_18 : memref<10000x128xf32, #tpu.memory_space<hbm>>) dst(%arg9 : memref<80x128xf32, #tpu.memory_space<vmem>>)
      %dma_wait3A_19 = arith.constant 0 : i32
      %dma_wait3A_20 = arith.constant 0 : i32
      %dma_wait3A_21 = tpu.memref_slice %arg2[%dma_wait3A_19, %dma_wait3A_20] : memref<10000x128xf32, #tpu.memory_space<hbm>> -> memref<10000x128xf32, #tpu.memory_space<hbm>>
      tpu.wait_indirect_dma semaphore(%arg12 : memref<!tpu.dma_semaphore, #tpu.memory_space<semaphore_mem>>) src(%dma_wait3A_21 : memref<10000x128xf32, #tpu.memory_space<hbm>>) dst(%arg10 : memref<80x128xf32, #tpu.memory_space<vmem>>)
      "tpu.region"() ({
        %run_scoped3A = tpu.sem_alloc : memref<!tpu.dma_semaphore, #tpu.memory_space<semaphore_mem>>
        %dma_start3A_22 = arith.constant 0 : i32
        %dma_start3A_23 = tpu.memref_slice %arg5[%add3A_11, %dma_start3A_22] : memref<320000x128xf32, #tpu.memory_space<hbm>> -> memref<80x128xf32, #tpu.memory_space<hbm>>
        %dma_start3A_24 = arith.constant 0 : i32
        %dma_start3A_25 = tpu.memref_slice %arg5[%add3A_11, %dma_start3A_24] : memref<320000x128xf32, #tpu.memory_space<hbm>> -> memref<80x128xf32, #tpu.memory_space<hbm>>
        tpu.enqueue_dma source(%arg9 : memref<80x128xf32, #tpu.memory_space<vmem>>) target(%dma_start3A_25 : memref<80x128xf32, #tpu.memory_space<hbm>>) target_semaphore(%run_scoped3A : memref<!tpu.dma_semaphore, #tpu.memory_space<semaphore_mem>>)
        %dma_wait3A_26 = arith.constant 0 : i32
        %dma_wait3A_27 = tpu.memref_slice %arg5[%add3A_11, %dma_wait3A_26] : memref<320000x128xf32, #tpu.memory_space<hbm>> -> memref<80x128xf32, #tpu.memory_space<hbm>>
        %dma_wait3A_28 = arith.constant 0 : i32
        %dma_wait3A_29 = tpu.memref_slice %arg5[%add3A_11, %dma_wait3A_28] : memref<320000x128xf32, #tpu.memory_space<hbm>> -> memref<80x128xf32, #tpu.memory_space<hbm>>
        tpu.wait_dma2 semaphore(%run_scoped3A : memref<!tpu.dma_semaphore, #tpu.memory_space<semaphore_mem>>) src(%arg9 : memref<80x128xf32, #tpu.memory_space<vmem>>) dst(%dma_wait3A_29 : memref<80x128xf32, #tpu.memory_space<hbm>>)
        tpu.yield
      }) : () -> ()
      "tpu.region"() ({
        %run_scoped3A = tpu.sem_alloc : memref<!tpu.dma_semaphore, #tpu.memory_space<semaphore_mem>>
        %dma_start3A_22 = arith.constant 0 : i32
        %dma_start3A_23 = tpu.memref_slice %arg6[%add3A_11, %dma_start3A_22] : memref<320000x128xf32, #tpu.memory_space<hbm>> -> memref<80x128xf32, #tpu.memory_space<hbm>>
        %dma_start3A_24 = arith.constant 0 : i32
        %dma_start3A_25 = tpu.memref_slice %arg6[%add3A_11, %dma_start3A_24] : memref<320000x128xf32, #tpu.memory_space<hbm>> -> memref<80x128xf32, #tpu.memory_space<hbm>>
        tpu.enqueue_dma source(%arg10 : memref<80x128xf32, #tpu.memory_space<vmem>>) target(%dma_start3A_25 : memref<80x128xf32, #tpu.memory_space<hbm>>) target_semaphore(%run_scoped3A : memref<!tpu.dma_semaphore, #tpu.memory_space<semaphore_mem>>)
        %dma_wait3A_26 = arith.constant 0 : i32
        %dma_wait3A_27 = tpu.memref_slice %arg6[%add3A_11, %dma_wait3A_26] : memref<320000x128xf32, #tpu.memory_space<hbm>> -> memref<80x128xf32, #tpu.memory_space<hbm>>
        %dma_wait3A_28 = arith.constant 0 : i32
        %dma_wait3A_29 = tpu.memref_slice %arg6[%add3A_11, %dma_wait3A_28] : memref<320000x128xf32, #tpu.memory_space<hbm>> -> memref<80x128xf32, #tpu.memory_space<hbm>>
        tpu.wait_dma2 semaphore(%run_scoped3A : memref<!tpu.dma_semaphore, #tpu.memory_space<semaphore_mem>>) src(%arg10 : memref<80x128xf32, #tpu.memory_space<vmem>>) dst(%dma_wait3A_29 : memref<80x128xf32, #tpu.memory_space<hbm>>)
        tpu.yield
      }) : () -> ()
    }
    %scan3A_5 = arith.constant 125 : i32
    return
  }
}

module attributes {stable_mosaic.version = 14 : i64} {
  func.func @_pass1_body(%arg0: i32, %arg1: memref<2560x128xf32, #tpu.memory_space<vmem>>, %arg2: memref<2560x128xf32, #tpu.memory_space<vmem>>, %arg3: memref<2560x128xf32, #tpu.memory_space<vmem>>, %arg4: memref<256x512xbf16, #tpu.memory_space<vmem>>, %arg5: memref<4x128xf32, #tpu.memory_space<vmem>>, %arg6: memref<4x128xf32, #tpu.memory_space<vmem>>, %arg7: memref<2560x4xf32, #tpu.memory_space<vmem>>, %arg8: memref<8x128xf32, #tpu.memory_space<vmem>>, %arg9: memref<8x128xf32, #tpu.memory_space<vmem>>) attributes {dimension_semantics = [#tpu.dimension_semantics<arbitrary>], iteration_bounds = array<i64: 125>, scalar_prefetch = 0 : i64, scratch_operands = 0 : i64, tpu.core_type = #tpu.core_type<tc>, window_params = [{transform_indices = @transform_0, window_bounds = array<i64: 2560, 128>}, {transform_indices = @transform_1, window_bounds = array<i64: 2560, 128>}, {transform_indices = @transform_2, window_bounds = array<i64: 2560, 128>}, {pipeline_mode = #tpu.pipeline_mode<synchronous>, transform_indices = @transform_3, window_bounds = array<i64: 256, 512>}, {pipeline_mode = #tpu.pipeline_mode<synchronous>, transform_indices = @transform_4, window_bounds = array<i64: 4, 128>}, {pipeline_mode = #tpu.pipeline_mode<synchronous>, transform_indices = @transform_5, window_bounds = array<i64: 4, 128>}, {transform_indices = @transform_6, window_bounds = array<i64: 2560, 4>}, {pipeline_mode = #tpu.pipeline_mode<synchronous>, transform_indices = @transform_7, window_bounds = array<i64: 8, 128>}, {pipeline_mode = #tpu.pipeline_mode<synchronous>, transform_indices = @transform_8, window_bounds = array<i64: 8, 128>}]} {
    %get3A = arith.constant 0 : index
    %get3A_0 = arith.constant 0 : index
    %get3A_1 = vector.load %arg4[%get3A, %get3A_0] : memref<256x512xbf16, #tpu.memory_space<vmem>>, vector<128x512xbf16>
    %get3A_2 = arith.constant 128 : index
    %get3A_3 = arith.constant 0 : index
    %get3A_4 = vector.load %arg4[%get3A_2, %get3A_3] : memref<256x512xbf16, #tpu.memory_space<vmem>>, vector<128x512xbf16>
    %get3A_5 = arith.constant 0 : index
    %get3A_6 = arith.constant 0 : index
    %get3A_7 = vector.load %arg3[%get3A_5, %get3A_6] : memref<2560x128xf32, #tpu.memory_space<vmem>>, vector<2560x128xf32>
    %convert_element_type3A = arith.truncf %get3A_7 : vector<2560x128xf32> to vector<2560x128xbf16>
    %dot_general3A = arith.constant dense<0.000000e+00> : vector<2560x512xf32>
    %dot_general3A_8 = tpu.matmul %convert_element_type3A, %get3A_4, %dot_general3A {dimension_numbers = #tpu.dot_dimension_numbers<[1], [0], [0], [1], [0, 0, 1, 1], [], []>, transpose_lhs_hint = false} : vector<2560x128xbf16>, vector<128x512xbf16>, vector<2560x512xf32> -> vector<2560x512xf32>
    %get3A_9 = arith.constant 0 : index
    %get3A_10 = arith.constant 0 : index
    %get3A_11 = vector.load %arg1[%get3A_9, %get3A_10] : memref<2560x128xf32, #tpu.memory_space<vmem>>, vector<2560x128xf32>
    %convert_element_type3A_12 = arith.truncf %get3A_11 : vector<2560x128xf32> to vector<2560x128xbf16>
    %dot_general3A_13 = arith.constant dense<0.000000e+00> : vector<2560x512xf32>
    %dot_general3A_14 = tpu.matmul %convert_element_type3A_12, %get3A_1, %dot_general3A_13 {dimension_numbers = #tpu.dot_dimension_numbers<[1], [0], [0], [1], [0, 0, 1, 1], [], []>, transpose_lhs_hint = false} : vector<2560x128xbf16>, vector<128x512xbf16>, vector<2560x512xf32> -> vector<2560x512xf32>
    %add3A = arith.addf %dot_general3A_14, %dot_general3A_8 : vector<2560x512xf32>
    %logistic3A = arith.negf %add3A : vector<2560x512xf32>
    %logistic3A_15 = math.exp %logistic3A : vector<2560x512xf32>
    %logistic3A_16 = arith.constant 1.000000e+00 : f32
    %logistic3A_17 = vector.broadcast %logistic3A_16 : f32 to vector<2560x512xf32>
    %logistic3A_18 = arith.addf %logistic3A_17, %logistic3A_15 : vector<2560x512xf32>
    %logistic3A_19 = arith.divf %logistic3A_17, %logistic3A_18 : vector<2560x512xf32>
    %mul3A = arith.mulf %add3A, %logistic3A_19 : vector<2560x512xf32>
    %get3A_20 = arith.constant 0 : index
    %get3A_21 = arith.constant 0 : index
    %get3A_22 = vector.load %arg2[%get3A_20, %get3A_21] : memref<2560x128xf32, #tpu.memory_space<vmem>>, vector<2560x128xf32>
    %convert_element_type3A_23 = arith.truncf %get3A_22 : vector<2560x128xf32> to vector<2560x128xbf16>
    %dot_general3A_24 = arith.constant dense<0.000000e+00> : vector<2560x512xf32>
    %dot_general3A_25 = tpu.matmul %convert_element_type3A_23, %get3A_1, %dot_general3A_24 {dimension_numbers = #tpu.dot_dimension_numbers<[1], [0], [0], [1], [0, 0, 1, 1], [], []>, transpose_lhs_hint = false} : vector<2560x128xbf16>, vector<128x512xbf16>, vector<2560x512xf32> -> vector<2560x512xf32>
    %add3A_26 = arith.addf %dot_general3A_25, %dot_general3A_8 : vector<2560x512xf32>
    %logistic3A_27 = arith.negf %add3A_26 : vector<2560x512xf32>
    %logistic3A_28 = math.exp %logistic3A_27 : vector<2560x512xf32>
    %logistic3A_29 = arith.constant 1.000000e+00 : f32
    %logistic3A_30 = vector.broadcast %logistic3A_29 : f32 to vector<2560x512xf32>
    %logistic3A_31 = arith.addf %logistic3A_30, %logistic3A_28 : vector<2560x512xf32>
    %logistic3A_32 = arith.divf %logistic3A_30, %logistic3A_31 : vector<2560x512xf32>
    %mul3A_33 = arith.mulf %add3A_26, %logistic3A_32 : vector<2560x512xf32>
    %slice3A = vector.extract_strided_slice %mul3A {offsets = [0, 0], sizes = [2560, 128], strides = [1, 1]} : vector<2560x512xf32> to vector<2560x128xf32>
    %get3A_34 = arith.constant 0 : index
    %get3A_35 = arith.constant 0 : index
    %get3A_36 = vector.load %arg5[%get3A_34, %get3A_35] : memref<4x128xf32, #tpu.memory_space<vmem>>, vector<1x128xf32>
    %get3A_37 = vector.shape_cast %get3A_36 : vector<1x128xf32> to vector<128xf32>
    %broadcast_in_dim3A = vector.shape_cast %get3A_37 : vector<128xf32> to vector<1x128xf32>
    %mul3A_38 = vector.broadcast %broadcast_in_dim3A : vector<1x128xf32> to vector<2560x128xf32>
    %mul3A_39 = arith.mulf %slice3A, %mul3A_38 : vector<2560x128xf32>
    %slice3A_40 = vector.extract_strided_slice %mul3A_33 {offsets = [0, 0], sizes = [2560, 128], strides = [1, 1]} : vector<2560x512xf32> to vector<2560x128xf32>
    %get3A_41 = arith.constant 0 : index
    %get3A_42 = arith.constant 0 : index
    %get3A_43 = vector.load %arg6[%get3A_41, %get3A_42] : memref<4x128xf32, #tpu.memory_space<vmem>>, vector<1x128xf32>
    %get3A_44 = vector.shape_cast %get3A_43 : vector<1x128xf32> to vector<128xf32>
    %broadcast_in_dim3A_45 = vector.shape_cast %get3A_44 : vector<128xf32> to vector<1x128xf32>
    %mul3A_46 = vector.broadcast %broadcast_in_dim3A_45 : vector<1x128xf32> to vector<2560x128xf32>
    %mul3A_47 = arith.mulf %slice3A_40, %mul3A_46 : vector<2560x128xf32>
    %add3A_48 = arith.addf %mul3A_39, %mul3A_47 : vector<2560x128xf32>
    %reduce_sum3A = arith.constant dense<0.000000e+00> : vector<2560xf32>
    %reduce_sum3A_49 = vector.multi_reduction <add>, %add3A_48, %reduce_sum3A [1] : vector<2560x128xf32> to vector<2560xf32>
    %slice3A_50 = vector.extract_strided_slice %mul3A {offsets = [0, 128], sizes = [2560, 128], strides = [1, 1]} : vector<2560x512xf32> to vector<2560x128xf32>
    %get3A_51 = arith.constant 1 : index
    %get3A_52 = arith.constant 0 : index
    %get3A_53 = vector.load %arg5[%get3A_51, %get3A_52] : memref<4x128xf32, #tpu.memory_space<vmem>>, vector<1x128xf32>
    %get3A_54 = vector.shape_cast %get3A_53 : vector<1x128xf32> to vector<128xf32>
    %broadcast_in_dim3A_55 = vector.shape_cast %get3A_54 : vector<128xf32> to vector<1x128xf32>
    %mul3A_56 = vector.broadcast %broadcast_in_dim3A_55 : vector<1x128xf32> to vector<2560x128xf32>
    %mul3A_57 = arith.mulf %slice3A_50, %mul3A_56 : vector<2560x128xf32>
    %slice3A_58 = vector.extract_strided_slice %mul3A_33 {offsets = [0, 128], sizes = [2560, 128], strides = [1, 1]} : vector<2560x512xf32> to vector<2560x128xf32>
    %get3A_59 = arith.constant 1 : index
    %get3A_60 = arith.constant 0 : index
    %get3A_61 = vector.load %arg6[%get3A_59, %get3A_60] : memref<4x128xf32, #tpu.memory_space<vmem>>, vector<1x128xf32>
    %get3A_62 = vector.shape_cast %get3A_61 : vector<1x128xf32> to vector<128xf32>
    %broadcast_in_dim3A_63 = vector.shape_cast %get3A_62 : vector<128xf32> to vector<1x128xf32>
    %mul3A_64 = vector.broadcast %broadcast_in_dim3A_63 : vector<1x128xf32> to vector<2560x128xf32>
    %mul3A_65 = arith.mulf %slice3A_58, %mul3A_64 : vector<2560x128xf32>
    %add3A_66 = arith.addf %mul3A_57, %mul3A_65 : vector<2560x128xf32>
    %reduce_sum3A_67 = arith.constant dense<0.000000e+00> : vector<2560xf32>
    %reduce_sum3A_68 = vector.multi_reduction <add>, %add3A_66, %reduce_sum3A_67 [1] : vector<2560x128xf32> to vector<2560xf32>
    %slice3A_69 = vector.extract_strided_slice %mul3A {offsets = [0, 256], sizes = [2560, 128], strides = [1, 1]} : vector<2560x512xf32> to vector<2560x128xf32>
    %get3A_70 = arith.constant 2 : index
    %get3A_71 = arith.constant 0 : index
    %get3A_72 = vector.load %arg5[%get3A_70, %get3A_71] : memref<4x128xf32, #tpu.memory_space<vmem>>, vector<1x128xf32>
    %get3A_73 = vector.shape_cast %get3A_72 : vector<1x128xf32> to vector<128xf32>
    %broadcast_in_dim3A_74 = vector.shape_cast %get3A_73 : vector<128xf32> to vector<1x128xf32>
    %mul3A_75 = vector.broadcast %broadcast_in_dim3A_74 : vector<1x128xf32> to vector<2560x128xf32>
    %mul3A_76 = arith.mulf %slice3A_69, %mul3A_75 : vector<2560x128xf32>
    %slice3A_77 = vector.extract_strided_slice %mul3A_33 {offsets = [0, 256], sizes = [2560, 128], strides = [1, 1]} : vector<2560x512xf32> to vector<2560x128xf32>
    %get3A_78 = arith.constant 2 : index
    %get3A_79 = arith.constant 0 : index
    %get3A_80 = vector.load %arg6[%get3A_78, %get3A_79] : memref<4x128xf32, #tpu.memory_space<vmem>>, vector<1x128xf32>
    %get3A_81 = vector.shape_cast %get3A_80 : vector<1x128xf32> to vector<128xf32>
    %broadcast_in_dim3A_82 = vector.shape_cast %get3A_81 : vector<128xf32> to vector<1x128xf32>
    %mul3A_83 = vector.broadcast %broadcast_in_dim3A_82 : vector<1x128xf32> to vector<2560x128xf32>
    %mul3A_84 = arith.mulf %slice3A_77, %mul3A_83 : vector<2560x128xf32>
    %add3A_85 = arith.addf %mul3A_76, %mul3A_84 : vector<2560x128xf32>
    %reduce_sum3A_86 = arith.constant dense<0.000000e+00> : vector<2560xf32>
    %reduce_sum3A_87 = vector.multi_reduction <add>, %add3A_85, %reduce_sum3A_86 [1] : vector<2560x128xf32> to vector<2560xf32>
    %slice3A_88 = vector.extract_strided_slice %mul3A {offsets = [0, 384], sizes = [2560, 128], strides = [1, 1]} : vector<2560x512xf32> to vector<2560x128xf32>
    %get3A_89 = arith.constant 3 : index
    %get3A_90 = arith.constant 0 : index
    %get3A_91 = vector.load %arg5[%get3A_89, %get3A_90] : memref<4x128xf32, #tpu.memory_space<vmem>>, vector<1x128xf32>
    %get3A_92 = vector.shape_cast %get3A_91 : vector<1x128xf32> to vector<128xf32>
    %broadcast_in_dim3A_93 = vector.shape_cast %get3A_92 : vector<128xf32> to vector<1x128xf32>
    %mul3A_94 = vector.broadcast %broadcast_in_dim3A_93 : vector<1x128xf32> to vector<2560x128xf32>
    %mul3A_95 = arith.mulf %slice3A_88, %mul3A_94 : vector<2560x128xf32>
    %slice3A_96 = vector.extract_strided_slice %mul3A_33 {offsets = [0, 384], sizes = [2560, 128], strides = [1, 1]} : vector<2560x512xf32> to vector<2560x128xf32>
    %get3A_97 = arith.constant 3 : index
    %get3A_98 = arith.constant 0 : index
    %get3A_99 = vector.load %arg6[%get3A_97, %get3A_98] : memref<4x128xf32, #tpu.memory_space<vmem>>, vector<1x128xf32>
    %get3A_100 = vector.shape_cast %get3A_99 : vector<1x128xf32> to vector<128xf32>
    %broadcast_in_dim3A_101 = vector.shape_cast %get3A_100 : vector<128xf32> to vector<1x128xf32>
    %mul3A_102 = vector.broadcast %broadcast_in_dim3A_101 : vector<1x128xf32> to vector<2560x128xf32>
    %mul3A_103 = arith.mulf %slice3A_96, %mul3A_102 : vector<2560x128xf32>
    %add3A_104 = arith.addf %mul3A_95, %mul3A_103 : vector<2560x128xf32>
    %reduce_sum3A_105 = arith.constant dense<0.000000e+00> : vector<2560xf32>
    %reduce_sum3A_106 = vector.multi_reduction <add>, %add3A_104, %reduce_sum3A_105 [1] : vector<2560x128xf32> to vector<2560xf32>
    %stack3A = vector.shape_cast %reduce_sum3A_49 : vector<2560xf32> to vector<2560x1xf32>
    %stack3A_107 = vector.shape_cast %reduce_sum3A_68 : vector<2560xf32> to vector<2560x1xf32>
    %stack3A_108 = vector.shape_cast %reduce_sum3A_87 : vector<2560xf32> to vector<2560x1xf32>
    %stack3A_109 = vector.shape_cast %reduce_sum3A_106 : vector<2560xf32> to vector<2560x1xf32>
    %stack3A_110 = tpu.concatenate %stack3A, %stack3A_107, %stack3A_108, %stack3A_109 in 1 : vector<2560x1xf32>, vector<2560x1xf32>, vector<2560x1xf32>, vector<2560x1xf32> -> vector<2560x4xf32>
    %logistic3A_111 = arith.negf %stack3A_110 : vector<2560x4xf32>
    %logistic3A_112 = math.exp %logistic3A_111 : vector<2560x4xf32>
    %logistic3A_113 = arith.constant 1.000000e+00 : f32
    %logistic3A_114 = vector.broadcast %logistic3A_113 : f32 to vector<2560x4xf32>
    %logistic3A_115 = arith.addf %logistic3A_114, %logistic3A_112 : vector<2560x4xf32>
    %logistic3A_116 = arith.divf %logistic3A_114, %logistic3A_115 : vector<2560x4xf32>
    %mul3A_117 = arith.mulf %stack3A_110, %logistic3A_116 : vector<2560x4xf32>
    %swap3A = arith.constant 0 : index
    %swap3A_118 = arith.constant 0 : index
    %swap3A_119 = vector.load %arg7[%swap3A, %swap3A_118] : memref<2560x4xf32, #tpu.memory_space<vmem>>, vector<2560x4xf32>
    tpu.vector_store %arg7[%swap3A, %swap3A_118], %mul3A_117 {strides = array<i32>} : memref<2560x4xf32, #tpu.memory_space<vmem>>, vector<2560x4xf32>,
    %reduce_sum3A_120 = arith.constant dense<0.000000e+00> : vector<4xf32>
    %reduce_sum3A_121 = vector.multi_reduction <add>, %mul3A_117, %reduce_sum3A_120 [0] : vector<2560x4xf32> to vector<4xf32>
    %mul3A_122 = arith.mulf %mul3A_117, %mul3A_117 : vector<2560x4xf32>
    %reduce_sum3A_123 = arith.constant dense<0.000000e+00> : vector<4xf32>
    %reduce_sum3A_124 = vector.multi_reduction <add>, %mul3A_122, %reduce_sum3A_123 [0] : vector<2560x4xf32> to vector<4xf32>
    %reduce_max3A = arith.constant dense<0xFF800000> : vector<4xf32>
    %reduce_max3A_125 = vector.multi_reduction <maximumf>, %mul3A_117, %reduce_max3A [0] : vector<2560x4xf32> to vector<4xf32>
    %reduce_min3A = arith.constant dense<0x7F800000> : vector<4xf32>
    %reduce_min3A_126 = vector.multi_reduction <minimumf>, %mul3A_117, %reduce_min3A [0] : vector<2560x4xf32> to vector<4xf32>
    %broadcast_in_dim3A_127 = arith.constant 0.000000e+00 : f32
    %broadcast_in_dim3A_128 = vector.broadcast %broadcast_in_dim3A_127 : f32 to vector<124xf32>
    %concatenate3A = tpu.concatenate %reduce_sum3A_121, %broadcast_in_dim3A_128 in 0 : vector<4xf32>, vector<124xf32> -> vector<128xf32>
    %broadcast_in_dim3A_129 = vector.shape_cast %concatenate3A : vector<128xf32> to vector<1x128xf32>
    %concatenate3A_130 = tpu.concatenate %reduce_sum3A_124, %broadcast_in_dim3A_128 in 0 : vector<4xf32>, vector<124xf32> -> vector<128xf32>
    %broadcast_in_dim3A_131 = vector.shape_cast %concatenate3A_130 : vector<128xf32> to vector<1x128xf32>
    %broadcast_in_dim3A_132 = arith.constant 0.000000e+00 : f32
    %broadcast_in_dim3A_133 = vector.broadcast %broadcast_in_dim3A_132 : f32 to vector<6x128xf32>
    %concatenate3A_134 = tpu.concatenate %broadcast_in_dim3A_129, %broadcast_in_dim3A_131, %broadcast_in_dim3A_133 in 0 : vector<1x128xf32>, vector<1x128xf32>, vector<6x128xf32> -> vector<8x128xf32>
    %broadcast_in_dim3A_135 = arith.constant -1.000000e+30 : f32
    %broadcast_in_dim3A_136 = vector.broadcast %broadcast_in_dim3A_135 : f32 to vector<124xf32>
    %concatenate3A_137 = tpu.concatenate %reduce_max3A_125, %broadcast_in_dim3A_136 in 0 : vector<4xf32>, vector<124xf32> -> vector<128xf32>
    %broadcast_in_dim3A_138 = vector.shape_cast %concatenate3A_137 : vector<128xf32> to vector<1x128xf32>
    %neg3A = arith.constant 0.000000e+00 : f32
    %neg3A_139 = vector.broadcast %neg3A : f32 to vector<4xf32>
    %neg3A_140 = arith.subf %neg3A_139, %reduce_min3A_126 : vector<4xf32>
    %concatenate3A_141 = tpu.concatenate %neg3A_140, %broadcast_in_dim3A_136 in 0 : vector<4xf32>, vector<124xf32> -> vector<128xf32>
    %broadcast_in_dim3A_142 = vector.shape_cast %concatenate3A_141 : vector<128xf32> to vector<1x128xf32>
    %broadcast_in_dim3A_143 = arith.constant -1.000000e+30 : f32
    %broadcast_in_dim3A_144 = vector.broadcast %broadcast_in_dim3A_143 : f32 to vector<6x128xf32>
    %concatenate3A_145 = tpu.concatenate %broadcast_in_dim3A_138, %broadcast_in_dim3A_142, %broadcast_in_dim3A_144 in 0 : vector<1x128xf32>, vector<1x128xf32>, vector<6x128xf32> -> vector<8x128xf32>
    %eq3A = arith.constant 0 : i32
    %eq3A_146 = arith.cmpi eq, %arg0, %eq3A : i32
    %convert_element_type3A_147 = arith.extui %eq3A_146 : i1 to i32
    %cond3A = arith.constant 0 : i32
    %cond3A_148 = arith.cmpi ne, %convert_element_type3A_147, %cond3A : i32
    scf.if %cond3A_148 {
      %broadcast_in_dim3A_162 = arith.constant 0.000000e+00 : f32
      %broadcast_in_dim3A_163 = vector.broadcast %broadcast_in_dim3A_162 : f32 to vector<8x128xf32>
      %swap3A_164 = arith.constant 0 : index
      %swap3A_165 = arith.constant 0 : index
      %swap3A_166 = vector.load %arg8[%swap3A_164, %swap3A_165] : memref<8x128xf32, #tpu.memory_space<vmem>>, vector<8x128xf32>
      tpu.vector_store %arg8[%swap3A_164, %swap3A_165], %broadcast_in_dim3A_163 {strides = array<i32>} : memref<8x128xf32, #tpu.memory_space<vmem>>, vector<8x128xf32>,
      %broadcast_in_dim3A_167 = arith.constant -1.000000e+30 : f32
      %broadcast_in_dim3A_168 = vector.broadcast %broadcast_in_dim3A_167 : f32 to vector<8x128xf32>
      %swap3A_169 = arith.constant 0 : index
      %swap3A_170 = arith.constant 0 : index
      %swap3A_171 = vector.load %arg9[%swap3A_169, %swap3A_170] : memref<8x128xf32, #tpu.memory_space<vmem>>, vector<8x128xf32>
      tpu.vector_store %arg9[%swap3A_169, %swap3A_170], %broadcast_in_dim3A_168 {strides = array<i32>} : memref<8x128xf32, #tpu.memory_space<vmem>>, vector<8x128xf32>,
    } else {
    }
    %get3A_149 = arith.constant 0 : index
    %get3A_150 = arith.constant 0 : index
    %get3A_151 = vector.load %arg8[%get3A_149, %get3A_150] : memref<8x128xf32, #tpu.memory_space<vmem>>, vector<8x128xf32>
    %add3A_152 = arith.addf %get3A_151, %concatenate3A_134 : vector<8x128xf32>
    %swap3A_153 = arith.constant 0 : index
    %swap3A_154 = arith.constant 0 : index
    %swap3A_155 = vector.load %arg8[%swap3A_153, %swap3A_154] : memref<8x128xf32, #tpu.memory_space<vmem>>, vector<8x128xf32>
    tpu.vector_store %arg8[%swap3A_153, %swap3A_154], %add3A_152 {strides = array<i32>} : memref<8x128xf32, #tpu.memory_space<vmem>>, vector<8x128xf32>,
    %get3A_156 = arith.constant 0 : index
    %get3A_157 = arith.constant 0 : index
    %get3A_158 = vector.load %arg9[%get3A_156, %get3A_157] : memref<8x128xf32, #tpu.memory_space<vmem>>, vector<8x128xf32>
    %max3A = arith.maximumf %get3A_158, %concatenate3A_145 : vector<8x128xf32>
    %swap3A_159 = arith.constant 0 : index
    %swap3A_160 = arith.constant 0 : index
    %swap3A_161 = vector.load %arg9[%swap3A_159, %swap3A_160] : memref<8x128xf32, #tpu.memory_space<vmem>>, vector<8x128xf32>
    tpu.vector_store %arg9[%swap3A_159, %swap3A_160], %max3A {strides = array<i32>} : memref<8x128xf32, #tpu.memory_space<vmem>>, vector<8x128xf32>,
    return
  }
  func.func @transform_0(%arg0: i32) -> (i32, i32) {
    %c0_i32 = arith.constant 0 : i32
    %c0_i32_0 = arith.constant 0 : i32
    return %arg0, %c0_i32 : i32, i32
  }
  func.func @transform_1(%arg0: i32) -> (i32, i32) {
    %c0_i32 = arith.constant 0 : i32
    %c0_i32_0 = arith.constant 0 : i32
    return %arg0, %c0_i32 : i32, i32
  }
  func.func @transform_2(%arg0: i32) -> (i32, i32) {
    %c0_i32 = arith.constant 0 : i32
    %c0_i32_0 = arith.constant 0 : i32
    return %arg0, %c0_i32 : i32, i32
  }
  func.func @transform_3(%arg0: i32) -> (i32, i32) {
    %c0_i32 = arith.constant 0 : i32
    %c0_i32_0 = arith.constant 0 : i32
    %c0_i32_1 = arith.constant 0 : i32
    return %c0_i32, %c0_i32_0 : i32, i32
  }
  func.func @transform_4(%arg0: i32) -> (i32, i32) {
    %c0_i32 = arith.constant 0 : i32
    %c0_i32_0 = arith.constant 0 : i32
    %c0_i32_1 = arith.constant 0 : i32
    return %c0_i32, %c0_i32_0 : i32, i32
  }
  func.func @transform_5(%arg0: i32) -> (i32, i32) {
    %c0_i32 = arith.constant 0 : i32
    %c0_i32_0 = arith.constant 0 : i32
    %c0_i32_1 = arith.constant 0 : i32
    return %c0_i32, %c0_i32_0 : i32, i32
  }
  func.func @transform_6(%arg0: i32) -> (i32, i32) {
    %c0_i32 = arith.constant 0 : i32
    %c0_i32_0 = arith.constant 0 : i32
    return %arg0, %c0_i32 : i32, i32
  }
  func.func @transform_7(%arg0: i32) -> (i32, i32) {
    %c0_i32 = arith.constant 0 : i32
    %c0_i32_0 = arith.constant 0 : i32
    %c0_i32_1 = arith.constant 0 : i32
    return %c0_i32, %c0_i32_0 : i32, i32
  }
  func.func @transform_8(%arg0: i32) -> (i32, i32) {
    %c0_i32 = arith.constant 0 : i32
    %c0_i32_0 = arith.constant 0 : i32
    %c0_i32_1 = arith.constant 0 : i32
    return %c0_i32, %c0_i32_0 : i32, i32
  }
}

module attributes {stable_mosaic.version = 14 : i64} {
  func.func @_ex_body(%arg0: i32, %arg1: memref<2560x4xf32, #tpu.memory_space<vmem>>, %arg2: memref<8x128xf32, #tpu.memory_space<vmem>>, %arg3: memref<2560x16xf32, #tpu.memory_space<vmem>>) attributes {dimension_semantics = [#tpu.dimension_semantics<arbitrary>], iteration_bounds = array<i64: 125>, scalar_prefetch = 0 : i64, scratch_operands = 0 : i64, tpu.core_type = #tpu.core_type<tc>, window_params = [{transform_indices = @transform_0, window_bounds = array<i64: 2560, 4>}, {pipeline_mode = #tpu.pipeline_mode<synchronous>, transform_indices = @transform_1, window_bounds = array<i64: 8, 128>}, {transform_indices = @transform_2, window_bounds = array<i64: 2560, 16>}]} {
    %get3A = arith.constant 0 : index
    %get3A_0 = arith.constant 0 : index
    %get3A_1 = vector.load %arg1[%get3A, %get3A_0] : memref<2560x4xf32, #tpu.memory_space<vmem>>, vector<2560x4xf32>
    %get3A_2 = arith.constant 0 : index
    %get3A_3 = arith.constant 0 : index
    %get3A_4 = vector.load %arg2[%get3A_2, %get3A_3] : memref<8x128xf32, #tpu.memory_space<vmem>>, vector<1x4xf32>
    %get3A_5 = arith.constant 1 : index
    %get3A_6 = arith.constant 0 : index
    %get3A_7 = vector.load %arg2[%get3A_5, %get3A_6] : memref<8x128xf32, #tpu.memory_space<vmem>>, vector<1x4xf32>
    %get3A_8 = arith.constant 2 : index
    %get3A_9 = arith.constant 0 : index
    %get3A_10 = vector.load %arg2[%get3A_8, %get3A_9] : memref<8x128xf32, #tpu.memory_space<vmem>>, vector<1x4xf32>
    %mul3A = vector.broadcast %get3A_4 : vector<1x4xf32> to vector<2560x4xf32>
    %mul3A_11 = arith.mulf %get3A_1, %mul3A : vector<2560x4xf32>
    %add3A = vector.broadcast %get3A_7 : vector<1x4xf32> to vector<2560x4xf32>
    %add3A_12 = arith.addf %mul3A_11, %add3A : vector<2560x4xf32>
    %logistic3A = arith.negf %add3A_12 : vector<2560x4xf32>
    %logistic3A_13 = math.exp %logistic3A : vector<2560x4xf32>
    %logistic3A_14 = arith.constant 1.000000e+00 : f32
    %logistic3A_15 = vector.broadcast %logistic3A_14 : f32 to vector<2560x4xf32>
    %logistic3A_16 = arith.addf %logistic3A_15, %logistic3A_13 : vector<2560x4xf32>
    %logistic3A_17 = arith.divf %logistic3A_15, %logistic3A_16 : vector<2560x4xf32>
    %mul3A_18 = arith.mulf %add3A_12, %logistic3A_17 : vector<2560x4xf32>
    %sub3A = vector.broadcast %get3A_10 : vector<1x4xf32> to vector<2560x4xf32>
    %sub3A_19 = arith.subf %mul3A_18, %sub3A : vector<2560x4xf32>
    %exp3A = math.exp %sub3A_19 : vector<2560x4xf32>
    %broadcast_in_dim3A = arith.constant 0.000000e+00 : f32
    %broadcast_in_dim3A_20 = vector.broadcast %broadcast_in_dim3A : f32 to vector<2560x12xf32>
    %concatenate3A = tpu.concatenate %exp3A, %broadcast_in_dim3A_20 in 1 : vector<2560x4xf32>, vector<2560x12xf32> -> vector<2560x16xf32>
    %swap3A = arith.constant 0 : index
    %swap3A_21 = arith.constant 0 : index
    %swap3A_22 = vector.load %arg3[%swap3A, %swap3A_21] : memref<2560x16xf32, #tpu.memory_space<vmem>>, vector<2560x16xf32>
    tpu.vector_store %arg3[%swap3A, %swap3A_21], %concatenate3A {strides = array<i32>} : memref<2560x16xf32, #tpu.memory_space<vmem>>, vector<2560x16xf32>,
    return
  }
  func.func @transform_0(%arg0: i32) -> (i32, i32) {
    %c0_i32 = arith.constant 0 : i32
    %c0_i32_0 = arith.constant 0 : i32
    return %arg0, %c0_i32 : i32, i32
  }
  func.func @transform_1(%arg0: i32) -> (i32, i32) {
    %c0_i32 = arith.constant 0 : i32
    %c0_i32_0 = arith.constant 0 : i32
    %c0_i32_1 = arith.constant 0 : i32
    return %c0_i32, %c0_i32_0 : i32, i32
  }
  func.func @transform_2(%arg0: i32) -> (i32, i32) {
    %c0_i32 = arith.constant 0 : i32
    %c0_i32_0 = arith.constant 0 : i32
    return %arg0, %c0_i32 : i32, i32
  }
}

module attributes {stable_mosaic.version = 14 : i64} {
  func.func @_den_body(%arg0: memref<2x10000x16xf32, #tpu.memory_space<vmem>>, %arg1: memref<10000x16xf32, #tpu.memory_space<vmem>>) attributes {dimension_semantics = [], scalar_prefetch = 0 : i64, scratch_operands = 0 : i64, tpu.core_type = #tpu.core_type<tc>} {
    %get3A = arith.constant 0 : index
    %get3A_0 = arith.constant 0 : index
    %get3A_1 = arith.constant 0 : index
    %get3A_2 = vector.load %arg0[%get3A, %get3A_0, %get3A_1] : memref<2x10000x16xf32, #tpu.memory_space<vmem>>, vector<1x10000x16xf32>
    %get3A_3 = vector.shape_cast %get3A_2 : vector<1x10000x16xf32> to vector<10000x16xf32>
    %get3A_4 = arith.constant 1 : index
    %get3A_5 = arith.constant 0 : index
    %get3A_6 = arith.constant 0 : index
    %get3A_7 = vector.load %arg0[%get3A_4, %get3A_5, %get3A_6] : memref<2x10000x16xf32, #tpu.memory_space<vmem>>, vector<1x10000x16xf32>
    %get3A_8 = vector.shape_cast %get3A_7 : vector<1x10000x16xf32> to vector<10000x16xf32>
    %add3A = arith.addf %get3A_3, %get3A_8 : vector<10000x16xf32>
    %add3A_9 = arith.constant 1.000000e-16 : f32
    %add3A_10 = vector.broadcast %add3A_9 : f32 to vector<10000x16xf32>
    %add3A_11 = arith.addf %add3A, %add3A_10 : vector<10000x16xf32>
    %div3A = arith.constant 1.000000e+00 : f32
    %div3A_12 = vector.broadcast %div3A : f32 to vector<10000x16xf32>
    %div3A_13 = arith.divf %div3A_12, %add3A_11 : vector<10000x16xf32>
    %swap3A = arith.constant 0 : index
    %swap3A_14 = arith.constant 0 : index
    %swap3A_15 = vector.load %arg1[%swap3A, %swap3A_14] : memref<10000x16xf32, #tpu.memory_space<vmem>>, vector<10000x16xf32>
    tpu.vector_store %arg1[%swap3A, %swap3A_14], %div3A_13 {strides = array<i32>} : memref<10000x16xf32, #tpu.memory_space<vmem>>, vector<10000x16xf32>,
    return
  }
}

module attributes {stable_mosaic.version = 14 : i64} {
  func.func @_msg_body(%arg0: i32, %arg1: memref<2560x128xf32, #tpu.memory_space<vmem>>, %arg2: memref<2560x128xf32, #tpu.memory_space<vmem>>, %arg3: memref<256x512xbf16, #tpu.memory_space<vmem>>, %arg4: memref<2560x16xf32, #tpu.memory_space<vmem>>, %arg5: memref<2560x16xf32, #tpu.memory_space<vmem>>, %arg6: memref<2560x128xf32, #tpu.memory_space<vmem>>) attributes {dimension_semantics = [#tpu.dimension_semantics<arbitrary>], iteration_bounds = array<i64: 125>, scalar_prefetch = 0 : i64, scratch_operands = 0 : i64, tpu.core_type = #tpu.core_type<tc>, window_params = [{transform_indices = @transform_0, window_bounds = array<i64: 2560, 128>}, {transform_indices = @transform_1, window_bounds = array<i64: 2560, 128>}, {pipeline_mode = #tpu.pipeline_mode<synchronous>, transform_indices = @transform_2, window_bounds = array<i64: 256, 512>}, {transform_indices = @transform_3, window_bounds = array<i64: 2560, 16>}, {transform_indices = @transform_4, window_bounds = array<i64: 2560, 16>}, {transform_indices = @transform_5, window_bounds = array<i64: 2560, 128>}]} {
    %get3A = arith.constant 0 : index
    %get3A_0 = arith.constant 0 : index
    %get3A_1 = vector.load %arg3[%get3A, %get3A_0] : memref<256x512xbf16, #tpu.memory_space<vmem>>, vector<128x512xbf16>
    %get3A_2 = arith.constant 128 : index
    %get3A_3 = arith.constant 0 : index
    %get3A_4 = vector.load %arg3[%get3A_2, %get3A_3] : memref<256x512xbf16, #tpu.memory_space<vmem>>, vector<128x512xbf16>
    %get3A_5 = arith.constant 0 : index
    %get3A_6 = arith.constant 0 : index
    %get3A_7 = vector.load %arg2[%get3A_5, %get3A_6] : memref<2560x128xf32, #tpu.memory_space<vmem>>, vector<2560x128xf32>
    %convert_element_type3A = arith.truncf %get3A_7 : vector<2560x128xf32> to vector<2560x128xbf16>
    %dot_general3A = arith.constant dense<0.000000e+00> : vector<2560x512xf32>
    %dot_general3A_8 = tpu.matmul %convert_element_type3A, %get3A_4, %dot_general3A {dimension_numbers = #tpu.dot_dimension_numbers<[1], [0], [0], [1], [0, 0, 1, 1], [], []>, transpose_lhs_hint = false} : vector<2560x128xbf16>, vector<128x512xbf16>, vector<2560x512xf32> -> vector<2560x512xf32>
    %get3A_9 = arith.constant 0 : index
    %get3A_10 = arith.constant 0 : index
    %get3A_11 = vector.load %arg1[%get3A_9, %get3A_10] : memref<2560x128xf32, #tpu.memory_space<vmem>>, vector<2560x128xf32>
    %convert_element_type3A_12 = arith.truncf %get3A_11 : vector<2560x128xf32> to vector<2560x128xbf16>
    %dot_general3A_13 = arith.constant dense<0.000000e+00> : vector<2560x512xf32>
    %dot_general3A_14 = tpu.matmul %convert_element_type3A_12, %get3A_1, %dot_general3A_13 {dimension_numbers = #tpu.dot_dimension_numbers<[1], [0], [0], [1], [0, 0, 1, 1], [], []>, transpose_lhs_hint = false} : vector<2560x128xbf16>, vector<128x512xbf16>, vector<2560x512xf32> -> vector<2560x512xf32>
    %add3A = arith.addf %dot_general3A_14, %dot_general3A_8 : vector<2560x512xf32>
    %logistic3A = arith.negf %add3A : vector<2560x512xf32>
    %logistic3A_15 = math.exp %logistic3A : vector<2560x512xf32>
    %logistic3A_16 = arith.constant 1.000000e+00 : f32
    %logistic3A_17 = vector.broadcast %logistic3A_16 : f32 to vector<2560x512xf32>
    %logistic3A_18 = arith.addf %logistic3A_17, %logistic3A_15 : vector<2560x512xf32>
    %logistic3A_19 = arith.divf %logistic3A_17, %logistic3A_18 : vector<2560x512xf32>
    %mul3A = arith.mulf %add3A, %logistic3A_19 : vector<2560x512xf32>
    %get3A_20 = arith.constant 0 : index
    %get3A_21 = arith.constant 0 : index
    %get3A_22 = vector.load %arg4[%get3A_20, %get3A_21] : memref<2560x16xf32, #tpu.memory_space<vmem>>, vector<2560x16xf32>
    %get3A_23 = arith.constant 0 : index
    %get3A_24 = arith.constant 0 : index
    %get3A_25 = vector.load %arg5[%get3A_23, %get3A_24] : memref<2560x16xf32, #tpu.memory_space<vmem>>, vector<2560x16xf32>
    %broadcast_in_dim3A = arith.constant 0.000000e+00 : f32
    %broadcast_in_dim3A_26 = vector.broadcast %broadcast_in_dim3A : f32 to vector<2560x128xf32>
    %slice3A = vector.extract_strided_slice %get3A_22 {offsets = [0, 0], sizes = [2560, 1], strides = [1, 1]} : vector<2560x16xf32> to vector<2560x1xf32>
    %squeeze3A = vector.shape_cast %slice3A : vector<2560x1xf32> to vector<2560xf32>
    %slice3A_27 = vector.extract_strided_slice %get3A_25 {offsets = [0, 0], sizes = [2560, 1], strides = [1, 1]} : vector<2560x16xf32> to vector<2560x1xf32>
    %squeeze3A_28 = vector.shape_cast %slice3A_27 : vector<2560x1xf32> to vector<2560xf32>
    %mul3A_29 = arith.mulf %squeeze3A, %squeeze3A_28 : vector<2560xf32>
    %slice3A_30 = vector.extract_strided_slice %mul3A {offsets = [0, 0], sizes = [2560, 128], strides = [1, 1]} : vector<2560x512xf32> to vector<2560x128xf32>
    %broadcast_in_dim3A_31 = vector.shape_cast %mul3A_29 : vector<2560xf32> to vector<2560x1xf32>
    %mul3A_32 = vector.broadcast %broadcast_in_dim3A_31 : vector<2560x1xf32> to vector<2560x128xf32>
    %mul3A_33 = arith.mulf %slice3A_30, %mul3A_32 : vector<2560x128xf32>
    %add3A_34 = arith.addf %broadcast_in_dim3A_26, %mul3A_33 : vector<2560x128xf32>
    %slice3A_35 = vector.extract_strided_slice %get3A_22 {offsets = [0, 1], sizes = [2560, 1], strides = [1, 1]} : vector<2560x16xf32> to vector<2560x1xf32>
    %squeeze3A_36 = vector.shape_cast %slice3A_35 : vector<2560x1xf32> to vector<2560xf32>
    %slice3A_37 = vector.extract_strided_slice %get3A_25 {offsets = [0, 1], sizes = [2560, 1], strides = [1, 1]} : vector<2560x16xf32> to vector<2560x1xf32>
    %squeeze3A_38 = vector.shape_cast %slice3A_37 : vector<2560x1xf32> to vector<2560xf32>
    %mul3A_39 = arith.mulf %squeeze3A_36, %squeeze3A_38 : vector<2560xf32>
    %slice3A_40 = vector.extract_strided_slice %mul3A {offsets = [0, 128], sizes = [2560, 128], strides = [1, 1]} : vector<2560x512xf32> to vector<2560x128xf32>
    %broadcast_in_dim3A_41 = vector.shape_cast %mul3A_39 : vector<2560xf32> to vector<2560x1xf32>
    %mul3A_42 = vector.broadcast %broadcast_in_dim3A_41 : vector<2560x1xf32> to vector<2560x128xf32>
    %mul3A_43 = arith.mulf %slice3A_40, %mul3A_42 : vector<2560x128xf32>
    %add3A_44 = arith.addf %add3A_34, %mul3A_43 : vector<2560x128xf32>
    %slice3A_45 = vector.extract_strided_slice %get3A_22 {offsets = [0, 2], sizes = [2560, 1], strides = [1, 1]} : vector<2560x16xf32> to vector<2560x1xf32>
    %squeeze3A_46 = vector.shape_cast %slice3A_45 : vector<2560x1xf32> to vector<2560xf32>
    %slice3A_47 = vector.extract_strided_slice %get3A_25 {offsets = [0, 2], sizes = [2560, 1], strides = [1, 1]} : vector<2560x16xf32> to vector<2560x1xf32>
    %squeeze3A_48 = vector.shape_cast %slice3A_47 : vector<2560x1xf32> to vector<2560xf32>
    %mul3A_49 = arith.mulf %squeeze3A_46, %squeeze3A_48 : vector<2560xf32>
    %slice3A_50 = vector.extract_strided_slice %mul3A {offsets = [0, 256], sizes = [2560, 128], strides = [1, 1]} : vector<2560x512xf32> to vector<2560x128xf32>
    %broadcast_in_dim3A_51 = vector.shape_cast %mul3A_49 : vector<2560xf32> to vector<2560x1xf32>
    %mul3A_52 = vector.broadcast %broadcast_in_dim3A_51 : vector<2560x1xf32> to vector<2560x128xf32>
    %mul3A_53 = arith.mulf %slice3A_50, %mul3A_52 : vector<2560x128xf32>
    %add3A_54 = arith.addf %add3A_44, %mul3A_53 : vector<2560x128xf32>
    %slice3A_55 = vector.extract_strided_slice %get3A_22 {offsets = [0, 3], sizes = [2560, 1], strides = [1, 1]} : vector<2560x16xf32> to vector<2560x1xf32>
    %squeeze3A_56 = vector.shape_cast %slice3A_55 : vector<2560x1xf32> to vector<2560xf32>
    %slice3A_57 = vector.extract_strided_slice %get3A_25 {offsets = [0, 3], sizes = [2560, 1], strides = [1, 1]} : vector<2560x16xf32> to vector<2560x1xf32>
    %squeeze3A_58 = vector.shape_cast %slice3A_57 : vector<2560x1xf32> to vector<2560xf32>
    %mul3A_59 = arith.mulf %squeeze3A_56, %squeeze3A_58 : vector<2560xf32>
    %slice3A_60 = vector.extract_strided_slice %mul3A {offsets = [0, 384], sizes = [2560, 128], strides = [1, 1]} : vector<2560x512xf32> to vector<2560x128xf32>
    %broadcast_in_dim3A_61 = vector.shape_cast %mul3A_59 : vector<2560xf32> to vector<2560x1xf32>
    %mul3A_62 = vector.broadcast %broadcast_in_dim3A_61 : vector<2560x1xf32> to vector<2560x128xf32>
    %mul3A_63 = arith.mulf %slice3A_60, %mul3A_62 : vector<2560x128xf32>
    %add3A_64 = arith.addf %add3A_54, %mul3A_63 : vector<2560x128xf32>
    %mul3A_65 = arith.constant 2.500000e-01 : f32
    %mul3A_66 = vector.broadcast %mul3A_65 : f32 to vector<2560x128xf32>
    %mul3A_67 = arith.mulf %add3A_64, %mul3A_66 : vector<2560x128xf32>
    %swap3A = arith.constant 0 : index
    %swap3A_68 = arith.constant 0 : index
    %swap3A_69 = vector.load %arg6[%swap3A, %swap3A_68] : memref<2560x128xf32, #tpu.memory_space<vmem>>, vector<2560x128xf32>
    tpu.vector_store %arg6[%swap3A, %swap3A_68], %mul3A_67 {strides = array<i32>} : memref<2560x128xf32, #tpu.memory_space<vmem>>, vector<2560x128xf32>,
    return
  }
  func.func @transform_0(%arg0: i32) -> (i32, i32) {
    %c0_i32 = arith.constant 0 : i32
    %c0_i32_0 = arith.constant 0 : i32
    return %arg0, %c0_i32 : i32, i32
  }
  func.func @transform_1(%arg0: i32) -> (i32, i32) {
    %c0_i32 = arith.constant 0 : i32
    %c0_i32_0 = arith.constant 0 : i32
    return %arg0, %c0_i32 : i32, i32
  }
  func.func @transform_2(%arg0: i32) -> (i32, i32) {
    %c0_i32 = arith.constant 0 : i32
    %c0_i32_0 = arith.constant 0 : i32
    %c0_i32_1 = arith.constant 0 : i32
    return %c0_i32, %c0_i32_0 : i32, i32
  }
  func.func @transform_3(%arg0: i32) -> (i32, i32) {
    %c0_i32 = arith.constant 0 : i32
    %c0_i32_0 = arith.constant 0 : i32
    return %arg0, %c0_i32 : i32, i32
  }
  func.func @transform_4(%arg0: i32) -> (i32, i32) {
    %c0_i32 = arith.constant 0 : i32
    %c0_i32_0 = arith.constant 0 : i32
    return %arg0, %c0_i32 : i32, i32
  }
  func.func @transform_5(%arg0: i32) -> (i32, i32) {
    %c0_i32 = arith.constant 0 : i32
    %c0_i32_0 = arith.constant 0 : i32
    return %arg0, %c0_i32 : i32, i32
  }
}

module attributes {stable_mosaic.version = 14 : i64} {
  func.func @_node_body(%arg0: i32, %arg1: memref<2000x128xf32, #tpu.memory_space<vmem>>, %arg2: memref<2000x128xf32, #tpu.memory_space<vmem>>, %arg3: memref<2000x128xf32, #tpu.memory_space<vmem>>, %arg4: memref<8x128xf32, #tpu.memory_space<vmem>>, %arg5: memref<2000x128xf32, #tpu.memory_space<vmem>>) attributes {dimension_semantics = [#tpu.dimension_semantics<arbitrary>], iteration_bounds = array<i64: 5>, scalar_prefetch = 0 : i64, scratch_operands = 0 : i64, tpu.core_type = #tpu.core_type<tc>, window_params = [{transform_indices = @transform_0, window_bounds = array<i64: 2000, 128>}, {transform_indices = @transform_1, window_bounds = array<i64: 2000, 128>}, {transform_indices = @transform_2, window_bounds = array<i64: 2000, 128>}, {pipeline_mode = #tpu.pipeline_mode<synchronous>, transform_indices = @transform_3, window_bounds = array<i64: 8, 128>}, {transform_indices = @transform_4, window_bounds = array<i64: 2000, 128>}]} {
    %get3A = arith.constant 0 : index
    %get3A_0 = arith.constant 0 : index
    %get3A_1 = vector.load %arg1[%get3A, %get3A_0] : memref<2000x128xf32, #tpu.memory_space<vmem>>, vector<2000x128xf32>
    %get3A_2 = arith.constant 0 : index
    %get3A_3 = arith.constant 0 : index
    %get3A_4 = vector.load %arg2[%get3A_2, %get3A_3] : memref<2000x128xf32, #tpu.memory_space<vmem>>, vector<2000x128xf32>
    %add3A = arith.addf %get3A_1, %get3A_4 : vector<2000x128xf32>
    %get3A_5 = arith.constant 0 : index
    %get3A_6 = arith.constant 0 : index
    %get3A_7 = vector.load %arg3[%get3A_5, %get3A_6] : memref<2000x128xf32, #tpu.memory_space<vmem>>, vector<2000x128xf32>
    %add3A_8 = arith.addf %add3A, %get3A_7 : vector<2000x128xf32>
    %get3A_9 = arith.constant 0 : index
    %get3A_10 = arith.constant 0 : index
    %get3A_11 = vector.load %arg4[%get3A_9, %get3A_10] : memref<8x128xf32, #tpu.memory_space<vmem>>, vector<1x128xf32>
    %add3A_12 = vector.broadcast %get3A_11 : vector<1x128xf32> to vector<2000x128xf32>
    %add3A_13 = arith.addf %add3A_8, %add3A_12 : vector<2000x128xf32>
    %swap3A = arith.constant 0 : index
    %swap3A_14 = arith.constant 0 : index
    %swap3A_15 = vector.load %arg5[%swap3A, %swap3A_14] : memref<2000x128xf32, #tpu.memory_space<vmem>>, vector<2000x128xf32>
    tpu.vector_store %arg5[%swap3A, %swap3A_14], %add3A_13 {strides = array<i32>} : memref<2000x128xf32, #tpu.memory_space<vmem>>, vector<2000x128xf32>,
    return
  }
  func.func @transform_0(%arg0: i32) -> (i32, i32) {
    %c0_i32 = arith.constant 0 : i32
    %c0_i32_0 = arith.constant 0 : i32
    return %arg0, %c0_i32 : i32, i32
  }
  func.func @transform_1(%arg0: i32) -> (i32, i32) {
    %c0_i32 = arith.constant 0 : i32
    %c0_i32_0 = arith.constant 0 : i32
    return %arg0, %c0_i32 : i32, i32
  }
  func.func @transform_2(%arg0: i32) -> (i32, i32) {
    %c0_i32 = arith.constant 0 : i32
    %c0_i32_0 = arith.constant 0 : i32
    return %arg0, %c0_i32 : i32, i32
  }
  func.func @transform_3(%arg0: i32) -> (i32, i32) {
    %c0_i32 = arith.constant 0 : i32
    %c0_i32_0 = arith.constant 0 : i32
    %c0_i32_1 = arith.constant 0 : i32
    return %c0_i32, %c0_i32_0 : i32, i32
  }
  func.func @transform_4(%arg0: i32) -> (i32, i32) {
    %c0_i32 = arith.constant 0 : i32
    %c0_i32_0 = arith.constant 0 : i32
    return %arg0, %c0_i32 : i32, i32
  }
}

module attributes {stable_mosaic.version = 14 : i64} {
  func.func @_edge_body(%arg0: i32, %arg1: memref<2560x128xf32, #tpu.memory_space<vmem>>, %arg2: memref<2560x128xf32, #tpu.memory_space<vmem>>, %arg3: memref<2560x128xf32, #tpu.memory_space<vmem>>, %arg4: memref<384x128xbf16, #tpu.memory_space<vmem>>, %arg5: memref<384x128xbf16, #tpu.memory_space<vmem>>, %arg6: memref<8x128xf32, #tpu.memory_space<vmem>>, %arg7: memref<8x128xf32, #tpu.memory_space<vmem>>, %arg8: memref<2560x128xbf16, #tpu.memory_space<vmem>>, %arg9: memref<8x128xf32, #tpu.memory_space<vmem>>) attributes {dimension_semantics = [#tpu.dimension_semantics<arbitrary>], iteration_bounds = array<i64: 125>, scalar_prefetch = 0 : i64, scratch_operands = 0 : i64, tpu.core_type = #tpu.core_type<tc>, window_params = [{transform_indices = @transform_0, window_bounds = array<i64: 2560, 128>}, {transform_indices = @transform_1, window_bounds = array<i64: 2560, 128>}, {transform_indices = @transform_2, window_bounds = array<i64: 2560, 128>}, {pipeline_mode = #tpu.pipeline_mode<synchronous>, transform_indices = @transform_3, window_bounds = array<i64: 384, 128>}, {pipeline_mode = #tpu.pipeline_mode<synchronous>, transform_indices = @transform_4, window_bounds = array<i64: 384, 128>}, {pipeline_mode = #tpu.pipeline_mode<synchronous>, transform_indices = @transform_5, window_bounds = array<i64: 8, 128>}, {pipeline_mode = #tpu.pipeline_mode<synchronous>, transform_indices = @transform_6, window_bounds = array<i64: 8, 128>}, {transform_indices = @transform_7, window_bounds = array<i64: 2560, 128>}, {pipeline_mode = #tpu.pipeline_mode<synchronous>, transform_indices = @transform_8, window_bounds = array<i64: 8, 128>}]} {
    %get3A = arith.constant 0 : index
    %get3A_0 = arith.constant 0 : index
    %get3A_1 = vector.load %arg1[%get3A, %get3A_0] : memref<2560x128xf32, #tpu.memory_space<vmem>>, vector<2560x128xf32>
    %convert_element_type3A = arith.truncf %get3A_1 : vector<2560x128xf32> to vector<2560x128xbf16>
    %get3A_2 = arith.constant 0 : index
    %get3A_3 = arith.constant 0 : index
    %get3A_4 = vector.load %arg2[%get3A_2, %get3A_3] : memref<2560x128xf32, #tpu.memory_space<vmem>>, vector<2560x128xf32>
    %convert_element_type3A_5 = arith.truncf %get3A_4 : vector<2560x128xf32> to vector<2560x128xbf16>
    %get3A_6 = arith.constant 0 : index
    %get3A_7 = arith.constant 0 : index
    %get3A_8 = vector.load %arg3[%get3A_6, %get3A_7] : memref<2560x128xf32, #tpu.memory_space<vmem>>, vector<2560x128xf32>
    %convert_element_type3A_9 = arith.truncf %get3A_8 : vector<2560x128xf32> to vector<2560x128xbf16>
    %get3A_10 = arith.constant 0 : index
    %get3A_11 = arith.constant 0 : index
    %get3A_12 = vector.load %arg4[%get3A_10, %get3A_11] : memref<384x128xbf16, #tpu.memory_space<vmem>>, vector<128x128xbf16>
    %dot_general3A = arith.constant dense<0.000000e+00> : vector<2560x128xf32>
    %dot_general3A_13 = tpu.matmul %convert_element_type3A, %get3A_12, %dot_general3A {dimension_numbers = #tpu.dot_dimension_numbers<[1], [0], [0], [1], [0, 0, 1, 1], [], []>, transpose_lhs_hint = false} : vector<2560x128xbf16>, vector<128x128xbf16>, vector<2560x128xf32> -> vector<2560x128xf32>
    %get3A_14 = arith.constant 128 : index
    %get3A_15 = arith.constant 0 : index
    %get3A_16 = vector.load %arg4[%get3A_14, %get3A_15] : memref<384x128xbf16, #tpu.memory_space<vmem>>, vector<128x128xbf16>
    %dot_general3A_17 = arith.constant dense<0.000000e+00> : vector<2560x128xf32>
    %dot_general3A_18 = tpu.matmul %convert_element_type3A_5, %get3A_16, %dot_general3A_17 {dimension_numbers = #tpu.dot_dimension_numbers<[1], [0], [0], [1], [0, 0, 1, 1], [], []>, transpose_lhs_hint = false} : vector<2560x128xbf16>, vector<128x128xbf16>, vector<2560x128xf32> -> vector<2560x128xf32>
    %add3A = arith.addf %dot_general3A_13, %dot_general3A_18 : vector<2560x128xf32>
    %get3A_19 = arith.constant 256 : index
    %get3A_20 = arith.constant 0 : index
    %get3A_21 = vector.load %arg4[%get3A_19, %get3A_20] : memref<384x128xbf16, #tpu.memory_space<vmem>>, vector<128x128xbf16>
    %dot_general3A_22 = arith.constant dense<0.000000e+00> : vector<2560x128xf32>
    %dot_general3A_23 = tpu.matmul %convert_element_type3A_9, %get3A_21, %dot_general3A_22 {dimension_numbers = #tpu.dot_dimension_numbers<[1], [0], [0], [1], [0, 0, 1, 1], [], []>, transpose_lhs_hint = false} : vector<2560x128xbf16>, vector<128x128xbf16>, vector<2560x128xf32> -> vector<2560x128xf32>
    %add3A_24 = arith.addf %add3A, %dot_general3A_23 : vector<2560x128xf32>
    %get3A_25 = arith.constant 0 : index
    %get3A_26 = arith.constant 0 : index
    %get3A_27 = vector.load %arg6[%get3A_25, %get3A_26] : memref<8x128xf32, #tpu.memory_space<vmem>>, vector<1x128xf32>
    %add3A_28 = vector.broadcast %get3A_27 : vector<1x128xf32> to vector<2560x128xf32>
    %add3A_29 = arith.addf %add3A_24, %add3A_28 : vector<2560x128xf32>
    %get3A_30 = arith.constant 0 : index
    %get3A_31 = arith.constant 0 : index
    %get3A_32 = vector.load %arg5[%get3A_30, %get3A_31] : memref<384x128xbf16, #tpu.memory_space<vmem>>, vector<128x128xbf16>
    %dot_general3A_33 = arith.constant dense<0.000000e+00> : vector<2560x128xf32>
    %dot_general3A_34 = tpu.matmul %convert_element_type3A, %get3A_32, %dot_general3A_33 {dimension_numbers = #tpu.dot_dimension_numbers<[1], [0], [0], [1], [0, 0, 1, 1], [], []>, transpose_lhs_hint = false} : vector<2560x128xbf16>, vector<128x128xbf16>, vector<2560x128xf32> -> vector<2560x128xf32>
    %get3A_35 = arith.constant 128 : index
    %get3A_36 = arith.constant 0 : index
    %get3A_37 = vector.load %arg5[%get3A_35, %get3A_36] : memref<384x128xbf16, #tpu.memory_space<vmem>>, vector<128x128xbf16>
    %dot_general3A_38 = arith.constant dense<0.000000e+00> : vector<2560x128xf32>
    %dot_general3A_39 = tpu.matmul %convert_element_type3A_5, %get3A_37, %dot_general3A_38 {dimension_numbers = #tpu.dot_dimension_numbers<[1], [0], [0], [1], [0, 0, 1, 1], [], []>, transpose_lhs_hint = false} : vector<2560x128xbf16>, vector<128x128xbf16>, vector<2560x128xf32> -> vector<2560x128xf32>
    %add3A_40 = arith.addf %dot_general3A_34, %dot_general3A_39 : vector<2560x128xf32>
    %get3A_41 = arith.constant 256 : index
    %get3A_42 = arith.constant 0 : index
    %get3A_43 = vector.load %arg5[%get3A_41, %get3A_42] : memref<384x128xbf16, #tpu.memory_space<vmem>>, vector<128x128xbf16>
    %dot_general3A_44 = arith.constant dense<0.000000e+00> : vector<2560x128xf32>
    %dot_general3A_45 = tpu.matmul %convert_element_type3A_9, %get3A_43, %dot_general3A_44 {dimension_numbers = #tpu.dot_dimension_numbers<[1], [0], [0], [1], [0, 0, 1, 1], [], []>, transpose_lhs_hint = false} : vector<2560x128xbf16>, vector<128x128xbf16>, vector<2560x128xf32> -> vector<2560x128xf32>
    %add3A_46 = arith.addf %add3A_40, %dot_general3A_45 : vector<2560x128xf32>
    %get3A_47 = arith.constant 0 : index
    %get3A_48 = arith.constant 0 : index
    %get3A_49 = vector.load %arg7[%get3A_47, %get3A_48] : memref<8x128xf32, #tpu.memory_space<vmem>>, vector<1x128xf32>
    %add3A_50 = vector.broadcast %get3A_49 : vector<1x128xf32> to vector<2560x128xf32>
    %add3A_51 = arith.addf %add3A_46, %add3A_50 : vector<2560x128xf32>
    %logistic3A = arith.negf %add3A_29 : vector<2560x128xf32>
    %logistic3A_52 = math.exp %logistic3A : vector<2560x128xf32>
    %logistic3A_53 = arith.constant 1.000000e+00 : f32
    %logistic3A_54 = vector.broadcast %logistic3A_53 : f32 to vector<2560x128xf32>
    %logistic3A_55 = arith.addf %logistic3A_54, %logistic3A_52 : vector<2560x128xf32>
    %logistic3A_56 = arith.divf %logistic3A_54, %logistic3A_55 : vector<2560x128xf32>
    %custom_jvp_call3A = arith.constant 0.000000e+00 : f32
    %max3A = vector.broadcast %custom_jvp_call3A : f32 to vector<2560x128xf32>
    %max3A_57 = arith.maximumf %add3A_51, %max3A : vector<2560x128xf32>
    %sub3A = vector.broadcast %custom_jvp_call3A : f32 to vector<2560x128xf32>
    %sub3A_58 = arith.subf %add3A_51, %sub3A : vector<2560x128xf32>
    %ne3A = arith.cmpf one, %sub3A_58, %sub3A_58 : vector<2560x128xf32>
    %add3A_59 = vector.broadcast %custom_jvp_call3A : f32 to vector<2560x128xf32>
    %add3A_60 = arith.addf %add3A_51, %add3A_59 : vector<2560x128xf32>
    %abs3A = math.absf %sub3A_58 : vector<2560x128xf32>
    %neg3A = arith.constant 0.000000e+00 : f32
    %neg3A_61 = vector.broadcast %neg3A : f32 to vector<2560x128xf32>
    %neg3A_62 = arith.subf %neg3A_61, %abs3A : vector<2560x128xf32>
    %exp3A = math.exp %neg3A_62 : vector<2560x128xf32>
    %log1p3A = math.log1p %exp3A : vector<2560x128xf32>
    %add3A_63 = arith.addf %max3A_57, %log1p3A : vector<2560x128xf32>
    %select_n3A = arith.select %ne3A, %add3A_60, %add3A_63 : vector<2560x128xi1>, vector<2560x128xf32>
    %mul3A = arith.mulf %logistic3A_56, %select_n3A : vector<2560x128xf32>
    %convert_element_type3A_64 = arith.truncf %mul3A : vector<2560x128xf32> to vector<2560x128xbf16>
    %swap3A = arith.constant 0 : index
    %swap3A_65 = arith.constant 0 : index
    %swap3A_66 = vector.load %arg8[%swap3A, %swap3A_65] : memref<2560x128xbf16, #tpu.memory_space<vmem>>, vector<2560x128xbf16>
    tpu.vector_store %arg8[%swap3A, %swap3A_65], %convert_element_type3A_64 {strides = array<i32>} : memref<2560x128xbf16, #tpu.memory_space<vmem>>, vector<2560x128xbf16>,
    %reduce_sum3A = arith.constant dense<0.000000e+00> : vector<128xf32>
    %reduce_sum3A_67 = vector.multi_reduction <add>, %mul3A, %reduce_sum3A [0] : vector<2560x128xf32> to vector<128xf32>
    %mul3A_68 = arith.mulf %mul3A, %mul3A : vector<2560x128xf32>
    %reduce_sum3A_69 = arith.constant dense<0.000000e+00> : vector<128xf32>
    %reduce_sum3A_70 = vector.multi_reduction <add>, %mul3A_68, %reduce_sum3A_69 [0] : vector<2560x128xf32> to vector<128xf32>
    %broadcast_in_dim3A = vector.shape_cast %reduce_sum3A_67 : vector<128xf32> to vector<1x128xf32>
    %broadcast_in_dim3A_71 = vector.shape_cast %reduce_sum3A_70 : vector<128xf32> to vector<1x128xf32>
    %broadcast_in_dim3A_72 = arith.constant 0.000000e+00 : f32
    %broadcast_in_dim3A_73 = vector.broadcast %broadcast_in_dim3A_72 : f32 to vector<6x128xf32>
    %concatenate3A = tpu.concatenate %broadcast_in_dim3A, %broadcast_in_dim3A_71, %broadcast_in_dim3A_73 in 0 : vector<1x128xf32>, vector<1x128xf32>, vector<6x128xf32> -> vector<8x128xf32>
    %eq3A = arith.constant 0 : i32
    %eq3A_74 = arith.cmpi eq, %arg0, %eq3A : i32
    %convert_element_type3A_75 = arith.extui %eq3A_74 : i1 to i32
    %cond3A = arith.constant 0 : i32
    %cond3A_76 = arith.cmpi ne, %convert_element_type3A_75, %cond3A : i32
    scf.if %cond3A_76 {
      %broadcast_in_dim3A_84 = arith.constant 0.000000e+00 : f32
      %broadcast_in_dim3A_85 = vector.broadcast %broadcast_in_dim3A_84 : f32 to vector<8x128xf32>
      %swap3A_86 = arith.constant 0 : index
      %swap3A_87 = arith.constant 0 : index
      %swap3A_88 = vector.load %arg9[%swap3A_86, %swap3A_87] : memref<8x128xf32, #tpu.memory_space<vmem>>, vector<8x128xf32>
      tpu.vector_store %arg9[%swap3A_86, %swap3A_87], %broadcast_in_dim3A_85 {strides = array<i32>} : memref<8x128xf32, #tpu.memory_space<vmem>>, vector<8x128xf32>,
    } else {
    }
    %get3A_77 = arith.constant 0 : index
    %get3A_78 = arith.constant 0 : index
    %get3A_79 = vector.load %arg9[%get3A_77, %get3A_78] : memref<8x128xf32, #tpu.memory_space<vmem>>, vector<8x128xf32>
    %add3A_80 = arith.addf %get3A_79, %concatenate3A : vector<8x128xf32>
    %swap3A_81 = arith.constant 0 : index
    %swap3A_82 = arith.constant 0 : index
    %swap3A_83 = vector.load %arg9[%swap3A_81, %swap3A_82] : memref<8x128xf32, #tpu.memory_space<vmem>>, vector<8x128xf32>
    tpu.vector_store %arg9[%swap3A_81, %swap3A_82], %add3A_80 {strides = array<i32>} : memref<8x128xf32, #tpu.memory_space<vmem>>, vector<8x128xf32>,
    return
  }
  func.func @transform_0(%arg0: i32) -> (i32, i32) {
    %c0_i32 = arith.constant 0 : i32
    %c0_i32_0 = arith.constant 0 : i32
    return %arg0, %c0_i32 : i32, i32
  }
  func.func @transform_1(%arg0: i32) -> (i32, i32) {
    %c0_i32 = arith.constant 0 : i32
    %c0_i32_0 = arith.constant 0 : i32
    return %arg0, %c0_i32 : i32, i32
  }
  func.func @transform_2(%arg0: i32) -> (i32, i32) {
    %c0_i32 = arith.constant 0 : i32
    %c0_i32_0 = arith.constant 0 : i32
    return %arg0, %c0_i32 : i32, i32
  }
  func.func @transform_3(%arg0: i32) -> (i32, i32) {
    %c0_i32 = arith.constant 0 : i32
    %c0_i32_0 = arith.constant 0 : i32
    %c0_i32_1 = arith.constant 0 : i32
    return %c0_i32, %c0_i32_0 : i32, i32
  }
  func.func @transform_4(%arg0: i32) -> (i32, i32) {
    %c0_i32 = arith.constant 0 : i32
    %c0_i32_0 = arith.constant 0 : i32
    %c0_i32_1 = arith.constant 0 : i32
    return %c0_i32, %c0_i32_0 : i32, i32
  }
  func.func @transform_5(%arg0: i32) -> (i32, i32) {
    %c0_i32 = arith.constant 0 : i32
    %c0_i32_0 = arith.constant 0 : i32
    %c0_i32_1 = arith.constant 0 : i32
    return %c0_i32, %c0_i32_0 : i32, i32
  }
  func.func @transform_6(%arg0: i32) -> (i32, i32) {
    %c0_i32 = arith.constant 0 : i32
    %c0_i32_0 = arith.constant 0 : i32
    %c0_i32_1 = arith.constant 0 : i32
    return %c0_i32, %c0_i32_0 : i32, i32
  }
  func.func @transform_7(%arg0: i32) -> (i32, i32) {
    %c0_i32 = arith.constant 0 : i32
    %c0_i32_0 = arith.constant 0 : i32
    return %arg0, %c0_i32 : i32, i32
  }
  func.func @transform_8(%arg0: i32) -> (i32, i32) {
    %c0_i32 = arith.constant 0 : i32
    %c0_i32_0 = arith.constant 0 : i32
    %c0_i32_1 = arith.constant 0 : i32
    return %c0_i32, %c0_i32_0 : i32, i32
  }
}

module attributes {stable_mosaic.version = 14 : i64} {
  func.func @_edge_out_body(%arg0: i32, %arg1: memref<2560x128xf32, #tpu.memory_space<vmem>>, %arg2: memref<2560x128xbf16, #tpu.memory_space<vmem>>, %arg3: memref<8x128xf32, #tpu.memory_space<vmem>>, %arg4: memref<8x128xf32, #tpu.memory_space<vmem>>, %arg5: memref<2560x128xf32, #tpu.memory_space<vmem>>) attributes {dimension_semantics = [#tpu.dimension_semantics<arbitrary>], iteration_bounds = array<i64: 125>, scalar_prefetch = 0 : i64, scratch_operands = 0 : i64, tpu.core_type = #tpu.core_type<tc>, window_params = [{transform_indices = @transform_0, window_bounds = array<i64: 2560, 128>}, {transform_indices = @transform_1, window_bounds = array<i64: 2560, 128>}, {pipeline_mode = #tpu.pipeline_mode<synchronous>, transform_indices = @transform_2, window_bounds = array<i64: 8, 128>}, {pipeline_mode = #tpu.pipeline_mode<synchronous>, transform_indices = @transform_3, window_bounds = array<i64: 8, 128>}, {transform_indices = @transform_4, window_bounds = array<i64: 2560, 128>}]} {
    %get3A = arith.constant 0 : index
    %get3A_0 = arith.constant 0 : index
    %get3A_1 = vector.load %arg1[%get3A, %get3A_0] : memref<2560x128xf32, #tpu.memory_space<vmem>>, vector<2560x128xf32>
    %get3A_2 = arith.constant 0 : index
    %get3A_3 = arith.constant 0 : index
    %get3A_4 = vector.load %arg2[%get3A_2, %get3A_3] : memref<2560x128xbf16, #tpu.memory_space<vmem>>, vector<2560x128xbf16>
    %convert_element_type3A = arith.extf %get3A_4 : vector<2560x128xbf16> to vector<2560x128xf32>
    %get3A_5 = arith.constant 0 : index
    %get3A_6 = arith.constant 0 : index
    %get3A_7 = vector.load %arg3[%get3A_5, %get3A_6] : memref<8x128xf32, #tpu.memory_space<vmem>>, vector<1x128xf32>
    %mul3A = vector.broadcast %get3A_7 : vector<1x128xf32> to vector<2560x128xf32>
    %mul3A_8 = arith.mulf %convert_element_type3A, %mul3A : vector<2560x128xf32>
    %add3A = arith.addf %get3A_1, %mul3A_8 : vector<2560x128xf32>
    %get3A_9 = arith.constant 0 : index
    %get3A_10 = arith.constant 0 : index
    %get3A_11 = vector.load %arg4[%get3A_9, %get3A_10] : memref<8x128xf32, #tpu.memory_space<vmem>>, vector<1x128xf32>
    %add3A_12 = vector.broadcast %get3A_11 : vector<1x128xf32> to vector<2560x128xf32>
    %add3A_13 = arith.addf %add3A, %add3A_12 : vector<2560x128xf32>
    %swap3A = arith.constant 0 : index
    %swap3A_14 = arith.constant 0 : index
    %swap3A_15 = vector.load %arg5[%swap3A, %swap3A_14] : memref<2560x128xf32, #tpu.memory_space<vmem>>, vector<2560x128xf32>
    tpu.vector_store %arg5[%swap3A, %swap3A_14], %add3A_13 {strides = array<i32>} : memref<2560x128xf32, #tpu.memory_space<vmem>>, vector<2560x128xf32>,
    return
  }
  func.func @transform_0(%arg0: i32) -> (i32, i32) {
    %c0_i32 = arith.constant 0 : i32
    %c0_i32_0 = arith.constant 0 : i32
    return %arg0, %c0_i32 : i32, i32
  }
  func.func @transform_1(%arg0: i32) -> (i32, i32) {
    %c0_i32 = arith.constant 0 : i32
    %c0_i32_0 = arith.constant 0 : i32
    return %arg0, %c0_i32 : i32, i32
  }
  func.func @transform_2(%arg0: i32) -> (i32, i32) {
    %c0_i32 = arith.constant 0 : i32
    %c0_i32_0 = arith.constant 0 : i32
    %c0_i32_1 = arith.constant 0 : i32
    return %c0_i32, %c0_i32_0 : i32, i32
  }
  func.func @transform_3(%arg0: i32) -> (i32, i32) {
    %c0_i32 = arith.constant 0 : i32
    %c0_i32_0 = arith.constant 0 : i32
    %c0_i32_1 = arith.constant 0 : i32
    return %c0_i32, %c0_i32_0 : i32, i32
  }
  func.func @transform_4(%arg0: i32) -> (i32, i32) {
    %c0_i32 = arith.constant 0 : i32
    %c0_i32_0 = arith.constant 0 : i32
    return %arg0, %c0_i32 : i32, i32
  }
}

</mosaic_0001>

<sc_bundles>
// kernel: kernel.14.cloned.1.call-start
scs
__scs_entry_jumppad:
0x0: {  	(pc) =	sbr.rel $0x88, $3  }
0x1: {  	(tag) =	ssettag $0x0;
	lr =	simm.s32 $0x1  }
0x2: {  	[smem:$0x3F93] =	sst lr;
	_ =	strace $0xD0000000  }
0x3: {  	_ = 	snop  }
0x4: {  	_ = 	snop  }
0x5: {  	_ = 	snop  }
0x6: {  	_ = 	snop  }
0x7: {  	_ = 	snop  }
__scs_overlays_trampoline_lowered:
0x8: {  	[smem:$0x3FA2] =	sst s0  }
0x9: {  	[smem:$0x3FA3] =	sst s1  }
0xa: {  	[smem:$0x3FA4] =	sst s2  }
0xb: {  	[smem:$0x3FA5] =	sst s3  }
0xc: {  	[smem:$0x3FA6] =	sst s4  }
0xd: {  	[smem:$0x3FA7] =	sst s5  }
0xe: {  	[smem:$0x3FA8] =	sst s6  }
0xf: {  	[smem:$0x3FA9] =	sst s7  }
0x10: {  	[smem:$0x3FAA] =	sst s8  }
0x11: {  	[smem:$0x3FAB] =	sst s9;
	s0 =	simm.s32 @!p0 $0x0  }
0x12: {  	s1 =	sld [smem:$0x3F91];
	s0 =	simm.s32 @p0 $0x1  }
0x13: {  	[smem:$0x3FAC] =	sst s0;
	s0 =	simm.s32 @!p1 $0x0  }
0x14: {  	s2 =	sld [smem:$0x3F90];
	s0 =	simm.s32 @p1 $0x1  }
0x15: {  	[smem:$0x3FAD] =	sst s0;
	s0 =	simm.s32 @!p2 $0x0  }
0x16: {  	s3 =	sld [smem:$0x3FDB];
	s0 =	simm.s32 @p2 $0x1  }
0x17: {  	s4 =	simm.s32 $0x1BF5;
	[smem:$0x3FAF] =	sst s0  }
0x18: {  	s0 =	sld [smem:$0x3F92];
	_ =	swait.ge [sflag:s4], $0x0  }
0x19: {  	s7 =	sld [smem:$0x3F93]  }
0x1a: {  	s8 =	sadd.s32 $0xFFFFE003, lr  }
0x1b: {  	s9 =	sadd.s32 $0xFFFFFEF7, lr;
	s5 =	simm.s32 $0xFFFFFFFF;
	p2 =	slt.u32 s8, $0xFFFFF086  }
0x1c: {  	p1 =	slt.u32 s9, $0xF7A;
	s5 =	simm.s32 @!p2 $0x0  }
0x1d: {  	s5 =	simm.s32 @p1 $0x1;
	p0 =	seq.s32 s7, s2  }
0x1e: {  	s7 =	smul.u32 @!p0 $0xF7A, s2;
	p2 =	seq.s32 @!p0 s5, $0x0  }
0x1f: {  	s9 =	smul.u32 $0xF7A, s1;
	s8 =	simm.s32 @!p0 $0x1BF5;
	p2 =	por !p2, p0  }
0x20: {  	[sflag:s8] =	ssyncset.s32 @!p0 $0xFFFFF086;
	s6 =	sadd.s32 @!p0 s3, s7;
	s7 =	simm.s32 @!p0 $0x108  }
0x21: {  	s3 =	sadd.s32 s3, s9;
	s6 =	sadd.s32 @!p0 $0x88, s6;
	s7 =	simm.s32 @p2 $0x1082  }
0x22: {  	[simem:s7], [sflag:s8] =	dma.local @!p0 [hbm:s6], $0xF7A  }
0x23: {  	s9 =	sor.u32 $0xD0000000, s2;
	s6 =	simm.s32 $0x108;
	_ =	swait.ge @!p0 [sflag:s8], $0x0  }
0x24: {  	s3 =	sadd.s32 $0x88, s3;
	s6 =	simm.s32 @!p1 $0x1082;
	[sflag:s4] =	ssyncset.s32 $0xFFFFF086  }
0x25: {  	[simem:s6], [sflag:s4] =	dma.local [hbm:s3], $0xF7A  }
0x26: {  	[smem:$0x3F93] =	sst s1;
	(tag) =	ssettag s2;
	_ =	strace s9  }
0x27: {  	s1 =	sld [smem:$0x3FA3]  }
0x28: {  	s2 =	sld [smem:$0x3FA4]  }
0x29: {  	s4 =	sld [smem:$0x3FA6]  }
0x2a: {  	p0 =	seq.s32 s5, $0x0;
	s5 =	sld [smem:$0x3FA7]  }
0x2b: {  	s6 =	sld [smem:$0x3FA8]  }
0x2c: {  	s7 =	sld [smem:$0x3FA9]  }
0x2d: {  	s3 =	simm.s32 $0x108;
	s8 =	sld [smem:$0x3FAA]  }
0x2e: {  	s3 =	simm.s32 @!p0 $0x1082;
	s9 =	sld [smem:$0x3FAB]  }
0x2f: {  	lr =	sadd.s32 s0, s3;
	s0 =	sld [smem:$0x3FA2]  }
0x30: {  	s3 =	sld [smem:$0x3FA5]  }
0x31: {  	[smem:$0x3FAE] =	sst s10  }
0x32: {  	s10 =	sld [smem:$0x3FAC];
	_ =	sdelay $0x3  }
0x33: {  	p0 =	seq.s32 s10, $0x1;
	s10 =	sld [smem:$0x3FAE];
	_ =	sdelay $0x3  }
0x34: {  	[smem:$0x3FAE] =	sst s10  }
0x35: {  	s10 =	sld [smem:$0x3FAD];
	_ =	sdelay $0x3  }
0x36: {  	p1 =	seq.s32 s10, $0x1;
	s10 =	sld [smem:$0x3FAE];
	_ =	sdelay $0x3  }
0x37: {  	[smem:$0x3FAE] =	sst s10  }
0x38: {  	s10 =	sld [smem:$0x3FAF]  }
0x39: {  	_ = 	snop;
	(pc) =	sbr.ind lr, $3  }
0x3a: {  	_ = 	snop  }
0x3b: {  	_ = 	snop  }
0x3c: {  	p2 =	seq.s32 s10, $0x1;
	s10 =	sld [smem:$0x3FAE]  }
0x3d: {  	_ =	shalt  }
0x3e: {  	_ =	shalt  }
0x3f: {  	_ =	shalt  }
0x40: {  	_ =	shalt  }
0x41: {  	_ =	shalt  }
0x42: {  	_ =	shalt  }
0x43: {  	_ =	shalt  }
0x44: {  	_ =	shalt  }
0x45: {  	_ =	shalt  }
0x46: {  	_ =	shalt  }
0x47: {  	_ =	shalt  }
0x48: {  	_ =	shalt  }
0x49: {  	_ =	shalt  }
0x4a: {  	_ =	shalt  }
0x4b: {  	_ =	shalt  }
0x4c: {  	_ =	shalt  }
0x4d: {  	_ =	shalt  }
0x4e: {  	_ =	shalt  }
0x4f: {  	_ =	shalt  }
0x50: {  	_ =	shalt  }
0x51: {  	_ =	shalt  }
0x52: {  	_ =	shalt  }
0x53: {  	_ =	shalt  }
0x54: {  	_ =	shalt  }
0x55: {  	_ =	shalt  }
0x56: {  	_ =	shalt  }
0x57: {  	_ =	shalt  }
0x58: {  	_ =	shalt  }
0x59: {  	_ =	shalt  }
0x5a: {  	_ =	shalt  }
0x5b: {  	_ =	shalt  }
0x5c: {  	_ =	shalt  }
0x5d: {  	_ =	shalt  }
0x5e: {  	_ =	shalt  }
0x5f: {  	_ =	shalt  }
0x60: {  	_ =	shalt  }
0x61: {  	_ =	shalt  }
0x62: {  	_ =	shalt  }
0x63: {  	_ =	shalt  }
0x64: {  	_ =	shalt  }
0x65: {  	_ =	shalt  }
0x66: {  	_ =	shalt  }
0x67: {  	_ =	shalt  }
0x68: {  	_ =	shalt  }
0x69: {  	_ =	shalt  }
0x6a: {  	_ =	shalt  }
0x6b: {  	_ =	shalt  }
0x6c: {  	_ =	shalt  }
0x6d: {  	_ =	shalt  }
0x6e: {  	_ =	shalt  }
0x6f: {  	_ =	shalt  }
0x70: {  	_ =	shalt  }
0x71: {  	_ =	shalt  }
0x72: {  	_ =	shalt  }
0x73: {  	_ =	shalt  }
0x74: {  	_ =	shalt  }
0x75: {  	_ =	shalt  }
0x76: {  	_ =	shalt  }
0x77: {  	_ =	shalt  }
0x78: {  	_ =	shalt  }
0x79: {  	_ =	shalt  }
0x7a: {  	_ =	shalt  }
0x7b: {  	_ =	shalt  }
0x7c: {  	_ =	shalt  }
0x7d: {  	_ =	shalt  }
0x7e: {  	_ =	shalt  }
0x7f: {  	_ =	shalt  }
0x80: {  	_ =	shalt  }
0x81: {  	_ =	shalt  }
0x82: {  	_ =	shalt  }
0x83: {  	_ =	shalt  }
0x84: {  	_ =	shalt  }
0x85: {  	_ =	shalt  }
0x86: {  	_ =	shalt  }
0x87: {  	_ =	shalt  }
.Lfunc_end0:
.L_simem_size_0:
called_computation_lowered:
.L_overlay_start_0:
0x88: {  	s2 =	sld [smem:$0x3FD9]  }
0x89: {  	s3 =	sld [smem:$0x3FFE];
	_ =	sdelay $0x1  }
0x8a: {  	s1 =	srdreg.scid  }
0x8b: {  	s0 =	sand.u32 $0x1, s1  }
0x8c: {  	s17 =	sshll.u32 s0, $0xA;
	s2 =	sadd.s32 s3, s2  }
0x8d: {  	s2 =	sadd.s32 s2, s17  }
0x8e: {  	[smem:$0x3FBA] =	sst s2  }
0x8f: {  	_ = 	snop  }
0x90: {  	s2 =	sld [smem:$0x3FC9];
	(tm) =	ssettm $0x1  }
0x91: {  	s18 =	sld [smem:$0x3FFB];
	_ =	sdelay $0x3  }
0x92: {  	_ =	strace s18  }
0x93: {  	s3 =	sld [smem:$0x3FFC];
	_ =	sdelay $0x3  }
0x94: {  	_ =	strace s3  }
0x95: {  	s3 =	sld [smem:$0x3FFD];
	_ =	sdelay $0x3  }
0x96: {  	_ =	strace s3  }
0x97: {  	_ =	strace $0x8FFFFFFF  }
0x98: {  	s19 =	sld [smem:$0x3FDB];
	_ =	sdelay $0x1  }
0x99: {  	s4 =	simm.s32 $_scs_section_size  }
0x9a: {  	s5 =	simm.s32 $_size__tile_overlayer_lowered;
	s6 =	simm.s32 $_tile_overlayer_lowered  }
0x9b: {  	s22 =	simm.s32 $0x1BFF;
	s21 =	sshll.u32 s6, $0x1;
	s3 =	sadd.s32 s4, s19  }
0x9c: {  	s7 =	simm.s32 $0x0;
	s20 =	sshll.u32 s5, $0x1;
	s5 =	sadd.s32 s21, s3  }
0x9d: {  	[timem:s7], [sflag:s22] =	dma.local [hbm:s5], s20  }
0x9e: {  	_ =	swait.ge [sflag:s22], s20  }
0x9f: {  	s4 =	ssub.s32 $0x0, s20;
	[sflag:s22] =	ssyncset.done $0x0  }
0xa0: {  	[sflag:s22] =	ssyncadd.s32 s4;
	_ =	sdelay $0x1  }
0xa1: {  	s23 =	simm.s32 $0x1B8B  }
0xa2: {  	_ =	swait.ge [sflag:s23], $0x1  }
0xa3: {  	[sflag:s23] =	ssyncset.done $0x0  }
0xa4: {  	s25 =	simm.s32 $0x1B8E;
	s24 =	sld [smem:$0x3FFE];
	[sflag:s23] =	ssyncadd.s32 $0xFFFFFFFF  }
0xa5: {  	s26 =	simm.s32 $execute0_lowered;
	[smem:$0x3FD2] =	sst s25  }
0xa6: {  	s5 =	sshll.u32 s26, $0x1;
	_ =	strace $0x80000046;
	[dreg:$0x1] =	wrdreg $0xFFFFFFFF  }
0xa7: {  	s28 =	simm.s32 $_size_execute0_lowered;
	s3 =	sadd.s32 s3, s5;
	[dreg:$0x0] =	wrdreg $0x0  }
0xa8: {  	s5 =	sshll.u32 s28, $0x1;
	[dreg:$0x2] =	wrdreg s3  }
0xa9: {  	[dreg:$0x3] =	wrdreg s5  }
0xaa: {  	[dreg:$0x4] =	wrdreg $0xC0  }
0xab: {  	_ =	task [dreg:s7], $0x5FFFF  }
0xac: {  	[dreg:$0x1] =	wrdreg $0xFFFFFFFF  }
0xad: {  	[dreg:$0x0] =	wrdreg $0x60  }
0xae: {  	[dreg:$0x2] =	wrdreg s2  }
0xaf: {  	[dreg:$0x3] =	wrdreg s24  }
0xb0: {  	[dreg:$0x4] =	wrdreg $0x9  }
0xb1: {  	_ =	task.clear_ibuf [dreg:s7], $0x5FFFF;
	_ =	strace $0x90000046  }
0xb2: {  	s29 =	simm.s32 $0x9;
	_ =	strace $0x80000048  }
0xb3: {  	_ =	swait.ge [sflag:s29], $0x1  }
0xb4: {  	[sflag:s29] =	ssyncadd.s32 $0xFFFFFFFF  }
0xb5: {  	_ =	strace $0x90000048  }
0xb6: {  	_ =	sfence  }
0xb7: {  	s30 =	sld [smem:$0x0];
	_ =	sdelay $0x2  }
0xb8: {  	s31 =	sshll.u32 s1, $0xD;
	s1 =	sshrl.u32 s1, $0x2  }
0xb9: {  	s3 =	sand.u32 $0x4000, s31;
	s1 =	sadd.s32 s1, s30  }
0xba: {  	s0 =	sor.u32 s3, s0;
	s1 =	sshll.u32 s1, $0x11  }
0xbb: {  	s0 =	sor.u32 s1, s0  }
0xbc: {  	s0 =	sadd.s32 $0x8F2B, s0  }
0xbd: {  	[sflag:s0] =	ssyncadd.remote.s32 $0x1  }
0xbe: {  	_ =	sfence.sel $0xFFFF  }
0xbf: {  	[dreg:$0x0] =	wrdreg $0xFFFFFFFF;
	(pc) =	sbr.abs _section_cstart, $3  }
0xc0: {  	[dreg:$0x1] =	wrdreg $0xFFFFFFFF  }
0xc1: {  	_ =	task.clear_ibuf [dreg:s7], $0x2FFFF;
	_ =	strace $0x9FFFFFFF  }
0xc2: {  	(tm) =	ssettm $0x7FFFFFFF  }
0xc3: {  	_ =	shalt  }
tec
execute0_lowered:
.L_overlay_start_1:
0x0: {  	(tag) =	ssettag $0x1  }
0x1: {  	s2 =	rddreg [dreg:$0x0]  }
0x2: {  	s4 =	rddreg [dreg:$0x1]  }
0x3: {  	s0 =	rddreg [dreg:$0x2]  }
0x4: {  	s5 =	srdreg.scid;
	s1 =	stileid.u32;
	s3 =	simm.s32 $0x0  }
0x5: {  	s11 =	simm.s32 $0xA0;
	s12 =	simm.s32 $0x28A0;
	s6 =	smul.u32 $0x4E20, s1  }
0x6: {  	s13 =	simm.s32 $0x1;
	s5 =	sand.u32 $0x1, s5;
	s8 =	smul.u32 $0x4E200, s1  }
0x7: {  	s14 =	simm.s32 $0x2;
	s15 =	simm.s32 $0x0;
	s7 =	smul.u32 $0x2710, s5  }
0x8: {  	[smem:$0x7FF] =	sst s3;
	s29 =	ssub.s32 $0x2, s5;
	s5 =	smul.u32 $0x27100, s5  }
0x9: {  	_ =	strace $0x80000047;
	s8 =	sadd.s32 s8, s4;
	s9 =	sshrl.u32 s29, $0x1  }
0xa: {  	s6 =	sadd.s32 s7, s6;
	s30 =	ssub.s32 s29, s9;
	s31 =	sadd.s32 s5, s8  }
0xb: {  	s9 =	simm.s32 $0x3;
	s6 =	sshrl.u32 s6, $0x3;
	s5 =	sadd.s32 $0x4F9800, s31  }
0xc: {  	s10 =	sadd.s32 s6, s4;
	s4 =	smax.u32 s30, $0x1;
	s6 =	sadd.s32 $0x17800, s31  }
0xd: {  	s7 =	sadd.s32 $0x3C00, s10;
	s8 =	sadd.s32 $0xDA00, s10;
	s10 =	simm.s32 $0x50  }
.LBB2_1:
0xe: {  	s16 =	sadd.s32 $0x0, s8  }
0xf: {  	[tilespmem:s3], [sflag:$0x3] =	stream.linear.gather [hbm4b:s16+s3], $0x50, $0x38;
	[tilespmem:$0x50A0] =	vst v63  }
0x10: {  	_ =	swait.ge [sflag:s9], $0x50  }
0x11: {  	[sflag:s9] =	ssyncset.done $0x0  }
0x12: {  	s31 =	sadd.s32 $0x0, s7;
	[sflag:s9] =	ssyncadd.s32 $0xFFFFFFB0  }
0x13: {  	[tilespmem:s10], [sflag:$0x3] =	stream.linear.gather [hbm4b:s31+s3], $0x50, $0x38;
	[tilespmem:$0x50A0] =	vst v63  }
0x14: {  	_ =	swait.ge [sflag:s9], $0x50  }
0x15: {  	[sflag:s9] =	ssyncset.done $0x0  }
0x16: {  	[sflag:s9] =	ssyncadd.s32 $0xFFFFFFB0  }
0x17: {  	[tilespmem:s11], [sflag:$0x1] =	stream.indirect.gather [hbm4b:s2+s10], $0x80, s3, s10, $0xb8;
	[tilespmem:$0x50A0] =	vst v63  }
0x18: {  	_ = 	snop  }
0x19: {  	[tilespmem:s12], [sflag:$0x2] =	stream.indirect.gather [hbm4b:s2+s10], $0x80, s10, s10, $0xb8;
	[tilespmem:$0x50A0] =	vst v63  }
0x1a: {  	_ =	swait.ge [sflag:s13], $0x2800  }
0x1b: {  	[sflag:s13] =	ssyncset.done $0x0  }
0x1c: {  	[sflag:s13] =	ssyncadd.s32 $0xFFFFD800  }
0x1d: {  	_ =	swait.ge [sflag:s14], $0x2800  }
0x1e: {  	[sflag:s14] =	ssyncset.done $0x0  }
0x1f: {  	[sflag:s14] =	ssyncadd.s32 $0xFFFFD800  }
0x20: {  	[hbm4b:s6+s3] =	stream.linear.scatter [tilespmem:s11], [sflag:$0x3], $0x2800, $0x38;
	[tilespmem:$0x50A0] =	vst v63  }
0x21: {  	_ =	swait.ge [sflag:s9], $0x2800  }
0x22: {  	[sflag:s9] =	ssyncset.done $0x0  }
0x23: {  	[sflag:s9] =	ssyncadd.s32 $0xFFFFD800  }
0x24: {  	[hbm4b:s5+s3] =	stream.linear.scatter [tilespmem:s12], [sflag:$0x3], $0x2800, $0x38;
	[tilespmem:$0x50A0] =	vst v63  }
0x25: {  	s18 =	simm.s32 $0xA;
	s19 =	simm.s32 $0x14;
	_ =	swait.ge [sflag:s9], $0x2800  }
0x26: {  	s17 =	sadd.s32 $0x500, s6;
	s16 =	sadd.s32 $0x500, s5;
	[sflag:s9] =	ssyncset.done $0x0  }
.LBB2_2:
0x27: {  	s20 =	sadd.s32 s18, s8  }
0x28: {  	[sflag:s9] =	ssyncadd.s32 $0xFFFFD800;
	s21 =	smov.u32 s19;
	s22 =	sadd.s32 $0xA, s19  }
0x29: {  	[tilespmem:s3], [sflag:$0x3] =	stream.linear.gather [hbm4b:s20+s3], $0x50, $0x38;
	[tilespmem:$0x50A0] =	vst v63  }
0x2a: {  	p0 =	sne.s32 s19, $0x4D8;
	_ =	swait.ge [sflag:s9], $0x50  }
0x2b: {  	[sflag:s9] =	ssyncset.done $0x0  }
0x2c: {  	s19 =	sadd.s32 s18, s7;
	s18 =	smov.u32 s21;
	[sflag:s9] =	ssyncadd.s32 $0xFFFFFFB0  }
0x2d: {  	[tilespmem:s10], [sflag:$0x3] =	stream.linear.gather [hbm4b:s19+s3], $0x50, $0x38;
	[tilespmem:$0x50A0] =	vst v63  }
0x2e: {  	_ =	swait.ge [sflag:s9], $0x50  }
0x2f: {  	[sflag:s9] =	ssyncset.done $0x0  }
0x30: {  	[sflag:s9] =	ssyncadd.s32 $0xFFFFFFB0  }
0x31: {  	[tilespmem:s11], [sflag:$0x1] =	stream.indirect.gather [hbm4b:s2+s10], $0x80, s3, s10, $0xb8;
	[tilespmem:$0x50A0] =	vst v63  }
0x32: {  	_ = 	snop  }
0x33: {  	[tilespmem:s12], [sflag:$0x2] =	stream.indirect.gather [hbm4b:s2+s10], $0x80, s10, s10, $0xb8;
	[tilespmem:$0x50A0] =	vst v63  }
0x34: {  	_ =	swait.ge [sflag:s13], $0x2800  }
0x35: {  	[sflag:s13] =	ssyncset.done $0x0  }
0x36: {  	[sflag:s13] =	ssyncadd.s32 $0xFFFFD800  }
0x37: {  	_ =	swait.ge [sflag:s14], $0x2800  }
0x38: {  	[sflag:s14] =	ssyncset.done $0x0  }
0x39: {  	[sflag:s14] =	ssyncadd.s32 $0xFFFFD800  }
0x3a: {  	[hbm4b:s17+s3] =	stream.linear.scatter [tilespmem:s11], [sflag:$0x3], $0x2800, $0x38;
	[tilespmem:$0x50A0] =	vst v63  }
0x3b: {  	_ =	swait.ge [sflag:s9], $0x2800  }
.Ltmp0:
0x3c: {  	[sflag:s9] =	ssyncset.done $0x0;
	(pc) =	sbr.rel @p0 .LBB2_2-.Ltmp0, $4  }
0x3d: {  	[sflag:s9] =	ssyncadd.s32 $0xFFFFD800  }
0x3e: {  	[hbm4b:s16+s3] =	stream.linear.scatter [tilespmem:s12], [sflag:$0x3], $0x2800, $0x38;
	[tilespmem:$0x50A0] =	vst v63  }
0x3f: {  	s19 =	smov.u32 s22;
	_ =	swait.ge [sflag:s9], $0x2800  }
0x40: {  	s17 =	sadd.s32 $0x500, s17;
	s16 =	sadd.s32 $0x500, s16;
	[sflag:s9] =	ssyncset.done $0x0  }
0x41: {  	s19 =	sadd.s32 s18, s8;
	[sflag:s9] =	ssyncadd.s32 $0xFFFFD800  }
0x42: {  	[tilespmem:s3], [sflag:$0x3] =	stream.linear.gather [hbm4b:s19+s3], $0x50, $0x38;
	[tilespmem:$0x50A0] =	vst v63  }
0x43: {  	_ =	swait.ge [sflag:s9], $0x50  }
0x44: {  	[sflag:s9] =	ssyncset.done $0x0  }
0x45: {  	s31 =	sadd.s32 s18, s7;
	[sflag:s9] =	ssyncadd.s32 $0xFFFFFFB0  }
0x46: {  	[tilespmem:s10], [sflag:$0x3] =	stream.linear.gather [hbm4b:s31+s3], $0x50, $0x38;
	[tilespmem:$0x50A0] =	vst v63  }
0x47: {  	_ =	swait.ge [sflag:s9], $0x50  }
0x48: {  	[sflag:s9] =	ssyncset.done $0x0  }
0x49: {  	[sflag:s9] =	ssyncadd.s32 $0xFFFFFFB0  }
0x4a: {  	[tilespmem:s11], [sflag:$0x1] =	stream.indirect.gather [hbm4b:s2+s10], $0x80, s3, s10, $0xb8;
	[tilespmem:$0x50A0] =	vst v63  }
0x4b: {  	_ = 	snop  }
0x4c: {  	[tilespmem:s12], [sflag:$0x2] =	stream.indirect.gather [hbm4b:s2+s10], $0x80, s10, s10, $0xb8;
	[tilespmem:$0x50A0] =	vst v63  }
0x4d: {  	_ =	swait.ge [sflag:s13], $0x2800  }
0x4e: {  	[sflag:s13] =	ssyncset.done $0x0  }
0x4f: {  	[sflag:s13] =	ssyncadd.s32 $0xFFFFD800  }
0x50: {  	_ =	swait.ge [sflag:s14], $0x2800  }
0x51: {  	[sflag:s14] =	ssyncset.done $0x0  }
0x52: {  	[sflag:s14] =	ssyncadd.s32 $0xFFFFD800  }
0x53: {  	[hbm4b:s17+s3] =	stream.linear.scatter [tilespmem:s11], [sflag:$0x3], $0x2800, $0x38;
	[tilespmem:$0x50A0] =	vst v63  }
0x54: {  	s15 =	sadd.s32 $0x1, s15;
	_ =	swait.ge [sflag:s9], $0x2800  }
0x55: {  	p0 =	sne.s32 s15, s4;
	[sflag:s9] =	ssyncset.done $0x0  }
.Ltmp1:
0x56: {  	[sflag:s9] =	ssyncadd.s32 $0xFFFFD800;
	(pc) =	sbr.rel @p0 .LBB2_1-.Ltmp1, $4  }
0x57: {  	[hbm4b:s16+s3] =	stream.linear.scatter [tilespmem:s12], [sflag:$0x3], $0x2800, $0x38;
	[tilespmem:$0x50A0] =	vst v63  }
0x58: {  	_ =	swait.ge [sflag:s9], $0x2800  }
0x59: {  	[sflag:s9] =	ssyncset.done $0x0  }
0x5a: {  	[sflag:s9] =	ssyncadd.s32 $0xFFFFD800  }
0x5b: {  	_ =	sfence.sel $0x180000  }
0x5c: {  	[bflag:$0x0] =	sbarrier.arrive $0xFFFF  }
0x5d: {  	p0 =	sne.s32 s1, $0x0;
	_ =	strace $0x90000047  }
0x5e: {  	s0 =	sadd.s32 @!p0 $0x100000, s0;
	[bflag:$0x2] =	sbarrier.arrive $0xFFFF  }
0x5f: {  	[sflag:s0] =	ssyncadd.tile.s32 @!p0 $0x1;
	_ =	shalt  }
.Lfunc_end2:
_tile_overlayer_lowered:
.L_overlay_start_2:
0x60: {  	(tag) =	ssettag $0x2  }
0x61: {  	s0 =	rddreg [dreg:$0x0];
	s2 =	stileid.u32  }
0x62: {  	s1 =	rddreg [dreg:$0x1];
	p0 =	sne.s32 s2, $0x0  }
0x63: {  	s3 =	rddreg [dreg:$0x2];
	[bflag:$0x3] =	sbarrier.arrive $0xFFFF;
	s2 =	simm.s32 @!p0 $0x1C03  }
0x64: {  	[timem:s3], [sflag:s2] =	dma.local @!p0 [hbm:s0], s1  }
0x65: {  	s0 =	simm.s32 @!p0 $0x3  }
0x66: {  	_ =	swait.ge @!p0 [sflag:s0], s1  }
0x67: {  	s1 =	ssub.s32 @!p0 $0x0, s1;
	[sflag:s0] =	ssyncset.done @!p0 $0x0  }
0x68: {  	[sflag:s0] =	ssyncadd.s32 @!p0 s1  }
0x69: {  	[bflag:$0x3] =	sbarrier.arrive $0xFFFF  }
0x6a: {  	_ =	shalt  }

// kernel: kernel.17.cloned.1.call-start
scs
__scs_entry_jumppad:
0x0: {  	(pc) =	sbr.rel $0x88, $3  }
0x1: {  	(tag) =	ssettag $0x0;
	lr =	simm.s32 $0x1  }
0x2: {  	[smem:$0x3F93] =	sst lr;
	_ =	strace $0xD0000000  }
0x3: {  	_ = 	snop  }
0x4: {  	_ = 	snop  }
0x5: {  	_ = 	snop  }
0x6: {  	_ = 	snop  }
0x7: {  	_ = 	snop  }
__scs_overlays_trampoline_lowered:
0x8: {  	[smem:$0x3FA2] =	sst s0  }
0x9: {  	[smem:$0x3FA3] =	sst s1  }
0xa: {  	[smem:$0x3FA4] =	sst s2  }
0xb: {  	[smem:$0x3FA5] =	sst s3  }
0xc: {  	[smem:$0x3FA6] =	sst s4  }
0xd: {  	[smem:$0x3FA7] =	sst s5  }
0xe: {  	[smem:$0x3FA8] =	sst s6  }
0xf: {  	[smem:$0x3FA9] =	sst s7  }
0x10: {  	[smem:$0x3FAA] =	sst s8  }
0x11: {  	[smem:$0x3FAB] =	sst s9;
	s0 =	simm.s32 @!p0 $0x0  }
0x12: {  	s1 =	sld [smem:$0x3F91];
	s0 =	simm.s32 @p0 $0x1  }
0x13: {  	[smem:$0x3FAC] =	sst s0;
	s0 =	simm.s32 @!p1 $0x0  }
0x14: {  	s2 =	sld [smem:$0x3F90];
	s0 =	simm.s32 @p1 $0x1  }
0x15: {  	[smem:$0x3FAD] =	sst s0;
	s0 =	simm.s32 @!p2 $0x0  }
0x16: {  	s3 =	sld [smem:$0x3FDB];
	s0 =	simm.s32 @p2 $0x1  }
0x17: {  	s4 =	simm.s32 $0x1BF5;
	[smem:$0x3FAF] =	sst s0  }
0x18: {  	s0 =	sld [smem:$0x3F92];
	_ =	swait.ge [sflag:s4], $0x0  }
0x19: {  	s7 =	sld [smem:$0x3F93]  }
0x1a: {  	s8 =	sadd.s32 $0xFFFFE003, lr  }
0x1b: {  	s9 =	sadd.s32 $0xFFFFFEF7, lr;
	s5 =	simm.s32 $0xFFFFFFFF;
	p2 =	slt.u32 s8, $0xFFFFF086  }
0x1c: {  	p1 =	slt.u32 s9, $0xF7A;
	s5 =	simm.s32 @!p2 $0x0  }
0x1d: {  	s5 =	simm.s32 @p1 $0x1;
	p0 =	seq.s32 s7, s2  }
0x1e: {  	s7 =	smul.u32 @!p0 $0xF7A, s2;
	p2 =	seq.s32 @!p0 s5, $0x0  }
0x1f: {  	s9 =	smul.u32 $0xF7A, s1;
	s8 =	simm.s32 @!p0 $0x1BF5;
	p2 =	por !p2, p0  }
0x20: {  	[sflag:s8] =	ssyncset.s32 @!p0 $0xFFFFF086;
	s6 =	sadd.s32 @!p0 s3, s7;
	s7 =	simm.s32 @!p0 $0x108  }
0x21: {  	s3 =	sadd.s32 s3, s9;
	s6 =	sadd.s32 @!p0 $0x88, s6;
	s7 =	simm.s32 @p2 $0x1082  }
0x22: {  	[simem:s7], [sflag:s8] =	dma.local @!p0 [hbm:s6], $0xF7A  }
0x23: {  	s9 =	sor.u32 $0xD0000000, s2;
	s6 =	simm.s32 $0x108;
	_ =	swait.ge @!p0 [sflag:s8], $0x0  }
0x24: {  	s3 =	sadd.s32 $0x88, s3;
	s6 =	simm.s32 @!p1 $0x1082;
	[sflag:s4] =	ssyncset.s32 $0xFFFFF086  }
0x25: {  	[simem:s6], [sflag:s4] =	dma.local [hbm:s3], $0xF7A  }
0x26: {  	[smem:$0x3F93] =	sst s1;
	(tag) =	ssettag s2;
	_ =	strace s9  }
0x27: {  	s1 =	sld [smem:$0x3FA3]  }
0x28: {  	s2 =	sld [smem:$0x3FA4]  }
0x29: {  	s4 =	sld [smem:$0x3FA6]  }
0x2a: {  	p0 =	seq.s32 s5, $0x0;
	s5 =	sld [smem:$0x3FA7]  }
0x2b: {  	s6 =	sld [smem:$0x3FA8]  }
0x2c: {  	s7 =	sld [smem:$0x3FA9]  }
0x2d: {  	s3 =	simm.s32 $0x108;
	s8 =	sld [smem:$0x3FAA]  }
0x2e: {  	s3 =	simm.s32 @!p0 $0x1082;
	s9 =	sld [smem:$0x3FAB]  }
0x2f: {  	lr =	sadd.s32 s0, s3;
	s0 =	sld [smem:$0x3FA2]  }
0x30: {  	s3 =	sld [smem:$0x3FA5]  }
0x31: {  	[smem:$0x3FAE] =	sst s10  }
0x32: {  	s10 =	sld [smem:$0x3FAC];
	_ =	sdelay $0x3  }
0x33: {  	p0 =	seq.s32 s10, $0x1;
	s10 =	sld [smem:$0x3FAE];
	_ =	sdelay $0x3  }
0x34: {  	[smem:$0x3FAE] =	sst s10  }
0x35: {  	s10 =	sld [smem:$0x3FAD];
	_ =	sdelay $0x3  }
0x36: {  	p1 =	seq.s32 s10, $0x1;
	s10 =	sld [smem:$0x3FAE];
	_ =	sdelay $0x3  }
0x37: {  	[smem:$0x3FAE] =	sst s10  }
0x38: {  	s10 =	sld [smem:$0x3FAF]  }
0x39: {  	_ = 	snop;
	(pc) =	sbr.ind lr, $3  }
0x3a: {  	_ = 	snop  }
0x3b: {  	_ = 	snop  }
0x3c: {  	p2 =	seq.s32 s10, $0x1;
	s10 =	sld [smem:$0x3FAE]  }
0x3d: {  	_ =	shalt  }
0x3e: {  	_ =	shalt  }
0x3f: {  	_ =	shalt  }
0x40: {  	_ =	shalt  }
0x41: {  	_ =	shalt  }
0x42: {  	_ =	shalt  }
0x43: {  	_ =	shalt  }
0x44: {  	_ =	shalt  }
0x45: {  	_ =	shalt  }
0x46: {  	_ =	shalt  }
0x47: {  	_ =	shalt  }
0x48: {  	_ =	shalt  }
0x49: {  	_ =	shalt  }
0x4a: {  	_ =	shalt  }
0x4b: {  	_ =	shalt  }
0x4c: {  	_ =	shalt  }
0x4d: {  	_ =	shalt  }
0x4e: {  	_ =	shalt  }
0x4f: {  	_ =	shalt  }
0x50: {  	_ =	shalt  }
0x51: {  	_ =	shalt  }
0x52: {  	_ =	shalt  }
0x53: {  	_ =	shalt  }
0x54: {  	_ =	shalt  }
0x55: {  	_ =	shalt  }
0x56: {  	_ =	shalt  }
0x57: {  	_ =	shalt  }
0x58: {  	_ =	shalt  }
0x59: {  	_ =	shalt  }
0x5a: {  	_ =	shalt  }
0x5b: {  	_ =	shalt  }
0x5c: {  	_ =	shalt  }
0x5d: {  	_ =	shalt  }
0x5e: {  	_ =	shalt  }
0x5f: {  	_ =	shalt  }
0x60: {  	_ =	shalt  }
0x61: {  	_ =	shalt  }
0x62: {  	_ =	shalt  }
0x63: {  	_ =	shalt  }
0x64: {  	_ =	shalt  }
0x65: {  	_ =	shalt  }
0x66: {  	_ =	shalt  }
0x67: {  	_ =	shalt  }
0x68: {  	_ =	shalt  }
0x69: {  	_ =	shalt  }
0x6a: {  	_ =	shalt  }
0x6b: {  	_ =	shalt  }
0x6c: {  	_ =	shalt  }
0x6d: {  	_ =	shalt  }
0x6e: {  	_ =	shalt  }
0x6f: {  	_ =	shalt  }
0x70: {  	_ =	shalt  }
0x71: {  	_ =	shalt  }
0x72: {  	_ =	shalt  }
0x73: {  	_ =	shalt  }
0x74: {  	_ =	shalt  }
0x75: {  	_ =	shalt  }
0x76: {  	_ =	shalt  }
0x77: {  	_ =	shalt  }
0x78: {  	_ =	shalt  }
0x79: {  	_ =	shalt  }
0x7a: {  	_ =	shalt  }
0x7b: {  	_ =	shalt  }
0x7c: {  	_ =	shalt  }
0x7d: {  	_ =	shalt  }
0x7e: {  	_ =	shalt  }
0x7f: {  	_ =	shalt  }
0x80: {  	_ =	shalt  }
0x81: {  	_ =	shalt  }
0x82: {  	_ =	shalt  }
0x83: {  	_ =	shalt  }
0x84: {  	_ =	shalt  }
0x85: {  	_ =	shalt  }
0x86: {  	_ =	shalt  }
0x87: {  	_ =	shalt  }
.Lfunc_end0:
.L_simem_size_0:
called_computation.1_lowered:
.L_overlay_start_0:
0x88: {  	s2 =	sld [smem:$0x3FD9]  }
0x89: {  	s3 =	sld [smem:$0x3FFE];
	_ =	sdelay $0x1  }
0x8a: {  	s1 =	srdreg.scid  }
0x8b: {  	s0 =	sand.u32 $0x1, s1  }
0x8c: {  	s14 =	sshll.u32 s0, $0xA;
	s2 =	sadd.s32 s3, s2  }
0x8d: {  	s2 =	sadd.s32 s2, s14  }
0x8e: {  	[smem:$0x3FBA] =	sst s2  }
0x8f: {  	_ = 	snop  }
0x90: {  	s2 =	sld [smem:$0x3FD0];
	_ =	sdelay $0x2  }
0x91: {  	s15 =	simm.s32 $0xA;
	s4 =	simm.s32 $0x10  }
0x92: {  	[smem:s4], [sflag:s15] =	dma.local [hbm:s2], $0x1  }
0x93: {  	_ =	swait.eq [sflag:s15], $0x1  }
0x94: {  	[sflag:s15] =	ssyncset.done $0x0  }
0x95: {  	s16 =	sld [smem:$0x10];
	[sflag:s15] =	ssyncadd.s32 $0xFFFFFFFF  }
0x96: {  	s17 =	sld [smem:$0x11];
	(tm) =	ssettm $0x1  }
0x97: {  	s18 =	sld [smem:$0x3FFB];
	_ =	sdelay $0x3  }
0x98: {  	_ =	strace s18  }
0x99: {  	s4 =	sld [smem:$0x3FFC];
	_ =	sdelay $0x3  }
0x9a: {  	_ =	strace s4  }
0x9b: {  	s4 =	sld [smem:$0x3FFD];
	_ =	sdelay $0x3  }
0x9c: {  	_ =	strace s4  }
0x9d: {  	_ =	strace $0x8FFFFFFF  }
0x9e: {  	s19 =	sld [smem:$0x3FDB];
	_ =	sdelay $0x1  }
0x9f: {  	s5 =	simm.s32 $_scs_section_size  }
0xa0: {  	s6 =	simm.s32 $_size__tile_overlayer_lowered;
	s7 =	simm.s32 $_tile_overlayer_lowered  }
0xa1: {  	s22 =	simm.s32 $0x1BFF;
	s21 =	sshll.u32 s7, $0x1;
	s4 =	sadd.s32 s5, s19  }
0xa2: {  	s8 =	simm.s32 $0x0;
	s20 =	sshll.u32 s6, $0x1;
	s6 =	sadd.s32 s21, s4  }
0xa3: {  	[timem:s8], [sflag:s22] =	dma.local [hbm:s6], s20  }
0xa4: {  	_ =	swait.ge [sflag:s22], s20  }
0xa5: {  	s5 =	ssub.s32 $0x0, s20;
	[sflag:s22] =	ssyncset.done $0x0  }
0xa6: {  	[sflag:s22] =	ssyncadd.s32 s5;
	_ =	sdelay $0x1  }
0xa7: {  	s23 =	simm.s32 $0x1B8B  }
0xa8: {  	_ =	swait.ge [sflag:s23], $0x1  }
0xa9: {  	[sflag:s23] =	ssyncset.done $0x0  }
0xaa: {  	s25 =	simm.s32 $0x1B8E;
	s24 =	sld [smem:$0x3FFE];
	[sflag:s23] =	ssyncadd.s32 $0xFFFFFFFF  }
0xab: {  	s26 =	simm.s32 $execute0_lowered;
	[smem:$0x3FD2] =	sst s25  }
0xac: {  	s6 =	sshll.u32 s26, $0x1;
	_ =	strace $0x80000049;
	[dreg:$0x1] =	wrdreg $0xFFFFFFFF  }
0xad: {  	s28 =	simm.s32 $_size_execute0_lowered;
	s4 =	sadd.s32 s4, s6;
	[dreg:$0x0] =	wrdreg $0x0  }
0xae: {  	s6 =	sshll.u32 s28, $0x1;
	[dreg:$0x2] =	wrdreg s4  }
0xaf: {  	[dreg:$0x3] =	wrdreg s6  }
0xb0: {  	[dreg:$0x4] =	wrdreg $0xC0  }
0xb1: {  	_ =	task [dreg:s8], $0x5FFFF  }
0xb2: {  	[dreg:$0x1] =	wrdreg $0xFFFFFFFF  }
0xb3: {  	[dreg:$0x0] =	wrdreg $0x60  }
0xb4: {  	[dreg:$0x2] =	wrdreg s17  }
0xb5: {  	[dreg:$0x3] =	wrdreg s24  }
0xb6: {  	[dreg:$0x4] =	wrdreg s16  }
0xb7: {  	[dreg:$0x5] =	wrdreg $0x5500  }
0xb8: {  	[dreg:$0x6] =	wrdreg $0x9  }
0xb9: {  	_ =	task.clear_ibuf [dreg:s8], $0x7FFFF;
	_ =	strace $0x90000049  }
0xba: {  	s29 =	simm.s32 $0x9;
	_ =	strace $0x8000004B  }
0xbb: {  	_ =	swait.ge [sflag:s29], $0x1  }
0xbc: {  	[sflag:s29] =	ssyncadd.s32 $0xFFFFFFFF  }
0xbd: {  	_ =	strace $0x9000004B  }
0xbe: {  	_ =	sfence  }
0xbf: {  	s30 =	sld [smem:$0x0];
	_ =	sdelay $0x2  }
0xc0: {  	s31 =	sshll.u32 s1, $0xD;
	s1 =	sshrl.u32 s1, $0x2  }
0xc1: {  	s3 =	sand.u32 $0x4000, s31;
	s1 =	sadd.s32 s1, s30  }
0xc2: {  	s0 =	sor.u32 s3, s0;
	s1 =	sshll.u32 s1, $0x11  }
0xc3: {  	s0 =	sor.u32 s1, s0  }
0xc4: {  	s0 =	sadd.s32 $0x8F2B, s0  }
0xc5: {  	[sflag:s0] =	ssyncadd.remote.s32 $0x1  }
0xc6: {  	_ =	sfence.sel $0xFFFF  }
0xc7: {  	[dreg:$0x0] =	wrdreg $0xFFFFFFFF;
	(pc) =	sbr.abs _section_cstart, $3  }
0xc8: {  	[dreg:$0x1] =	wrdreg $0xFFFFFFFF  }
0xc9: {  	_ =	task.clear_ibuf [dreg:s8], $0x2FFFF;
	_ =	strace $0x9FFFFFFF  }
0xca: {  	(tm) =	ssettm $0x7FFFFFFF  }
0xcb: {  	_ =	shalt  }
tec
execute0_lowered:
.L_overlay_start_1:
0x0: {  	(tag) =	ssettag $0x1  }
0x1: {  	s6 =	rddreg [dreg:$0x0]  }
0x2: {  	s3 =	rddreg [dreg:$0x1]  }
0x3: {  	s4 =	rddreg [dreg:$0x2]  }
0x4: {  	s0 =	srdreg.scid;
	s7 =	stileid.u32  }
0x5: {  	s1 =	rddreg [dreg:$0x3];
	s2 =	simm.s32 $0x0;
	s8 =	smul.u32 $0x4E20, s7  }
0x6: {  	s5 =	sand.u32 $0x1, s0;
	s0 =	rddreg [dreg:$0x4];
	s11 =	smul.u32 $0x9C40, s7  }
0x7: {  	[smem:$0x7FF] =	sst s2;
	p0 =	sne.s32 s7, $0x0;
	s9 =	smul.u32 $0x2710, s5  }
0x8: {  	_ =	strace $0x8000004A;
	s30 =	ssub.s32 $0x2, s5;
	s10 =	smul.u32 $0x4E20, s5  }
0x9: {  	s31 =	sshrl.u32 s30, $0x1;
	s6 =	sadd.s32 s11, s6;
	s11 =	simm.s32 $0x0  }
0xa: {  	s8 =	sadd.s32 s9, s8;
	s5 =	ssub.s32 s30, s31;
	s4 =	sadd.s32 s4, s10  }
0xb: {  	s6 =	sadd.s32 s10, s6;
	s9 =	simm.s32 $0x1;
	s8 =	sshrl.u32 s8, $0x3  }
0xc: {  	s10 =	simm.s32 $0x50;
	s5 =	smax.u32 s5, $0x1;
	s8 =	sadd.s32 s8, s3  }
0xd: {  	s3 =	sadd.s32 $0x9DD800, s3;
	s7 =	sadd.s32 $0xDA00, s8;
	s8 =	sshrl.u32 @!p0 s1, $0x3  }
.LBB2_1:
0xe: {  	s12 =	simm.s32 @!p0 $0x1C01  }
0xf: {  	[spmem:s8], [sflag:s12] =	dma.local @!p0 [hbm:s3], $0x4E20  }
0x10: {  	s12 =	simm.s32 @!p0 $0x1  }
0x11: {  	_ =	swait.ge @!p0 [sflag:s12], $0x4E20  }
0x12: {  	[sflag:s12] =	ssyncset.done @!p0 $0x0  }
0x13: {  	[sflag:s12] =	ssyncadd.s32 @!p0 $0xFFFFB1E0  }
0x14: {  	s31 =	sadd.s32 $0x0, s7;
	[bflag:$0x0] =	sbarrier.arrive $0xFFFF  }
0x15: {  	[tilespmem:s2], [sflag:$0x1] =	stream.linear.gather [hbm4b:s31+s2], $0x50, $0x38;
	[tilespmem:$0x2C60] =	vst v63  }
0x16: {  	_ =	swait.ge [sflag:s9], $0x50  }
0x17: {  	[sflag:s9] =	ssyncset.done $0x0  }
0x18: {  	[sflag:s9] =	ssyncadd.s32 $0xFFFFFFB0  }
0x19: {  	[tilespmem:s10], [sflag:$0x1] =	stream.linear.gather [hbm4b:s6+s2], $0x500, $0x38;
	[tilespmem:$0x2C60] =	vst v63  }
0x1a: {  	_ =	swait.ge [sflag:s9], $0x500  }
0x1b: {  	[sflag:s9] =	ssyncset.done $0x0  }
0x1c: {  	[sflag:s9] =	ssyncadd.s32 $0xFFFFFB00  }
0x1d: {  	[spmem:s1] =	stream.indirect.scatter.add.f32 [tilespmem:s10], [sflag:$0x1], $0x10, s2, s10, $0xb8;
	[tilespmem:$0x2C60] =	vst v63  }
0x1e: {  	s13 =	simm.s32 $0xA;
	_ =	swait.ge [sflag:s9], $0x500  }
0x1f: {  	s14 =	simm.s32 $0x14;
	s12 =	sadd.s32 $0xA0, s6;
	[sflag:s9] =	ssyncset.done $0x0  }
.LBB2_2:
0x20: {  	s15 =	sadd.s32 s13, s7  }
0x21: {  	[sflag:s9] =	ssyncadd.s32 $0xFFFFFB00;
	s13 =	smov.u32 s14;
	s16 =	sadd.s32 $0xA, s14  }
0x22: {  	[tilespmem:s2], [sflag:$0x1] =	stream.linear.gather [hbm4b:s15+s2], $0x50, $0x38;
	[tilespmem:$0x2C60] =	vst v63  }
0x23: {  	p1 =	sne.s32 s14, $0x4D8;
	_ =	swait.ge [sflag:s9], $0x50  }
0x24: {  	[sflag:s9] =	ssyncset.done $0x0  }
0x25: {  	[sflag:s9] =	ssyncadd.s32 $0xFFFFFFB0  }
0x26: {  	[tilespmem:s10], [sflag:$0x1] =	stream.linear.gather [hbm4b:s12+s2], $0x500, $0x38;
	[tilespmem:$0x2C60] =	vst v63  }
0x27: {  	_ =	swait.ge [sflag:s9], $0x500  }
.Ltmp0:
0x28: {  	[sflag:s9] =	ssyncset.done $0x0;
	(pc) =	sbr.rel @p1 .LBB2_2-.Ltmp0, $4  }
0x29: {  	[sflag:s9] =	ssyncadd.s32 $0xFFFFFB00  }
0x2a: {  	[spmem:s1] =	stream.indirect.scatter.add.f32 [tilespmem:s10], [sflag:$0x1], $0x10, s2, s10, $0xb8;
	[tilespmem:$0x2C60] =	vst v63  }
0x2b: {  	_ =	swait.ge [sflag:s9], $0x500  }
0x2c: {  	s14 =	smov.u32 s16;
	s12 =	sadd.s32 $0xA0, s12;
	[sflag:s9] =	ssyncset.done $0x0  }
0x2d: {  	s13 =	sadd.s32 s13, s7;
	[sflag:s9] =	ssyncadd.s32 $0xFFFFFB00  }
0x2e: {  	[tilespmem:s2], [sflag:$0x1] =	stream.linear.gather [hbm4b:s13+s2], $0x50, $0x38;
	[tilespmem:$0x2C60] =	vst v63  }
0x2f: {  	_ =	swait.ge [sflag:s9], $0x50  }
0x30: {  	[sflag:s9] =	ssyncset.done $0x0  }
0x31: {  	[sflag:s9] =	ssyncadd.s32 $0xFFFFFFB0  }
0x32: {  	[tilespmem:s10], [sflag:$0x1] =	stream.linear.gather [hbm4b:s12+s2], $0x500, $0x38;
	[tilespmem:$0x2C60] =	vst v63  }
0x33: {  	_ =	swait.ge [sflag:s9], $0x500  }
0x34: {  	[sflag:s9] =	ssyncset.done $0x0  }
0x35: {  	[sflag:s9] =	ssyncadd.s32 $0xFFFFFB00  }
0x36: {  	[spmem:s1] =	stream.indirect.scatter.add.f32 [tilespmem:s10], [sflag:$0x1], $0x10, s2, s10, $0xb8;
	[tilespmem:$0x2C60] =	vst v63  }
0x37: {  	_ =	swait.ge [sflag:s9], $0x500  }
0x38: {  	[sflag:s9] =	ssyncset.done $0x0  }
0x39: {  	s11 =	sadd.s32 $0x1, s11;
	[sflag:s9] =	ssyncadd.s32 $0xFFFFFB00  }
0x3a: {  	p1 =	sne.s32 s11, s5;
	s12 =	simm.s32 @!p0 $0x1C01;
	[bflag:$0x0] =	sbarrier.arrive $0xFFFF  }
0x3b: {  	[hbm:s4], [sflag:s12] =	dma.local @!p0 [spmem:s8], $0x4E20  }
.Ltmp1:
0x3c: {  	_ = 	snop;
	(pc) =	sbr.rel @p1 .LBB2_1-.Ltmp1, $4  }
0x3d: {  	s12 =	simm.s32 @!p0 $0x1  }
0x3e: {  	_ =	swait.ge @!p0 [sflag:s12], $0x4E20  }
0x3f: {  	[sflag:s12] =	ssyncset.done @!p0 $0x0  }
0x40: {  	[sflag:s12] =	ssyncadd.s32 @!p0 $0xFFFFB1E0  }
0x41: {  	_ =	sfence.sel $0x180000  }
0x42: {  	[bflag:$0x0] =	sbarrier.arrive $0xFFFF  }
0x43: {  	_ =	strace $0x9000004A  }
0x44: {  	s0 =	sadd.s32 @!p0 $0x100000, s0;
	[bflag:$0x2] =	sbarrier.arrive $0xFFFF  }
0x45: {  	[sflag:s0] =	ssyncadd.tile.s32 @!p0 $0x1;
	_ =	shalt  }
.Lfunc_end2:
_tile_overlayer_lowered:
.L_overlay_start_2:
0x46: {  	(tag) =	ssettag $0x2  }
0x47: {  	s0 =	rddreg [dreg:$0x0];
	s2 =	stileid.u32  }
0x48: {  	s1 =	rddreg [dreg:$0x1];
	p0 =	sne.s32 s2, $0x0  }
0x49: {  	s3 =	rddreg [dreg:$0x2];
	[bflag:$0x3] =	sbarrier.arrive $0xFFFF;
	s2 =	simm.s32 @!p0 $0x1C01  }
0x4a: {  	[timem:s3], [sflag:s2] =	dma.local @!p0 [hbm:s0], s1  }
0x4b: {  	s0 =	simm.s32 @!p0 $0x1  }
0x4c: {  	_ =	swait.ge @!p0 [sflag:s0], s1  }
0x4d: {  	s1 =	ssub.s32 @!p0 $0x0, s1;
	[sflag:s0] =	ssyncset.done @!p0 $0x0  }
0x4e: {  	[sflag:s0] =	ssyncadd.s32 @!p0 s1  }
0x4f: {  	[bflag:$0x3] =	sbarrier.arrive $0xFFFF  }
0x50: {  	_ =	shalt  }

// kernel: kernel.20.cloned.1.call-start
scs
__scs_entry_jumppad:
0x0: {  	(pc) =	sbr.rel $0x88, $3  }
0x1: {  	(tag) =	ssettag $0x0;
	lr =	simm.s32 $0x1  }
0x2: {  	[smem:$0x3F93] =	sst lr;
	_ =	strace $0xD0000000  }
0x3: {  	_ = 	snop  }
0x4: {  	_ = 	snop  }
0x5: {  	_ = 	snop  }
0x6: {  	_ = 	snop  }
0x7: {  	_ = 	snop  }
__scs_overlays_trampoline_lowered:
0x8: {  	[smem:$0x3FA2] =	sst s0  }
0x9: {  	[smem:$0x3FA3] =	sst s1  }
0xa: {  	[smem:$0x3FA4] =	sst s2  }
0xb: {  	[smem:$0x3FA5] =	sst s3  }
0xc: {  	[smem:$0x3FA6] =	sst s4  }
0xd: {  	[smem:$0x3FA7] =	sst s5  }
0xe: {  	[smem:$0x3FA8] =	sst s6  }
0xf: {  	[smem:$0x3FA9] =	sst s7  }
0x10: {  	[smem:$0x3FAA] =	sst s8  }
0x11: {  	[smem:$0x3FAB] =	sst s9;
	s0 =	simm.s32 @!p0 $0x0  }
0x12: {  	s1 =	sld [smem:$0x3F91];
	s0 =	simm.s32 @p0 $0x1  }
0x13: {  	[smem:$0x3FAC] =	sst s0;
	s0 =	simm.s32 @!p1 $0x0  }
0x14: {  	s2 =	sld [smem:$0x3F90];
	s0 =	simm.s32 @p1 $0x1  }
0x15: {  	[smem:$0x3FAD] =	sst s0;
	s0 =	simm.s32 @!p2 $0x0  }
0x16: {  	s3 =	sld [smem:$0x3FDB];
	s0 =	simm.s32 @p2 $0x1  }
0x17: {  	s4 =	simm.s32 $0x1BF5;
	[smem:$0x3FAF] =	sst s0  }
0x18: {  	s0 =	sld [smem:$0x3F92];
	_ =	swait.ge [sflag:s4], $0x0  }
0x19: {  	s7 =	sld [smem:$0x3F93]  }
0x1a: {  	s8 =	sadd.s32 $0xFFFFE003, lr  }
0x1b: {  	s9 =	sadd.s32 $0xFFFFFEF7, lr;
	s5 =	simm.s32 $0xFFFFFFFF;
	p2 =	slt.u32 s8, $0xFFFFF086  }
0x1c: {  	p1 =	slt.u32 s9, $0xF7A;
	s5 =	simm.s32 @!p2 $0x0  }
0x1d: {  	s5 =	simm.s32 @p1 $0x1;
	p0 =	seq.s32 s7, s2  }
0x1e: {  	s7 =	smul.u32 @!p0 $0xF7A, s2;
	p2 =	seq.s32 @!p0 s5, $0x0  }
0x1f: {  	s9 =	smul.u32 $0xF7A, s1;
	s8 =	simm.s32 @!p0 $0x1BF5;
	p2 =	por !p2, p0  }
0x20: {  	[sflag:s8] =	ssyncset.s32 @!p0 $0xFFFFF086;
	s6 =	sadd.s32 @!p0 s3, s7;
	s7 =	simm.s32 @!p0 $0x108  }
0x21: {  	s3 =	sadd.s32 s3, s9;
	s6 =	sadd.s32 @!p0 $0x88, s6;
	s7 =	simm.s32 @p2 $0x1082  }
0x22: {  	[simem:s7], [sflag:s8] =	dma.local @!p0 [hbm:s6], $0xF7A  }
0x23: {  	s9 =	sor.u32 $0xD0000000, s2;
	s6 =	simm.s32 $0x108;
	_ =	swait.ge @!p0 [sflag:s8], $0x0  }
0x24: {  	s3 =	sadd.s32 $0x88, s3;
	s6 =	simm.s32 @!p1 $0x1082;
	[sflag:s4] =	ssyncset.s32 $0xFFFFF086  }
0x25: {  	[simem:s6], [sflag:s4] =	dma.local [hbm:s3], $0xF7A  }
0x26: {  	[smem:$0x3F93] =	sst s1;
	(tag) =	ssettag s2;
	_ =	strace s9  }
0x27: {  	s1 =	sld [smem:$0x3FA3]  }
0x28: {  	s2 =	sld [smem:$0x3FA4]  }
0x29: {  	s4 =	sld [smem:$0x3FA6]  }
0x2a: {  	p0 =	seq.s32 s5, $0x0;
	s5 =	sld [smem:$0x3FA7]  }
0x2b: {  	s6 =	sld [smem:$0x3FA8]  }
0x2c: {  	s7 =	sld [smem:$0x3FA9]  }
0x2d: {  	s3 =	simm.s32 $0x108;
	s8 =	sld [smem:$0x3FAA]  }
0x2e: {  	s3 =	simm.s32 @!p0 $0x1082;
	s9 =	sld [smem:$0x3FAB]  }
0x2f: {  	lr =	sadd.s32 s0, s3;
	s0 =	sld [smem:$0x3FA2]  }
0x30: {  	s3 =	sld [smem:$0x3FA5]  }
0x31: {  	[smem:$0x3FAE] =	sst s10  }
0x32: {  	s10 =	sld [smem:$0x3FAC];
	_ =	sdelay $0x3  }
0x33: {  	p0 =	seq.s32 s10, $0x1;
	s10 =	sld [smem:$0x3FAE];
	_ =	sdelay $0x3  }
0x34: {  	[smem:$0x3FAE] =	sst s10  }
0x35: {  	s10 =	sld [smem:$0x3FAD];
	_ =	sdelay $0x3  }
0x36: {  	p1 =	seq.s32 s10, $0x1;
	s10 =	sld [smem:$0x3FAE];
	_ =	sdelay $0x3  }
0x37: {  	[smem:$0x3FAE] =	sst s10  }
0x38: {  	s10 =	sld [smem:$0x3FAF]  }
0x39: {  	_ = 	snop;
	(pc) =	sbr.ind lr, $3  }
0x3a: {  	_ = 	snop  }
0x3b: {  	_ = 	snop  }
0x3c: {  	p2 =	seq.s32 s10, $0x1;
	s10 =	sld [smem:$0x3FAE]  }
0x3d: {  	_ =	shalt  }
0x3e: {  	_ =	shalt  }
0x3f: {  	_ =	shalt  }
0x40: {  	_ =	shalt  }
0x41: {  	_ =	shalt  }
0x42: {  	_ =	shalt  }
0x43: {  	_ =	shalt  }
0x44: {  	_ =	shalt  }
0x45: {  	_ =	shalt  }
0x46: {  	_ =	shalt  }
0x47: {  	_ =	shalt  }
0x48: {  	_ =	shalt  }
0x49: {  	_ =	shalt  }
0x4a: {  	_ =	shalt  }
0x4b: {  	_ =	shalt  }
0x4c: {  	_ =	shalt  }
0x4d: {  	_ =	shalt  }
0x4e: {  	_ =	shalt  }
0x4f: {  	_ =	shalt  }
0x50: {  	_ =	shalt  }
0x51: {  	_ =	shalt  }
0x52: {  	_ =	shalt  }
0x53: {  	_ =	shalt  }
0x54: {  	_ =	shalt  }
0x55: {  	_ =	shalt  }
0x56: {  	_ =	shalt  }
0x57: {  	_ =	shalt  }
0x58: {  	_ =	shalt  }
0x59: {  	_ =	shalt  }
0x5a: {  	_ =	shalt  }
0x5b: {  	_ =	shalt  }
0x5c: {  	_ =	shalt  }
0x5d: {  	_ =	shalt  }
0x5e: {  	_ =	shalt  }
0x5f: {  	_ =	shalt  }
0x60: {  	_ =	shalt  }
0x61: {  	_ =	shalt  }
0x62: {  	_ =	shalt  }
0x63: {  	_ =	shalt  }
0x64: {  	_ =	shalt  }
0x65: {  	_ =	shalt  }
0x66: {  	_ =	shalt  }
0x67: {  	_ =	shalt  }
0x68: {  	_ =	shalt  }
0x69: {  	_ =	shalt  }
0x6a: {  	_ =	shalt  }
0x6b: {  	_ =	shalt  }
0x6c: {  	_ =	shalt  }
0x6d: {  	_ =	shalt  }
0x6e: {  	_ =	shalt  }
0x6f: {  	_ =	shalt  }
0x70: {  	_ =	shalt  }
0x71: {  	_ =	shalt  }
0x72: {  	_ =	shalt  }
0x73: {  	_ =	shalt  }
0x74: {  	_ =	shalt  }
0x75: {  	_ =	shalt  }
0x76: {  	_ =	shalt  }
0x77: {  	_ =	shalt  }
0x78: {  	_ =	shalt  }
0x79: {  	_ =	shalt  }
0x7a: {  	_ =	shalt  }
0x7b: {  	_ =	shalt  }
0x7c: {  	_ =	shalt  }
0x7d: {  	_ =	shalt  }
0x7e: {  	_ =	shalt  }
0x7f: {  	_ =	shalt  }
0x80: {  	_ =	shalt  }
0x81: {  	_ =	shalt  }
0x82: {  	_ =	shalt  }
0x83: {  	_ =	shalt  }
0x84: {  	_ =	shalt  }
0x85: {  	_ =	shalt  }
0x86: {  	_ =	shalt  }
0x87: {  	_ =	shalt  }
.Lfunc_end0:
.L_simem_size_0:
called_computation.2_lowered:
.L_overlay_start_0:
0x88: {  	s2 =	sld [smem:$0x3FD9]  }
0x89: {  	s3 =	sld [smem:$0x3FFE];
	_ =	sdelay $0x1  }
0x8a: {  	s1 =	srdreg.scid  }
0x8b: {  	s0 =	sand.u32 $0x1, s1  }
0x8c: {  	s14 =	sshll.u32 s0, $0xA;
	s2 =	sadd.s32 s3, s2  }
0x8d: {  	s2 =	sadd.s32 s2, s14  }
0x8e: {  	[smem:$0x3FBA] =	sst s2  }
0x8f: {  	_ = 	snop  }
0x90: {  	s2 =	sld [smem:$0x3FD0];
	_ =	sdelay $0x2  }
0x91: {  	s15 =	simm.s32 $0xA;
	s4 =	simm.s32 $0x10  }
0x92: {  	[smem:s4], [sflag:s15] =	dma.local [hbm:s2], $0x1  }
0x93: {  	_ =	swait.eq [sflag:s15], $0x1  }
0x94: {  	[sflag:s15] =	ssyncset.done $0x0  }
0x95: {  	[sflag:s15] =	ssyncadd.s32 $0xFFFFFFFF  }
0x96: {  	s16 =	sld [smem:$0x10];
	(tm) =	ssettm $0x1  }
0x97: {  	s17 =	sld [smem:$0x3FFB];
	_ =	sdelay $0x3  }
0x98: {  	_ =	strace s17  }
0x99: {  	s3 =	sld [smem:$0x3FFC];
	_ =	sdelay $0x3  }
0x9a: {  	_ =	strace s3  }
0x9b: {  	s3 =	sld [smem:$0x3FFD];
	_ =	sdelay $0x3  }
0x9c: {  	_ =	strace s3  }
0x9d: {  	_ =	strace $0x8FFFFFFF  }
0x9e: {  	s18 =	sld [smem:$0x3FDB];
	_ =	sdelay $0x1  }
0x9f: {  	s19 =	simm.s32 $_scs_section_size  }
0xa0: {  	s5 =	simm.s32 $_size__tile_overlayer_lowered;
	s6 =	simm.s32 $_tile_overlayer_lowered  }
0xa1: {  	s22 =	simm.s32 $0x1BFF;
	s21 =	sshll.u32 s6, $0x1;
	s3 =	sadd.s32 s19, s18  }
0xa2: {  	s7 =	simm.s32 $0x0;
	s20 =	sshll.u32 s5, $0x1;
	s5 =	sadd.s32 s21, s3  }
0xa3: {  	[timem:s7], [sflag:s22] =	dma.local [hbm:s5], s20  }
0xa4: {  	_ =	swait.ge [sflag:s22], s20  }
0xa5: {  	s4 =	ssub.s32 $0x0, s20;
	[sflag:s22] =	ssyncset.done $0x0  }
0xa6: {  	[sflag:s22] =	ssyncadd.s32 s4;
	_ =	sdelay $0x1  }
0xa7: {  	s23 =	simm.s32 $0x1B8B  }
0xa8: {  	_ =	swait.ge [sflag:s23], $0x1  }
0xa9: {  	[sflag:s23] =	ssyncset.done $0x0  }
0xaa: {  	s25 =	simm.s32 $0x1B8E;
	s24 =	sld [smem:$0x3FFE];
	[sflag:s23] =	ssyncadd.s32 $0xFFFFFFFF  }
0xab: {  	s26 =	simm.s32 $execute0_lowered;
	[smem:$0x3FD2] =	sst s25  }
0xac: {  	s5 =	sshll.u32 s26, $0x1;
	_ =	strace $0x8000004C;
	[dreg:$0x1] =	wrdreg $0xFFFFFFFF  }
0xad: {  	s28 =	simm.s32 $_size_execute0_lowered;
	s3 =	sadd.s32 s3, s5;
	[dreg:$0x0] =	wrdreg $0x0  }
0xae: {  	s5 =	sshll.u32 s28, $0x1;
	[dreg:$0x2] =	wrdreg s3  }
0xaf: {  	[dreg:$0x3] =	wrdreg s5  }
0xb0: {  	[dreg:$0x4] =	wrdreg $0xC0  }
0xb1: {  	_ =	task [dreg:s7], $0x5FFFF  }
0xb2: {  	[dreg:$0x1] =	wrdreg $0xFFFFFFFF  }
0xb3: {  	[dreg:$0x0] =	wrdreg $0x60  }
0xb4: {  	[dreg:$0x2] =	wrdreg s16  }
0xb5: {  	[dreg:$0x3] =	wrdreg s24  }
0xb6: {  	[dreg:$0x4] =	wrdreg $0x9  }
0xb7: {  	_ =	task.clear_ibuf [dreg:s7], $0x5FFFF;
	_ =	strace $0x9000004C  }
0xb8: {  	s29 =	simm.s32 $0x9;
	_ =	strace $0x8000004E  }
0xb9: {  	_ =	swait.ge [sflag:s29], $0x1  }
0xba: {  	[sflag:s29] =	ssyncadd.s32 $0xFFFFFFFF  }
0xbb: {  	_ =	strace $0x9000004E  }
0xbc: {  	_ =	sfence  }
0xbd: {  	s30 =	sld [smem:$0x0];
	_ =	sdelay $0x2  }
0xbe: {  	s31 =	sshll.u32 s1, $0xD;
	s1 =	sshrl.u32 s1, $0x2  }
0xbf: {  	s3 =	sand.u32 $0x4000, s31;
	s1 =	sadd.s32 s1, s30  }
0xc0: {  	s0 =	sor.u32 s3, s0;
	s1 =	sshll.u32 s1, $0x11  }
0xc1: {  	s0 =	sor.u32 s1, s0  }
0xc2: {  	s0 =	sadd.s32 $0x8F2B, s0  }
0xc3: {  	[sflag:s0] =	ssyncadd.remote.s32 $0x1  }
0xc4: {  	_ =	sfence.sel $0xFFFF  }
0xc5: {  	[dreg:$0x0] =	wrdreg $0xFFFFFFFF;
	(pc) =	sbr.abs _section_cstart, $3  }
0xc6: {  	[dreg:$0x1] =	wrdreg $0xFFFFFFFF  }
0xc7: {  	_ =	task.clear_ibuf [dreg:s7], $0x2FFFF;
	_ =	strace $0x9FFFFFFF  }
0xc8: {  	(tm) =	ssettm $0x7FFFFFFF  }
0xc9: {  	_ =	shalt  }
tec
execute0_lowered:
.L_overlay_start_1:
0x0: {  	(tag) =	ssettag $0x1  }
0x1: {  	s2 =	rddreg [dreg:$0x0]  }
0x2: {  	s4 =	rddreg [dreg:$0x1]  }
0x3: {  	s0 =	rddreg [dreg:$0x2];
	s1 =	stileid.u32  }
0x4: {  	s5 =	srdreg.scid;
	s3 =	simm.s32 $0x0;
	s6 =	smul.u32 $0x4E20, s1  }
0x5: {  	s10 =	simm.s32 $0x0;
	s5 =	sand.u32 $0x1, s5;
	s8 =	smul.u32 $0x9C40, s1  }
0x6: {  	[smem:$0x7FF] =	sst s3;
	s7 =	smul.u32 $0x2710, s5;
	s9 =	ssub.s32 $0x2, s5  }
0x7: {  	_ =	strace $0x8000004D;
	s5 =	smul.u32 $0x4E20, s5;
	s31 =	sshrl.u32 s9, $0x1  }
0x8: {  	s8 =	sadd.s32 s8, s4;
	s6 =	sadd.s32 s7, s6;
	s7 =	ssub.s32 s9, s31  }
0x9: {  	s5 =	sadd.s32 s5, s8;
	s8 =	simm.s32 $0x50;
	s6 =	sshrl.u32 s6, $0x3  }
0xa: {  	s9 =	simm.s32 $0x1;
	s5 =	sadd.s32 $0x9DD800, s5;
	s6 =	sadd.s32 s6, s4  }
0xb: {  	s4 =	smax.u32 s7, $0x1;
	s7 =	simm.s32 $0x2;
	s6 =	sadd.s32 $0xDA00, s6  }
.LBB2_1:
0xc: {  	s11 =	sadd.s32 $0x0, s6  }
0xd: {  	[tilespmem:s3], [sflag:$0x2] =	stream.linear.gather [hbm4b:s11+s3], $0x50, $0x38;
	[tilespmem:$0x550] =	vst v63  }
0xe: {  	_ =	swait.ge [sflag:s7], $0x50  }
0xf: {  	[sflag:s7] =	ssyncset.done $0x0  }
0x10: {  	[sflag:s7] =	ssyncadd.s32 $0xFFFFFFB0  }
0x11: {  	[tilespmem:s8], [sflag:$0x1] =	stream.indirect.gather [hbm4b:s2+s8], $0x10, s3, s8, $0xb8;
	[tilespmem:$0x550] =	vst v63  }
0x12: {  	_ =	swait.ge [sflag:s9], $0x500  }
0x13: {  	[sflag:s9] =	ssyncset.done $0x0  }
0x14: {  	[sflag:s9] =	ssyncadd.s32 $0xFFFFFB00  }
0x15: {  	[hbm4b:s5+s3] =	stream.linear.scatter [tilespmem:s8], [sflag:$0x2], $0x500, $0x38;
	[tilespmem:$0x550] =	vst v63  }
0x16: {  	s12 =	simm.s32 $0xA;
	_ =	swait.ge [sflag:s7], $0x500  }
0x17: {  	s13 =	simm.s32 $0x14;
	s11 =	sadd.s32 $0xA0, s5;
	[sflag:s7] =	ssyncset.done $0x0  }
.LBB2_2:
0x18: {  	s14 =	sadd.s32 s12, s6  }
0x19: {  	[sflag:s7] =	ssyncadd.s32 $0xFFFFFB00;
	s12 =	smov.u32 s13;
	s15 =	sadd.s32 $0xA, s13  }
0x1a: {  	[tilespmem:s3], [sflag:$0x2] =	stream.linear.gather [hbm4b:s14+s3], $0x50, $0x38;
	[tilespmem:$0x550] =	vst v63  }
0x1b: {  	p0 =	sne.s32 s13, $0x4D8;
	_ =	swait.ge [sflag:s7], $0x50  }
0x1c: {  	[sflag:s7] =	ssyncset.done $0x0  }
0x1d: {  	[sflag:s7] =	ssyncadd.s32 $0xFFFFFFB0  }
0x1e: {  	[tilespmem:s8], [sflag:$0x1] =	stream.indirect.gather [hbm4b:s2+s8], $0x10, s3, s8, $0xb8;
	[tilespmem:$0x550] =	vst v63  }
0x1f: {  	_ =	swait.ge [sflag:s9], $0x500  }
.Ltmp0:
0x20: {  	[sflag:s9] =	ssyncset.done $0x0;
	(pc) =	sbr.rel @p0 .LBB2_2-.Ltmp0, $4  }
0x21: {  	[sflag:s9] =	ssyncadd.s32 $0xFFFFFB00  }
0x22: {  	[hbm4b:s11+s3] =	stream.linear.scatter [tilespmem:s8], [sflag:$0x2], $0x500, $0x38;
	[tilespmem:$0x550] =	vst v63  }
0x23: {  	_ =	swait.ge [sflag:s7], $0x500  }
0x24: {  	s13 =	smov.u32 s15;
	s11 =	sadd.s32 $0xA0, s11;
	[sflag:s7] =	ssyncset.done $0x0  }
0x25: {  	s12 =	sadd.s32 s12, s6;
	[sflag:s7] =	ssyncadd.s32 $0xFFFFFB00  }
0x26: {  	[tilespmem:s3], [sflag:$0x2] =	stream.linear.gather [hbm4b:s12+s3], $0x50, $0x38;
	[tilespmem:$0x550] =	vst v63  }
0x27: {  	_ =	swait.ge [sflag:s7], $0x50  }
0x28: {  	[sflag:s7] =	ssyncset.done $0x0  }
0x29: {  	[sflag:s7] =	ssyncadd.s32 $0xFFFFFFB0  }
0x2a: {  	[tilespmem:s8], [sflag:$0x1] =	stream.indirect.gather [hbm4b:s2+s8], $0x10, s3, s8, $0xb8;
	[tilespmem:$0x550] =	vst v63  }
0x2b: {  	s10 =	sadd.s32 $0x1, s10;
	_ =	swait.ge [sflag:s9], $0x500  }
0x2c: {  	p0 =	sne.s32 s10, s4;
	[sflag:s9] =	ssyncset.done $0x0  }
.Ltmp1:
0x2d: {  	[sflag:s9] =	ssyncadd.s32 $0xFFFFFB00;
	(pc) =	sbr.rel @p0 .LBB2_1-.Ltmp1, $4  }
0x2e: {  	[hbm4b:s11+s3] =	stream.linear.scatter [tilespmem:s8], [sflag:$0x2], $0x500, $0x38;
	[tilespmem:$0x550] =	vst v63  }
0x2f: {  	_ =	swait.ge [sflag:s7], $0x500  }
0x30: {  	[sflag:s7] =	ssyncset.done $0x0  }
0x31: {  	[sflag:s7] =	ssyncadd.s32 $0xFFFFFB00  }
0x32: {  	_ =	sfence.sel $0x180000  }
0x33: {  	[bflag:$0x0] =	sbarrier.arrive $0xFFFF  }
0x34: {  	p0 =	sne.s32 s1, $0x0;
	_ =	strace $0x9000004D  }
0x35: {  	s0 =	sadd.s32 @!p0 $0x100000, s0;
	[bflag:$0x2] =	sbarrier.arrive $0xFFFF  }
0x36: {  	[sflag:s0] =	ssyncadd.tile.s32 @!p0 $0x1;
	_ =	shalt  }
.Lfunc_end2:
_tile_overlayer_lowered:
.L_overlay_start_2:
0x37: {  	(tag) =	ssettag $0x2  }
0x38: {  	s0 =	rddreg [dreg:$0x0];
	s2 =	stileid.u32  }
0x39: {  	s1 =	rddreg [dreg:$0x1];
	p0 =	sne.s32 s2, $0x0  }
0x3a: {  	s3 =	rddreg [dreg:$0x2];
	[bflag:$0x3] =	sbarrier.arrive $0xFFFF;
	s2 =	simm.s32 @!p0 $0x1C02  }
0x3b: {  	[timem:s3], [sflag:s2] =	dma.local @!p0 [hbm:s0], s1  }
0x3c: {  	s0 =	simm.s32 @!p0 $0x2  }
0x3d: {  	_ =	swait.ge @!p0 [sflag:s0], s1  }
0x3e: {  	s1 =	ssub.s32 @!p0 $0x0, s1;
	[sflag:s0] =	ssyncset.done @!p0 $0x0  }
0x3f: {  	[sflag:s0] =	ssyncadd.s32 @!p0 s1  }
0x40: {  	[bflag:$0x3] =	sbarrier.arrive $0xFFFF  }
0x41: {  	_ =	shalt  }

// kernel: kernel.23.cloned.1.call-start
scs
__scs_entry_jumppad:
0x0: {  	(pc) =	sbr.rel $0x88, $3  }
0x1: {  	(tag) =	ssettag $0x0;
	lr =	simm.s32 $0x1  }
0x2: {  	[smem:$0x3F93] =	sst lr;
	_ =	strace $0xD0000000  }
0x3: {  	_ = 	snop  }
0x4: {  	_ = 	snop  }
0x5: {  	_ = 	snop  }
0x6: {  	_ = 	snop  }
0x7: {  	_ = 	snop  }
__scs_overlays_trampoline_lowered:
0x8: {  	[smem:$0x3FA2] =	sst s0  }
0x9: {  	[smem:$0x3FA3] =	sst s1  }
0xa: {  	[smem:$0x3FA4] =	sst s2  }
0xb: {  	[smem:$0x3FA5] =	sst s3  }
0xc: {  	[smem:$0x3FA6] =	sst s4  }
0xd: {  	[smem:$0x3FA7] =	sst s5  }
0xe: {  	[smem:$0x3FA8] =	sst s6  }
0xf: {  	[smem:$0x3FA9] =	sst s7  }
0x10: {  	[smem:$0x3FAA] =	sst s8  }
0x11: {  	[smem:$0x3FAB] =	sst s9;
	s0 =	simm.s32 @!p0 $0x0  }
0x12: {  	s1 =	sld [smem:$0x3F91];
	s0 =	simm.s32 @p0 $0x1  }
0x13: {  	[smem:$0x3FAC] =	sst s0;
	s0 =	simm.s32 @!p1 $0x0  }
0x14: {  	s2 =	sld [smem:$0x3F90];
	s0 =	simm.s32 @p1 $0x1  }
0x15: {  	[smem:$0x3FAD] =	sst s0;
	s0 =	simm.s32 @!p2 $0x0  }
0x16: {  	s3 =	sld [smem:$0x3FDB];
	s0 =	simm.s32 @p2 $0x1  }
0x17: {  	s4 =	simm.s32 $0x1BF5;
	[smem:$0x3FAF] =	sst s0  }
0x18: {  	s0 =	sld [smem:$0x3F92];
	_ =	swait.ge [sflag:s4], $0x0  }
0x19: {  	s7 =	sld [smem:$0x3F93]  }
0x1a: {  	s8 =	sadd.s32 $0xFFFFE003, lr  }
0x1b: {  	s9 =	sadd.s32 $0xFFFFFEF7, lr;
	s5 =	simm.s32 $0xFFFFFFFF;
	p2 =	slt.u32 s8, $0xFFFFF086  }
0x1c: {  	p1 =	slt.u32 s9, $0xF7A;
	s5 =	simm.s32 @!p2 $0x0  }
0x1d: {  	s5 =	simm.s32 @p1 $0x1;
	p0 =	seq.s32 s7, s2  }
0x1e: {  	s7 =	smul.u32 @!p0 $0xF7A, s2;
	p2 =	seq.s32 @!p0 s5, $0x0  }
0x1f: {  	s9 =	smul.u32 $0xF7A, s1;
	s8 =	simm.s32 @!p0 $0x1BF5;
	p2 =	por !p2, p0  }
0x20: {  	[sflag:s8] =	ssyncset.s32 @!p0 $0xFFFFF086;
	s6 =	sadd.s32 @!p0 s3, s7;
	s7 =	simm.s32 @!p0 $0x108  }
0x21: {  	s3 =	sadd.s32 s3, s9;
	s6 =	sadd.s32 @!p0 $0x88, s6;
	s7 =	simm.s32 @p2 $0x1082  }
0x22: {  	[simem:s7], [sflag:s8] =	dma.local @!p0 [hbm:s6], $0xF7A  }
0x23: {  	s9 =	sor.u32 $0xD0000000, s2;
	s6 =	simm.s32 $0x108;
	_ =	swait.ge @!p0 [sflag:s8], $0x0  }
0x24: {  	s3 =	sadd.s32 $0x88, s3;
	s6 =	simm.s32 @!p1 $0x1082;
	[sflag:s4] =	ssyncset.s32 $0xFFFFF086  }
0x25: {  	[simem:s6], [sflag:s4] =	dma.local [hbm:s3], $0xF7A  }
0x26: {  	[smem:$0x3F93] =	sst s1;
	(tag) =	ssettag s2;
	_ =	strace s9  }
0x27: {  	s1 =	sld [smem:$0x3FA3]  }
0x28: {  	s2 =	sld [smem:$0x3FA4]  }
0x29: {  	s4 =	sld [smem:$0x3FA6]  }
0x2a: {  	p0 =	seq.s32 s5, $0x0;
	s5 =	sld [smem:$0x3FA7]  }
0x2b: {  	s6 =	sld [smem:$0x3FA8]  }
0x2c: {  	s7 =	sld [smem:$0x3FA9]  }
0x2d: {  	s3 =	simm.s32 $0x108;
	s8 =	sld [smem:$0x3FAA]  }
0x2e: {  	s3 =	simm.s32 @!p0 $0x1082;
	s9 =	sld [smem:$0x3FAB]  }
0x2f: {  	lr =	sadd.s32 s0, s3;
	s0 =	sld [smem:$0x3FA2]  }
0x30: {  	s3 =	sld [smem:$0x3FA5]  }
0x31: {  	[smem:$0x3FAE] =	sst s10  }
0x32: {  	s10 =	sld [smem:$0x3FAC];
	_ =	sdelay $0x3  }
0x33: {  	p0 =	seq.s32 s10, $0x1;
	s10 =	sld [smem:$0x3FAE];
	_ =	sdelay $0x3  }
0x34: {  	[smem:$0x3FAE] =	sst s10  }
0x35: {  	s10 =	sld [smem:$0x3FAD];
	_ =	sdelay $0x3  }
0x36: {  	p1 =	seq.s32 s10, $0x1;
	s10 =	sld [smem:$0x3FAE];
	_ =	sdelay $0x3  }
0x37: {  	[smem:$0x3FAE] =	sst s10  }
0x38: {  	s10 =	sld [smem:$0x3FAF]  }
0x39: {  	_ = 	snop;
	(pc) =	sbr.ind lr, $3  }
0x3a: {  	_ = 	snop  }
0x3b: {  	_ = 	snop  }
0x3c: {  	p2 =	seq.s32 s10, $0x1;
	s10 =	sld [smem:$0x3FAE]  }
0x3d: {  	_ =	shalt  }
0x3e: {  	_ =	shalt  }
0x3f: {  	_ =	shalt  }
0x40: {  	_ =	shalt  }
0x41: {  	_ =	shalt  }
0x42: {  	_ =	shalt  }
0x43: {  	_ =	shalt  }
0x44: {  	_ =	shalt  }
0x45: {  	_ =	shalt  }
0x46: {  	_ =	shalt  }
0x47: {  	_ =	shalt  }
0x48: {  	_ =	shalt  }
0x49: {  	_ =	shalt  }
0x4a: {  	_ =	shalt  }
0x4b: {  	_ =	shalt  }
0x4c: {  	_ =	shalt  }
0x4d: {  	_ =	shalt  }
0x4e: {  	_ =	shalt  }
0x4f: {  	_ =	shalt  }
0x50: {  	_ =	shalt  }
0x51: {  	_ =	shalt  }
0x52: {  	_ =	shalt  }
0x53: {  	_ =	shalt  }
0x54: {  	_ =	shalt  }
0x55: {  	_ =	shalt  }
0x56: {  	_ =	shalt  }
0x57: {  	_ =	shalt  }
0x58: {  	_ =	shalt  }
0x59: {  	_ =	shalt  }
0x5a: {  	_ =	shalt  }
0x5b: {  	_ =	shalt  }
0x5c: {  	_ =	shalt  }
0x5d: {  	_ =	shalt  }
0x5e: {  	_ =	shalt  }
0x5f: {  	_ =	shalt  }
0x60: {  	_ =	shalt  }
0x61: {  	_ =	shalt  }
0x62: {  	_ =	shalt  }
0x63: {  	_ =	shalt  }
0x64: {  	_ =	shalt  }
0x65: {  	_ =	shalt  }
0x66: {  	_ =	shalt  }
0x67: {  	_ =	shalt  }
0x68: {  	_ =	shalt  }
0x69: {  	_ =	shalt  }
0x6a: {  	_ =	shalt  }
0x6b: {  	_ =	shalt  }
0x6c: {  	_ =	shalt  }
0x6d: {  	_ =	shalt  }
0x6e: {  	_ =	shalt  }
0x6f: {  	_ =	shalt  }
0x70: {  	_ =	shalt  }
0x71: {  	_ =	shalt  }
0x72: {  	_ =	shalt  }
0x73: {  	_ =	shalt  }
0x74: {  	_ =	shalt  }
0x75: {  	_ =	shalt  }
0x76: {  	_ =	shalt  }
0x77: {  	_ =	shalt  }
0x78: {  	_ =	shalt  }
0x79: {  	_ =	shalt  }
0x7a: {  	_ =	shalt  }
0x7b: {  	_ =	shalt  }
0x7c: {  	_ =	shalt  }
0x7d: {  	_ =	shalt  }
0x7e: {  	_ =	shalt  }
0x7f: {  	_ =	shalt  }
0x80: {  	_ =	shalt  }
0x81: {  	_ =	shalt  }
0x82: {  	_ =	shalt  }
0x83: {  	_ =	shalt  }
0x84: {  	_ =	shalt  }
0x85: {  	_ =	shalt  }
0x86: {  	_ =	shalt  }
0x87: {  	_ =	shalt  }
.Lfunc_end0:
.L_simem_size_0:
called_computation.3_lowered:
.L_overlay_start_0:
0x88: {  	s2 =	sld [smem:$0x3FD9]  }
0x89: {  	s3 =	sld [smem:$0x3FFE];
	_ =	sdelay $0x1  }
0x8a: {  	s1 =	srdreg.scid  }
0x8b: {  	s0 =	sand.u32 $0x1, s1  }
0x8c: {  	s14 =	sshll.u32 s0, $0xA;
	s2 =	sadd.s32 s3, s2  }
0x8d: {  	s2 =	sadd.s32 s2, s14  }
0x8e: {  	[smem:$0x3FBA] =	sst s2  }
0x8f: {  	_ = 	snop  }
0x90: {  	s2 =	sld [smem:$0x3FD0];
	_ =	sdelay $0x2  }
0x91: {  	s15 =	simm.s32 $0xA;
	s4 =	simm.s32 $0x10  }
0x92: {  	[smem:s4], [sflag:s15] =	dma.local [hbm:s2], $0x1  }
0x93: {  	_ =	swait.eq [sflag:s15], $0x1  }
0x94: {  	[sflag:s15] =	ssyncset.done $0x0  }
0x95: {  	s16 =	sld [smem:$0x10];
	[sflag:s15] =	ssyncadd.s32 $0xFFFFFFFF  }
0x96: {  	s17 =	sld [smem:$0x11];
	(tm) =	ssettm $0x1  }
0x97: {  	s18 =	sld [smem:$0x3FFB];
	_ =	sdelay $0x3  }
0x98: {  	_ =	strace s18  }
0x99: {  	s4 =	sld [smem:$0x3FFC];
	_ =	sdelay $0x3  }
0x9a: {  	_ =	strace s4  }
0x9b: {  	s4 =	sld [smem:$0x3FFD];
	_ =	sdelay $0x3  }
0x9c: {  	_ =	strace s4  }
0x9d: {  	_ =	strace $0x8FFFFFFF  }
0x9e: {  	s19 =	sld [smem:$0x3FDB];
	_ =	sdelay $0x1  }
0x9f: {  	s5 =	simm.s32 $_scs_section_size  }
0xa0: {  	s6 =	simm.s32 $_size__tile_overlayer_lowered;
	s7 =	simm.s32 $_tile_overlayer_lowered  }
0xa1: {  	s22 =	simm.s32 $0x1BFF;
	s21 =	sshll.u32 s7, $0x1;
	s4 =	sadd.s32 s5, s19  }
0xa2: {  	s8 =	simm.s32 $0x0;
	s20 =	sshll.u32 s6, $0x1;
	s6 =	sadd.s32 s21, s4  }
0xa3: {  	[timem:s8], [sflag:s22] =	dma.local [hbm:s6], s20  }
0xa4: {  	_ =	swait.ge [sflag:s22], s20  }
0xa5: {  	s5 =	ssub.s32 $0x0, s20;
	[sflag:s22] =	ssyncset.done $0x0  }
0xa6: {  	[sflag:s22] =	ssyncadd.s32 s5;
	_ =	sdelay $0x1  }
0xa7: {  	s23 =	simm.s32 $0x1B8B  }
0xa8: {  	_ =	swait.ge [sflag:s23], $0x1  }
0xa9: {  	[sflag:s23] =	ssyncset.done $0x0  }
0xaa: {  	s25 =	simm.s32 $0x1B8E;
	s24 =	sld [smem:$0x3FFE];
	[sflag:s23] =	ssyncadd.s32 $0xFFFFFFFF  }
0xab: {  	s26 =	simm.s32 $execute0_lowered;
	[smem:$0x3FD2] =	sst s25  }
0xac: {  	s6 =	sshll.u32 s26, $0x1;
	_ =	strace $0x8000004F;
	[dreg:$0x1] =	wrdreg $0xFFFFFFFF  }
0xad: {  	s28 =	simm.s32 $_size_execute0_lowered;
	s4 =	sadd.s32 s4, s6;
	[dreg:$0x0] =	wrdreg $0x0  }
0xae: {  	s6 =	sshll.u32 s28, $0x1;
	[dreg:$0x2] =	wrdreg s4  }
0xaf: {  	[dreg:$0x3] =	wrdreg s6  }
0xb0: {  	[dreg:$0x4] =	wrdreg $0xC0  }
0xb1: {  	_ =	task [dreg:s8], $0x5FFFF  }
0xb2: {  	[dreg:$0x1] =	wrdreg $0xFFFFFFFF  }
0xb3: {  	[dreg:$0x0] =	wrdreg $0x60  }
0xb4: {  	[dreg:$0x2] =	wrdreg s24  }
0xb5: {  	[dreg:$0x3] =	wrdreg s16  }
0xb6: {  	[dreg:$0x4] =	wrdreg s17  }
0xb7: {  	[dreg:$0x5] =	wrdreg $0x28500  }
0xb8: {  	[dreg:$0x6] =	wrdreg $0x9  }
0xb9: {  	_ =	task.clear_ibuf [dreg:s8], $0x7FFFF;
	_ =	strace $0x9000004F  }
0xba: {  	s29 =	simm.s32 $0x9;
	_ =	strace $0x80000051  }
0xbb: {  	_ =	swait.ge [sflag:s29], $0x1  }
0xbc: {  	[sflag:s29] =	ssyncadd.s32 $0xFFFFFFFF  }
0xbd: {  	_ =	strace $0x90000051  }
0xbe: {  	_ =	sfence  }
0xbf: {  	s30 =	sld [smem:$0x0];
	_ =	sdelay $0x2  }
0xc0: {  	s31 =	sshll.u32 s1, $0xD;
	s1 =	sshrl.u32 s1, $0x2  }
0xc1: {  	s3 =	sand.u32 $0x4000, s31;
	s1 =	sadd.s32 s1, s30  }
0xc2: {  	s0 =	sor.u32 s3, s0;
	s1 =	sshll.u32 s1, $0x11  }
0xc3: {  	s0 =	sor.u32 s1, s0  }
0xc4: {  	s0 =	sadd.s32 $0x8F2B, s0  }
0xc5: {  	[sflag:s0] =	ssyncadd.remote.s32 $0x1  }
0xc6: {  	_ =	sfence.sel $0xFFFF  }
0xc7: {  	[dreg:$0x0] =	wrdreg $0xFFFFFFFF;
	(pc) =	sbr.abs _section_cstart, $3  }
0xc8: {  	[dreg:$0x1] =	wrdreg $0xFFFFFFFF  }
0xc9: {  	_ =	task.clear_ibuf [dreg:s8], $0x2FFFF;
	_ =	strace $0x9FFFFFFF  }
0xca: {  	(tm) =	ssettm $0x7FFFFFFF  }
0xcb: {  	_ =	shalt  }
tec
execute0_lowered:
.L_overlay_start_1:
0x0: {  	(tag) =	ssettag $0x1  }
0x1: {  	s4 =	rddreg [dreg:$0x0]  }
0x2: {  	s1 =	rddreg [dreg:$0x1]  }
0x3: {  	s5 =	rddreg [dreg:$0x2]  }
0x4: {  	s2 =	rddreg [dreg:$0x3]  }
0x5: {  	s0 =	rddreg [dreg:$0x4];
	s6 =	stileid.u32  }
0x6: {  	s7 =	srdreg.scid;
	s8 =	smul.u32 $0x4E20, s6  }
0x7: {  	s3 =	simm.s32 $0x0;
	s7 =	sand.u32 $0x1, s7;
	s10 =	smul.u32 $0x4E200, s6  }
0x8: {  	[smem:$0x7FF] =	sst s3;
	p0 =	sne.s32 s6, $0x0;
	s9 =	smul.u32 $0x2710, s7  }
0x9: {  	_ =	strace $0x80000050;
	s31 =	ssub.s32 $0x2, s7;
	s7 =	smul.u32 $0x27100, s7  }
0xa: {  	s10 =	sadd.s32 s10, s4;
	s11 =	sshrl.u32 s31, $0x1;
	s8 =	sadd.s32 s9, s8  }
0xb: {  	s9 =	ssub.s32 s31, s11;
	s11 =	simm.s32 $0x0;
	s8 =	sshrl.u32 s8, $0x3  }
0xc: {  	s8 =	sadd.s32 s8, s4;
	s4 =	sadd.s32 s5, s7;
	s5 =	smax.u32 s9, $0x1  }
0xd: {  	s7 =	sadd.s32 s7, s10;
	s9 =	simm.s32 $0x1;
	s10 =	simm.s32 $0x50  }
0xe: {  	s6 =	sadd.s32 $0x9DB800, s7;
	s7 =	sadd.s32 $0xDA00, s8;
	s8 =	sshrl.u32 @!p0 s2, $0x3  }
.LBB2_1:
0xf: {  	s12 =	simm.s32 @!p0 $0x1C01  }
0x10: {  	[spmem:s8], [sflag:s12] =	dma.local @!p0 [hbm:s1], $0x27100  }
0x11: {  	s12 =	simm.s32 @!p0 $0x1  }
0x12: {  	_ =	swait.ge @!p0 [sflag:s12], $0x27100  }
0x13: {  	[sflag:s12] =	ssyncset.done @!p0 $0x0  }
0x14: {  	[sflag:s12] =	ssyncadd.s32 @!p0 $0xFFFD8F00  }
0x15: {  	s31 =	sadd.s32 $0x0, s7;
	[bflag:$0x0] =	sbarrier.arrive $0xFFFF  }
0x16: {  	[tilespmem:s3], [sflag:$0x1] =	stream.linear.gather [hbm4b:s31+s3], $0x50, $0x38;
	[tilespmem:$0x160D0] =	vst v63  }
0x17: {  	_ =	swait.ge [sflag:s9], $0x50  }
0x18: {  	[sflag:s9] =	ssyncset.done $0x0  }
0x19: {  	[sflag:s9] =	ssyncadd.s32 $0xFFFFFFB0  }
0x1a: {  	[tilespmem:s10], [sflag:$0x1] =	stream.linear.gather [hbm4b:s6+s3], $0x2800, $0x38;
	[tilespmem:$0x160D0] =	vst v63  }
0x1b: {  	_ =	swait.ge [sflag:s9], $0x2800  }
0x1c: {  	[sflag:s9] =	ssyncset.done $0x0  }
0x1d: {  	[sflag:s9] =	ssyncadd.s32 $0xFFFFD800  }
0x1e: {  	[spmem:s2] =	stream.indirect.scatter.add.f32 [tilespmem:s10], [sflag:$0x1], $0x80, s3, s10, $0xb8;
	[tilespmem:$0x160D0] =	vst v63  }
0x1f: {  	s13 =	simm.s32 $0xA;
	_ =	swait.ge [sflag:s9], $0x2800  }
0x20: {  	s14 =	simm.s32 $0x14;
	s12 =	sadd.s32 $0x500, s6;
	[sflag:s9] =	ssyncset.done $0x0  }
.LBB2_2:
0x21: {  	s15 =	sadd.s32 s13, s7  }
0x22: {  	[sflag:s9] =	ssyncadd.s32 $0xFFFFD800;
	s13 =	smov.u32 s14;
	s16 =	sadd.s32 $0xA, s14  }
0x23: {  	[tilespmem:s3], [sflag:$0x1] =	stream.linear.gather [hbm4b:s15+s3], $0x50, $0x38;
	[tilespmem:$0x160D0] =	vst v63  }
0x24: {  	p1 =	sne.s32 s14, $0x4D8;
	_ =	swait.ge [sflag:s9], $0x50  }
0x25: {  	[sflag:s9] =	ssyncset.done $0x0  }
0x26: {  	[sflag:s9] =	ssyncadd.s32 $0xFFFFFFB0  }
0x27: {  	[tilespmem:s10], [sflag:$0x1] =	stream.linear.gather [hbm4b:s12+s3], $0x2800, $0x38;
	[tilespmem:$0x160D0] =	vst v63  }
0x28: {  	_ =	swait.ge [sflag:s9], $0x2800  }
.Ltmp0:
0x29: {  	[sflag:s9] =	ssyncset.done $0x0;
	(pc) =	sbr.rel @p1 .LBB2_2-.Ltmp0, $4  }
0x2a: {  	[sflag:s9] =	ssyncadd.s32 $0xFFFFD800  }
0x2b: {  	[spmem:s2] =	stream.indirect.scatter.add.f32 [tilespmem:s10], [sflag:$0x1], $0x80, s3, s10, $0xb8;
	[tilespmem:$0x160D0] =	vst v63  }
0x2c: {  	_ =	swait.ge [sflag:s9], $0x2800  }
0x2d: {  	s14 =	smov.u32 s16;
	s12 =	sadd.s32 $0x500, s12;
	[sflag:s9] =	ssyncset.done $0x0  }
0x2e: {  	s13 =	sadd.s32 s13, s7;
	[sflag:s9] =	ssyncadd.s32 $0xFFFFD800  }
0x2f: {  	[tilespmem:s3], [sflag:$0x1] =	stream.linear.gather [hbm4b:s13+s3], $0x50, $0x38;
	[tilespmem:$0x160D0] =	vst v63  }
0x30: {  	_ =	swait.ge [sflag:s9], $0x50  }
0x31: {  	[sflag:s9] =	ssyncset.done $0x0  }
0x32: {  	[sflag:s9] =	ssyncadd.s32 $0xFFFFFFB0  }
0x33: {  	[tilespmem:s10], [sflag:$0x1] =	stream.linear.gather [hbm4b:s12+s3], $0x2800, $0x38;
	[tilespmem:$0x160D0] =	vst v63  }
0x34: {  	_ =	swait.ge [sflag:s9], $0x2800  }
0x35: {  	[sflag:s9] =	ssyncset.done $0x0  }
0x36: {  	[sflag:s9] =	ssyncadd.s32 $0xFFFFD800  }
0x37: {  	[spmem:s2] =	stream.indirect.scatter.add.f32 [tilespmem:s10], [sflag:$0x1], $0x80, s3, s10, $0xb8;
	[tilespmem:$0x160D0] =	vst v63  }
0x38: {  	_ =	swait.ge [sflag:s9], $0x2800  }
0x39: {  	[sflag:s9] =	ssyncset.done $0x0  }
0x3a: {  	s11 =	sadd.s32 $0x1, s11;
	[sflag:s9] =	ssyncadd.s32 $0xFFFFD800  }
0x3b: {  	p1 =	sne.s32 s11, s5;
	s12 =	simm.s32 @!p0 $0x1C01;
	[bflag:$0x0] =	sbarrier.arrive $0xFFFF  }
0x3c: {  	[hbm:s4], [sflag:s12] =	dma.local @!p0 [spmem:s8], $0x27100  }
.Ltmp1:
0x3d: {  	_ = 	snop;
	(pc) =	sbr.rel @p1 .LBB2_1-.Ltmp1, $4  }
0x3e: {  	s12 =	simm.s32 @!p0 $0x1  }
0x3f: {  	_ =	swait.ge @!p0 [sflag:s12], $0x27100  }
0x40: {  	[sflag:s12] =	ssyncset.done @!p0 $0x0  }
0x41: {  	[sflag:s12] =	ssyncadd.s32 @!p0 $0xFFFD8F00  }
0x42: {  	_ =	sfence.sel $0x180000  }
0x43: {  	[bflag:$0x0] =	sbarrier.arrive $0xFFFF  }
0x44: {  	_ =	strace $0x90000050  }
0x45: {  	s0 =	sadd.s32 @!p0 $0x100000, s0;
	[bflag:$0x2] =	sbarrier.arrive $0xFFFF  }
0x46: {  	[sflag:s0] =	ssyncadd.tile.s32 @!p0 $0x1;
	_ =	shalt  }
.Lfunc_end2:
_tile_overlayer_lowered:
.L_overlay_start_2:
0x47: {  	(tag) =	ssettag $0x2  }
0x48: {  	s0 =	rddreg [dreg:$0x0];
	s2 =	stileid.u32  }
0x49: {  	s1 =	rddreg [dreg:$0x1];
	p0 =	sne.s32 s2, $0x0  }
0x4a: {  	s3 =	rddreg [dreg:$0x2];
	[bflag:$0x3] =	sbarrier.arrive $0xFFFF;
	s2 =	simm.s32 @!p0 $0x1C01  }
0x4b: {  	[timem:s3], [sflag:s2] =	dma.local @!p0 [hbm:s0], s1  }
0x4c: {  	s0 =	simm.s32 @!p0 $0x1  }
0x4d: {  	_ =	swait.ge @!p0 [sflag:s0], s1  }
0x4e: {  	s1 =	ssub.s32 @!p0 $0x0, s1;
	[sflag:s0] =	ssyncset.done @!p0 $0x0  }
0x4f: {  	[sflag:s0] =	ssyncadd.s32 @!p0 s1  }
0x50: {  	[bflag:$0x3] =	sbarrier.arrive $0xFFFF  }
0x51: {  	_ =	shalt  }

// kernel: kernel.26.cloned.1.call-start
scs
__scs_entry_jumppad:
0x0: {  	(pc) =	sbr.rel $0x88, $3  }
0x1: {  	(tag) =	ssettag $0x0;
	lr =	simm.s32 $0x1  }
0x2: {  	[smem:$0x3F93] =	sst lr;
	_ =	strace $0xD0000000  }
0x3: {  	_ = 	snop  }
0x4: {  	_ = 	snop  }
0x5: {  	_ = 	snop  }
0x6: {  	_ = 	snop  }
0x7: {  	_ = 	snop  }
__scs_overlays_trampoline_lowered:
0x8: {  	[smem:$0x3FA2] =	sst s0  }
0x9: {  	[smem:$0x3FA3] =	sst s1  }
0xa: {  	[smem:$0x3FA4] =	sst s2  }
0xb: {  	[smem:$0x3FA5] =	sst s3  }
0xc: {  	[smem:$0x3FA6] =	sst s4  }
0xd: {  	[smem:$0x3FA7] =	sst s5  }
0xe: {  	[smem:$0x3FA8] =	sst s6  }
0xf: {  	[smem:$0x3FA9] =	sst s7  }
0x10: {  	[smem:$0x3FAA] =	sst s8  }
0x11: {  	[smem:$0x3FAB] =	sst s9;
	s0 =	simm.s32 @!p0 $0x0  }
0x12: {  	s1 =	sld [smem:$0x3F91];
	s0 =	simm.s32 @p0 $0x1  }
0x13: {  	[smem:$0x3FAC] =	sst s0;
	s0 =	simm.s32 @!p1 $0x0  }
0x14: {  	s2 =	sld [smem:$0x3F90];
	s0 =	simm.s32 @p1 $0x1  }
0x15: {  	[smem:$0x3FAD] =	sst s0;
	s0 =	simm.s32 @!p2 $0x0  }
0x16: {  	s3 =	sld [smem:$0x3FDB];
	s0 =	simm.s32 @p2 $0x1  }
0x17: {  	s4 =	simm.s32 $0x1BF5;
	[smem:$0x3FAF] =	sst s0  }
0x18: {  	s0 =	sld [smem:$0x3F92];
	_ =	swait.ge [sflag:s4], $0x0  }
0x19: {  	s7 =	sld [smem:$0x3F93]  }
0x1a: {  	s8 =	sadd.s32 $0xFFFFE003, lr  }
0x1b: {  	s9 =	sadd.s32 $0xFFFFFEF7, lr;
	s5 =	simm.s32 $0xFFFFFFFF;
	p2 =	slt.u32 s8, $0xFFFFF086  }
0x1c: {  	p1 =	slt.u32 s9, $0xF7A;
	s5 =	simm.s32 @!p2 $0x0  }
0x1d: {  	s5 =	simm.s32 @p1 $0x1;
	p0 =	seq.s32 s7, s2  }
0x1e: {  	s7 =	smul.u32 @!p0 $0xF7A, s2;
	p2 =	seq.s32 @!p0 s5, $0x0  }
0x1f: {  	s9 =	smul.u32 $0xF7A, s1;
	s8 =	simm.s32 @!p0 $0x1BF5;
	p2 =	por !p2, p0  }
0x20: {  	[sflag:s8] =	ssyncset.s32 @!p0 $0xFFFFF086;
	s6 =	sadd.s32 @!p0 s3, s7;
	s7 =	simm.s32 @!p0 $0x108  }
0x21: {  	s3 =	sadd.s32 s3, s9;
	s6 =	sadd.s32 @!p0 $0x88, s6;
	s7 =	simm.s32 @p2 $0x1082  }
0x22: {  	[simem:s7], [sflag:s8] =	dma.local @!p0 [hbm:s6], $0xF7A  }
0x23: {  	s9 =	sor.u32 $0xD0000000, s2;
	s6 =	simm.s32 $0x108;
	_ =	swait.ge @!p0 [sflag:s8], $0x0  }
0x24: {  	s3 =	sadd.s32 $0x88, s3;
	s6 =	simm.s32 @!p1 $0x1082;
	[sflag:s4] =	ssyncset.s32 $0xFFFFF086  }
0x25: {  	[simem:s6], [sflag:s4] =	dma.local [hbm:s3], $0xF7A  }
0x26: {  	[smem:$0x3F93] =	sst s1;
	(tag) =	ssettag s2;
	_ =	strace s9  }
0x27: {  	s1 =	sld [smem:$0x3FA3]  }
0x28: {  	s2 =	sld [smem:$0x3FA4]  }
0x29: {  	s4 =	sld [smem:$0x3FA6]  }
0x2a: {  	p0 =	seq.s32 s5, $0x0;
	s5 =	sld [smem:$0x3FA7]  }
0x2b: {  	s6 =	sld [smem:$0x3FA8]  }
0x2c: {  	s7 =	sld [smem:$0x3FA9]  }
0x2d: {  	s3 =	simm.s32 $0x108;
	s8 =	sld [smem:$0x3FAA]  }
0x2e: {  	s3 =	simm.s32 @!p0 $0x1082;
	s9 =	sld [smem:$0x3FAB]  }
0x2f: {  	lr =	sadd.s32 s0, s3;
	s0 =	sld [smem:$0x3FA2]  }
0x30: {  	s3 =	sld [smem:$0x3FA5]  }
0x31: {  	[smem:$0x3FAE] =	sst s10  }
0x32: {  	s10 =	sld [smem:$0x3FAC];
	_ =	sdelay $0x3  }
0x33: {  	p0 =	seq.s32 s10, $0x1;
	s10 =	sld [smem:$0x3FAE];
	_ =	sdelay $0x3  }
0x34: {  	[smem:$0x3FAE] =	sst s10  }
0x35: {  	s10 =	sld [smem:$0x3FAD];
	_ =	sdelay $0x3  }
0x36: {  	p1 =	seq.s32 s10, $0x1;
	s10 =	sld [smem:$0x3FAE];
	_ =	sdelay $0x3  }
0x37: {  	[smem:$0x3FAE] =	sst s10  }
0x38: {  	s10 =	sld [smem:$0x3FAF]  }
0x39: {  	_ = 	snop;
	(pc) =	sbr.ind lr, $3  }
0x3a: {  	_ = 	snop  }
0x3b: {  	_ = 	snop  }
0x3c: {  	p2 =	seq.s32 s10, $0x1;
	s10 =	sld [smem:$0x3FAE]  }
0x3d: {  	_ =	shalt  }
0x3e: {  	_ =	shalt  }
0x3f: {  	_ =	shalt  }
0x40: {  	_ =	shalt  }
0x41: {  	_ =	shalt  }
0x42: {  	_ =	shalt  }
0x43: {  	_ =	shalt  }
0x44: {  	_ =	shalt  }
0x45: {  	_ =	shalt  }
0x46: {  	_ =	shalt  }
0x47: {  	_ =	shalt  }
0x48: {  	_ =	shalt  }
0x49: {  	_ =	shalt  }
0x4a: {  	_ =	shalt  }
0x4b: {  	_ =	shalt  }
0x4c: {  	_ =	shalt  }
0x4d: {  	_ =	shalt  }
0x4e: {  	_ =	shalt  }
0x4f: {  	_ =	shalt  }
0x50: {  	_ =	shalt  }
0x51: {  	_ =	shalt  }
0x52: {  	_ =	shalt  }
0x53: {  	_ =	shalt  }
0x54: {  	_ =	shalt  }
0x55: {  	_ =	shalt  }
0x56: {  	_ =	shalt  }
0x57: {  	_ =	shalt  }
0x58: {  	_ =	shalt  }
0x59: {  	_ =	shalt  }
0x5a: {  	_ =	shalt  }
0x5b: {  	_ =	shalt  }
0x5c: {  	_ =	shalt  }
0x5d: {  	_ =	shalt  }
0x5e: {  	_ =	shalt  }
0x5f: {  	_ =	shalt  }
0x60: {  	_ =	shalt  }
0x61: {  	_ =	shalt  }
0x62: {  	_ =	shalt  }
0x63: {  	_ =	shalt  }
0x64: {  	_ =	shalt  }
0x65: {  	_ =	shalt  }
0x66: {  	_ =	shalt  }
0x67: {  	_ =	shalt  }
0x68: {  	_ =	shalt  }
0x69: {  	_ =	shalt  }
0x6a: {  	_ =	shalt  }
0x6b: {  	_ =	shalt  }
0x6c: {  	_ =	shalt  }
0x6d: {  	_ =	shalt  }
0x6e: {  	_ =	shalt  }
0x6f: {  	_ =	shalt  }
0x70: {  	_ =	shalt  }
0x71: {  	_ =	shalt  }
0x72: {  	_ =	shalt  }
0x73: {  	_ =	shalt  }
0x74: {  	_ =	shalt  }
0x75: {  	_ =	shalt  }
0x76: {  	_ =	shalt  }
0x77: {  	_ =	shalt  }
0x78: {  	_ =	shalt  }
0x79: {  	_ =	shalt  }
0x7a: {  	_ =	shalt  }
0x7b: {  	_ =	shalt  }
0x7c: {  	_ =	shalt  }
0x7d: {  	_ =	shalt  }
0x7e: {  	_ =	shalt  }
0x7f: {  	_ =	shalt  }
0x80: {  	_ =	shalt  }
0x81: {  	_ =	shalt  }
0x82: {  	_ =	shalt  }
0x83: {  	_ =	shalt  }
0x84: {  	_ =	shalt  }
0x85: {  	_ =	shalt  }
0x86: {  	_ =	shalt  }
0x87: {  	_ =	shalt  }
.Lfunc_end0:
.L_simem_size_0:
called_computation.4_lowered:
.L_overlay_start_0:
0x88: {  	s2 =	sld [smem:$0x3FD9]  }
0x89: {  	s3 =	sld [smem:$0x3FFE];
	_ =	sdelay $0x1  }
0x8a: {  	s1 =	srdreg.scid  }
0x8b: {  	s0 =	sand.u32 $0x1, s1  }
0x8c: {  	s14 =	sshll.u32 s0, $0xA;
	s2 =	sadd.s32 s3, s2  }
0x8d: {  	s2 =	sadd.s32 s2, s14  }
0x8e: {  	[smem:$0x3FBA] =	sst s2  }
0x8f: {  	_ = 	snop  }
0x90: {  	s2 =	sld [smem:$0x3FD0];
	_ =	sdelay $0x2  }
0x91: {  	s15 =	simm.s32 $0xA;
	s4 =	simm.s32 $0x10  }
0x92: {  	[smem:s4], [sflag:s15] =	dma.local [hbm:s2], $0x1  }
0x93: {  	_ =	swait.eq [sflag:s15], $0x1  }
0x94: {  	[sflag:s15] =	ssyncset.done $0x0  }
0x95: {  	s16 =	sld [smem:$0x10];
	[sflag:s15] =	ssyncadd.s32 $0xFFFFFFFF  }
0x96: {  	s17 =	sld [smem:$0x11];
	(tm) =	ssettm $0x1  }
0x97: {  	s18 =	sld [smem:$0x3FFB];
	_ =	sdelay $0x3  }
0x98: {  	_ =	strace s18  }
0x99: {  	s4 =	sld [smem:$0x3FFC];
	_ =	sdelay $0x3  }
0x9a: {  	_ =	strace s4  }
0x9b: {  	s4 =	sld [smem:$0x3FFD];
	_ =	sdelay $0x3  }
0x9c: {  	_ =	strace s4  }
0x9d: {  	_ =	strace $0x8FFFFFFF  }
0x9e: {  	s19 =	sld [smem:$0x3FDB];
	_ =	sdelay $0x1  }
0x9f: {  	s5 =	simm.s32 $_scs_section_size  }
0xa0: {  	s6 =	simm.s32 $_size__tile_overlayer_lowered;
	s7 =	simm.s32 $_tile_overlayer_lowered  }
0xa1: {  	s22 =	simm.s32 $0x1BFF;
	s21 =	sshll.u32 s7, $0x1;
	s4 =	sadd.s32 s5, s19  }
0xa2: {  	s8 =	simm.s32 $0x0;
	s20 =	sshll.u32 s6, $0x1;
	s6 =	sadd.s32 s21, s4  }
0xa3: {  	[timem:s8], [sflag:s22] =	dma.local [hbm:s6], s20  }
0xa4: {  	_ =	swait.ge [sflag:s22], s20  }
0xa5: {  	s5 =	ssub.s32 $0x0, s20;
	[sflag:s22] =	ssyncset.done $0x0  }
0xa6: {  	[sflag:s22] =	ssyncadd.s32 s5;
	_ =	sdelay $0x1  }
0xa7: {  	s23 =	simm.s32 $0x1B8B  }
0xa8: {  	_ =	swait.ge [sflag:s23], $0x1  }
0xa9: {  	[sflag:s23] =	ssyncset.done $0x0  }
0xaa: {  	s25 =	simm.s32 $0x1B8E;
	s24 =	sld [smem:$0x3FFE];
	[sflag:s23] =	ssyncadd.s32 $0xFFFFFFFF  }
0xab: {  	s26 =	simm.s32 $execute0_lowered;
	[smem:$0x3FD2] =	sst s25  }
0xac: {  	s6 =	sshll.u32 s26, $0x1;
	_ =	strace $0x80000052;
	[dreg:$0x1] =	wrdreg $0xFFFFFFFF  }
0xad: {  	s28 =	simm.s32 $_size_execute0_lowered;
	s4 =	sadd.s32 s4, s6;
	[dreg:$0x0] =	wrdreg $0x0  }
0xae: {  	s6 =	sshll.u32 s28, $0x1;
	[dreg:$0x2] =	wrdreg s4  }
0xaf: {  	[dreg:$0x3] =	wrdreg s6  }
0xb0: {  	[dreg:$0x4] =	wrdreg $0xC0  }
0xb1: {  	_ =	task [dreg:s8], $0x5FFFF  }
0xb2: {  	[dreg:$0x1] =	wrdreg $0xFFFFFFFF  }
0xb3: {  	[dreg:$0x0] =	wrdreg $0x60  }
0xb4: {  	[dreg:$0x2] =	wrdreg s16  }
0xb5: {  	[dreg:$0x3] =	wrdreg s24  }
0xb6: {  	[dreg:$0x4] =	wrdreg s17  }
0xb7: {  	[dreg:$0x5] =	wrdreg $0x9  }
0xb8: {  	_ =	task.clear_ibuf [dreg:s8], $0x6FFFF;
	_ =	strace $0x90000052  }
0xb9: {  	s29 =	simm.s32 $0x9;
	_ =	strace $0x80000054  }
0xba: {  	_ =	swait.ge [sflag:s29], $0x1  }
0xbb: {  	[sflag:s29] =	ssyncadd.s32 $0xFFFFFFFF  }
0xbc: {  	_ =	strace $0x90000054  }
0xbd: {  	_ =	sfence  }
0xbe: {  	s30 =	sld [smem:$0x0];
	_ =	sdelay $0x2  }
0xbf: {  	s31 =	sshll.u32 s1, $0xD;
	s1 =	sshrl.u32 s1, $0x2  }
0xc0: {  	s3 =	sand.u32 $0x4000, s31;
	s1 =	sadd.s32 s1, s30  }
0xc1: {  	s0 =	sor.u32 s3, s0;
	s1 =	sshll.u32 s1, $0x11  }
0xc2: {  	s0 =	sor.u32 s1, s0  }
0xc3: {  	s0 =	sadd.s32 $0x8F2B, s0  }
0xc4: {  	[sflag:s0] =	ssyncadd.remote.s32 $0x1  }
0xc5: {  	_ =	sfence.sel $0xFFFF  }
0xc6: {  	[dreg:$0x0] =	wrdreg $0xFFFFFFFF;
	(pc) =	sbr.abs _section_cstart, $3  }
0xc7: {  	[dreg:$0x1] =	wrdreg $0xFFFFFFFF  }
0xc8: {  	_ =	task.clear_ibuf [dreg:s8], $0x2FFFF;
	_ =	strace $0x9FFFFFFF  }
0xc9: {  	(tm) =	ssettm $0x7FFFFFFF  }
tec
execute0_lowered:
.L_overlay_start_1:
0x0: {  	(tag) =	ssettag $0x1  }
0x1: {  	s1 =	rddreg [dreg:$0x0]  }
0x2: {  	s4 =	rddreg [dreg:$0x1];
	s2 =	srdreg.scid  }
0x3: {  	s0 =	stileid.u32;
	s5 =	rddreg [dreg:$0x2]  }
0x4: {  	s3 =	simm.s32 $0x0;
	s11 =	simm.s32 $0xA0;
	s12 =	simm.s32 $0x28A0  }
0x5: {  	s13 =	simm.s32 $0x1;
	s6 =	sand.u32 $0x1, s2;
	s7 =	smul.u32 $0x4E20, s0  }
0x6: {  	s14 =	simm.s32 $0x2;
	s2 =	rddreg [dreg:$0x3];
	s8 =	smul.u32 $0x2710, s6  }
0x7: {  	s15 =	simm.s32 $0x0;
	[smem:$0x7FF] =	sst s3;
	s29 =	smul.u32 $0x4E200, s0  }
0x8: {  	_ =	strace $0x80000053;
	s9 =	ssub.s32 $0x2, s6;
	s7 =	sadd.s32 s8, s7  }
0x9: {  	s6 =	smul.u32 $0x27100, s6;
	s30 =	sshrl.u32 s9, $0x1;
	s7 =	sshrl.u32 s7, $0x3  }
0xa: {  	s8 =	sadd.s32 s29, s5;
	s10 =	sadd.s32 s7, s4;
	s4 =	sadd.s32 s29, s4  }
0xb: {  	s7 =	ssub.s32 s9, s30;
	s9 =	simm.s32 $0x3;
	s31 =	sadd.s32 s6, s4  }
0xc: {  	s4 =	smax.u32 s7, $0x1;
	s6 =	sadd.s32 s6, s8;
	s7 =	sadd.s32 $0x3C00, s10  }
0xd: {  	s8 =	sadd.s32 $0xDA00, s10;
	s10 =	simm.s32 $0x50;
	s5 =	sadd.s32 $0x17800, s31  }
.LBB2_1:
0xe: {  	s16 =	sadd.s32 $0x0, s8  }
0xf: {  	[tilespmem:s3], [sflag:$0x3] =	stream.linear.gather [hbm4b:s16+s3], $0x50, $0x38;
	[tilespmem:$0x50A0] =	vst v63  }
0x10: {  	_ =	swait.ge [sflag:s9], $0x50  }
0x11: {  	[sflag:s9] =	ssyncset.done $0x0  }
0x12: {  	s31 =	sadd.s32 $0x0, s7;
	[sflag:s9] =	ssyncadd.s32 $0xFFFFFFB0  }
0x13: {  	[tilespmem:s10], [sflag:$0x3] =	stream.linear.gather [hbm4b:s31+s3], $0x50, $0x38;
	[tilespmem:$0x50A0] =	vst v63  }
0x14: {  	_ =	swait.ge [sflag:s9], $0x50  }
0x15: {  	[sflag:s9] =	ssyncset.done $0x0  }
0x16: {  	[sflag:s9] =	ssyncadd.s32 $0xFFFFFFB0  }
0x17: {  	[tilespmem:s11], [sflag:$0x1] =	stream.indirect.gather [hbm4b:s1+s10], $0x80, s3, s10, $0xb8;
	[tilespmem:$0x50A0] =	vst v63  }
0x18: {  	_ = 	snop  }
0x19: {  	[tilespmem:s12], [sflag:$0x2] =	stream.indirect.gather [hbm4b:s1+s10], $0x80, s10, s10, $0xb8;
	[tilespmem:$0x50A0] =	vst v63  }
0x1a: {  	_ =	swait.ge [sflag:s13], $0x2800  }
0x1b: {  	[sflag:s13] =	ssyncset.done $0x0  }
0x1c: {  	[sflag:s13] =	ssyncadd.s32 $0xFFFFD800  }
0x1d: {  	_ =	swait.ge [sflag:s14], $0x2800  }
0x1e: {  	[sflag:s14] =	ssyncset.done $0x0  }
0x1f: {  	[sflag:s14] =	ssyncadd.s32 $0xFFFFD800  }
0x20: {  	[hbm4b:s6+s3] =	stream.linear.scatter [tilespmem:s11], [sflag:$0x3], $0x2800, $0x38;
	[tilespmem:$0x50A0] =	vst v63  }
0x21: {  	_ =	swait.ge [sflag:s9], $0x2800  }
0x22: {  	[sflag:s9] =	ssyncset.done $0x0  }
0x23: {  	[sflag:s9] =	ssyncadd.s32 $0xFFFFD800  }
0x24: {  	[hbm4b:s5+s3] =	stream.linear.scatter [tilespmem:s12], [sflag:$0x3], $0x2800, $0x38;
	[tilespmem:$0x50A0] =	vst v63  }
0x25: {  	s18 =	simm.s32 $0xA;
	s19 =	simm.s32 $0x14;
	_ =	swait.ge [sflag:s9], $0x2800  }
0x26: {  	s17 =	sadd.s32 $0x500, s6;
	s16 =	sadd.s32 $0x500, s5;
	[sflag:s9] =	ssyncset.done $0x0  }
.LBB2_2:
0x27: {  	s20 =	sadd.s32 s18, s8  }
0x28: {  	[sflag:s9] =	ssyncadd.s32 $0xFFFFD800;
	s21 =	smov.u32 s19;
	s22 =	sadd.s32 $0xA, s19  }
0x29: {  	[tilespmem:s3], [sflag:$0x3] =	stream.linear.gather [hbm4b:s20+s3], $0x50, $0x38;
	[tilespmem:$0x50A0] =	vst v63  }
0x2a: {  	p0 =	sne.s32 s19, $0x4D8;
	_ =	swait.ge [sflag:s9], $0x50  }
0x2b: {  	[sflag:s9] =	ssyncset.done $0x0  }
0x2c: {  	s19 =	sadd.s32 s18, s7;
	s18 =	smov.u32 s21;
	[sflag:s9] =	ssyncadd.s32 $0xFFFFFFB0  }
0x2d: {  	[tilespmem:s10], [sflag:$0x3] =	stream.linear.gather [hbm4b:s19+s3], $0x50, $0x38;
	[tilespmem:$0x50A0] =	vst v63  }
0x2e: {  	_ =	swait.ge [sflag:s9], $0x50  }
0x2f: {  	[sflag:s9] =	ssyncset.done $0x0  }
0x30: {  	[sflag:s9] =	ssyncadd.s32 $0xFFFFFFB0  }
0x31: {  	[tilespmem:s11], [sflag:$0x1] =	stream.indirect.gather [hbm4b:s1+s10], $0x80, s3, s10, $0xb8;
	[tilespmem:$0x50A0] =	vst v63  }
0x32: {  	_ = 	snop  }
0x33: {  	[tilespmem:s12], [sflag:$0x2] =	stream.indirect.gather [hbm4b:s1+s10], $0x80, s10, s10, $0xb8;
	[tilespmem:$0x50A0] =	vst v63  }
0x34: {  	_ =	swait.ge [sflag:s13], $0x2800  }
0x35: {  	[sflag:s13] =	ssyncset.done $0x0  }
0x36: {  	[sflag:s13] =	ssyncadd.s32 $0xFFFFD800  }
0x37: {  	_ =	swait.ge [sflag:s14], $0x2800  }
0x38: {  	[sflag:s14] =	ssyncset.done $0x0  }
0x39: {  	[sflag:s14] =	ssyncadd.s32 $0xFFFFD800  }
0x3a: {  	[hbm4b:s17+s3] =	stream.linear.scatter [tilespmem:s11], [sflag:$0x3], $0x2800, $0x38;
	[tilespmem:$0x50A0] =	vst v63  }
0x3b: {  	_ =	swait.ge [sflag:s9], $0x2800  }
.Ltmp0:
0x3c: {  	[sflag:s9] =	ssyncset.done $0x0;
	(pc) =	sbr.rel @p0 .LBB2_2-.Ltmp0, $4  }
0x3d: {  	[sflag:s9] =	ssyncadd.s32 $0xFFFFD800  }
0x3e: {  	[hbm4b:s16+s3] =	stream.linear.scatter [tilespmem:s12], [sflag:$0x3], $0x2800, $0x38;
	[tilespmem:$0x50A0] =	vst v63  }
0x3f: {  	s19 =	smov.u32 s22;
	_ =	swait.ge [sflag:s9], $0x2800  }
0x40: {  	s17 =	sadd.s32 $0x500, s17;
	s16 =	sadd.s32 $0x500, s16;
	[sflag:s9] =	ssyncset.done $0x0  }
0x41: {  	s19 =	sadd.s32 s18, s8;
	[sflag:s9] =	ssyncadd.s32 $0xFFFFD800  }
0x42: {  	[tilespmem:s3], [sflag:$0x3] =	stream.linear.gather [hbm4b:s19+s3], $0x50, $0x38;
	[tilespmem:$0x50A0] =	vst v63  }
0x43: {  	_ =	swait.ge [sflag:s9], $0x50  }
0x44: {  	[sflag:s9] =	ssyncset.done $0x0  }
0x45: {  	s31 =	sadd.s32 s18, s7;
	[sflag:s9] =	ssyncadd.s32 $0xFFFFFFB0  }
0x46: {  	[tilespmem:s10], [sflag:$0x3] =	stream.linear.gather [hbm4b:s31+s3], $0x50, $0x38;
	[tilespmem:$0x50A0] =	vst v63  }
0x47: {  	_ =	swait.ge [sflag:s9], $0x50  }
0x48: {  	[sflag:s9] =	ssyncset.done $0x0  }
0x49: {  	[sflag:s9] =	ssyncadd.s32 $0xFFFFFFB0  }
0x4a: {  	[tilespmem:s11], [sflag:$0x1] =	stream.indirect.gather [hbm4b:s1+s10], $0x80, s3, s10, $0xb8;
	[tilespmem:$0x50A0] =	vst v63  }
0x4b: {  	_ = 	snop  }
0x4c: {  	[tilespmem:s12], [sflag:$0x2] =	stream.indirect.gather [hbm4b:s1+s10], $0x80, s10, s10, $0xb8;
	[tilespmem:$0x50A0] =	vst v63  }
0x4d: {  	_ =	swait.ge [sflag:s13], $0x2800  }
0x4e: {  	[sflag:s13] =	ssyncset.done $0x0  }
0x4f: {  	[sflag:s13] =	ssyncadd.s32 $0xFFFFD800  }
0x50: {  	_ =	swait.ge [sflag:s14], $0x2800  }
0x51: {  	[sflag:s14] =	ssyncset.done $0x0  }
0x52: {  	[sflag:s14] =	ssyncadd.s32 $0xFFFFD800  }
0x53: {  	[hbm4b:s17+s3] =	stream.linear.scatter [tilespmem:s11], [sflag:$0x3], $0x2800, $0x38;
	[tilespmem:$0x50A0] =	vst v63  }
0x54: {  	s15 =	sadd.s32 $0x1, s15;
	_ =	swait.ge [sflag:s9], $0x2800  }
0x55: {  	p0 =	sne.s32 s15, s4;
	[sflag:s9] =	ssyncset.done $0x0  }
.Ltmp1:
0x56: {  	[sflag:s9] =	ssyncadd.s32 $0xFFFFD800;
	(pc) =	sbr.rel @p0 .LBB2_1-.Ltmp1, $4  }
0x57: {  	[hbm4b:s16+s3] =	stream.linear.scatter [tilespmem:s12], [sflag:$0x3], $0x2800, $0x38;
	[tilespmem:$0x50A0] =	vst v63  }
0x58: {  	_ =	swait.ge [sflag:s9], $0x2800  }
0x59: {  	[sflag:s9] =	ssyncset.done $0x0  }
0x5a: {  	[sflag:s9] =	ssyncadd.s32 $0xFFFFD800  }
0x5b: {  	_ =	sfence.sel $0x180000  }
0x5c: {  	[bflag:$0x0] =	sbarrier.arrive $0xFFFF  }
0x5d: {  	p0 =	sne.s32 s0, $0x0;
	_ =	strace $0x90000053  }
0x5e: {  	s0 =	sadd.s32 @!p0 $0x100000, s2;
	[bflag:$0x2] =	sbarrier.arrive $0xFFFF  }
0x5f: {  	[sflag:s0] =	ssyncadd.tile.s32 @!p0 $0x1;
	_ =	shalt  }
.Lfunc_end2:
_tile_overlayer_lowered:
.L_overlay_start_2:
0x60: {  	(tag) =	ssettag $0x2  }
0x61: {  	s0 =	rddreg [dreg:$0x0];
	s2 =	stileid.u32  }
0x62: {  	s1 =	rddreg [dreg:$0x1];
	p0 =	sne.s32 s2, $0x0  }
0x63: {  	s3 =	rddreg [dreg:$0x2];
	[bflag:$0x3] =	sbarrier.arrive $0xFFFF;
	s2 =	simm.s32 @!p0 $0x1C03  }
0x64: {  	[timem:s3], [sflag:s2] =	dma.local @!p0 [hbm:s0], s1  }
0x65: {  	s0 =	simm.s32 @!p0 $0x3  }
0x66: {  	_ =	swait.ge @!p0 [sflag:s0], s1  }
0x67: {  	s1 =	ssub.s32 @!p0 $0x0, s1;
	[sflag:s0] =	ssyncset.done @!p0 $0x0  }
0x68: {  	[sflag:s0] =	ssyncadd.s32 @!p0 s1  }
0x69: {  	[bflag:$0x3] =	sbarrier.arrive $0xFFFF  }
0x6a: {  	_ =	shalt  }

</sc_bundles>
